<compile_context>
chip_gen: v7x
topology: tpu7x:2x2x1
jax: 0.10.2.dev20260603
libtpu: 0.0.44.dev20260713+nightly
codegen_flags: <defaults>
</compile_context>

<pallas_src>
import functools

import jax
import jax.numpy as jnp
from jax import lax
from jax.experimental import pallas as pl
from jax.experimental.pallas import tpu as pltpu
from jax.experimental.pallas import tpu_sc as plsc

_L = 16
_NC = 2
_NS = 16


@functools.cache
def _make_detile(r0, r1, V, VP):
    NR = r1 - r0
    body_len = (V // 128) * 128
    tail = V - body_len
    C = body_len // 2
    nfull = NR // 8
    nlast = NR - 8 * nfull
    units = [(g, k) for g in range(nfull + (1 if nlast else 0))
             for k in range(2)]

    def body(in_ref, tails_ref, out_ref, buf, rsem, wsem, tsem):
        tail_cps = []
        if tail:
            for f in range(NR):
                tail_cps.append(pltpu.make_async_copy(
                    tails_ref.at[pl.ds(f * 128, 128)],
                    out_ref.at[pl.ds(f * VP + body_len, 128)], tsem))
        for c in tail_cps:
            c.start()

        def unit_reads(u, g, k):
            if g < nfull:
                return [pltpu.make_async_copy(
                    in_ref.at[pl.ds(r0 + 8 * g, 8), pl.ds(k * C, C)],
                    buf.at[u % 2], rsem[u % 2])]
            return [pltpu.make_async_copy(
                in_ref.at[pl.ds(r0 + 8 * nfull + j, 1), pl.ds(k * C, C)],
                buf.at[u % 2, pl.ds(j, 1), :], rsem[u % 2])
                for j in range(nlast)]

        reads = [unit_reads(u, g, k) for u, (g, k) in enumerate(units)]
        for r in reads[0]:
            r.start()
        pending = {0: [], 1: []}
        for u, (g, k) in enumerate(units):
            if u + 1 < len(units):
                for w in pending[(u + 1) % 2]:
                    w.wait()
                pending[(u + 1) % 2] = []
                for r in reads[u + 1]:
                    r.start()
            for r in reads[u]:
                r.wait()
            nrows = 8 if g < nfull else nlast
            for r in range(nrows):
                w = pltpu.make_async_copy(
                    buf.at[u % 2, r],
                    out_ref.at[pl.ds((8 * g + r) * VP + k * C, C)],
                    wsem[u % 2])
                w.start()
                pending[u % 2].append(w)
        for b in (0, 1):
            for w in pending[b]:
                w.wait()
        for c in tail_cps:
            c.wait()

    return pl.pallas_call(
        body,
        in_specs=[pl.BlockSpec(memory_space=pl.ANY),
                  pl.BlockSpec(memory_space=pl.ANY)],
        out_specs=pl.BlockSpec(memory_space=pl.ANY),
        out_shape=jax.ShapeDtypeStruct((NR * VP,), jnp.float32),
        scratch_shapes=[
            pltpu.VMEM((2, 8, C), jnp.float32),
            [pltpu.SemaphoreType.DMA for _ in range(2)],
            [pltpu.SemaphoreType.DMA for _ in range(2)],
            pltpu.SemaphoreType.DMA,
        ],
    )


@functools.cache
def _make_sc_gather(NF, off_fields, FT, VP, B, final):
    NW = _NC * _NS
    bpw = B // NW
    nsl = bpw // _L
    n = NF * bpw

    mesh = plsc.VectorSubcoreMesh(core_axis_name="c", subcore_axis_name="s")

    scratch = [
        pltpu.VMEM((n,), jnp.int32),
        pltpu.VMEM((n,), jnp.float32),
        pltpu.VMEM((bpw,), jnp.float32),
        pltpu.VMEM((_L,), jnp.float32),
        pltpu.SemaphoreType.DMA,
    ]
    if final:
        scratch.insert(3, pltpu.VMEM((bpw,), jnp.float32))

    @functools.partial(
        pl.kernel,
        mesh=mesh,
        out_type=jax.ShapeDtypeStruct((B,), jnp.float32),
        scratch_types=scratch,
    )
    def k(idx_hbm, table_hbm, bias_hbm, *rest):
        if final:
            (part_hbm, out_hbm, idx_v, gat_v, out_v, part_v, bias_v,
             sem) = rest
        else:
            (out_hbm, idx_v, gat_v, out_v, bias_v, sem) = rest
        wid = lax.axis_index("s") * _NC + lax.axis_index("c")
        base = wid * bpw
        pltpu.sync_copy(bias_hbm, bias_v)
        pltpu.sync_copy(idx_hbm.at[wid, pl.ds(off_fields * bpw, n)], idx_v)
        if final:
            pltpu.sync_copy(part_hbm.at[pl.ds(base, bpw)], part_v)

        def off_body(i, _):
            off = (i // nsl) * VP
            sl = pl.ds(i * _L, _L)
            idx_v[sl] = idx_v[sl] + off
            return 0

        lax.fori_loop(0, NF * nsl, off_body, 0)

        pltpu.async_copy(table_hbm.at[idx_v], gat_v, sem).wait()

        bias_vec = bias_v[...]

        def sum_body(s, _):
            sl = pl.ds(s * _L, _L)
            if final:
                acc = bias_vec + part_v[sl]
                f0 = 0
            else:
                acc = gat_v[sl]
                f0 = 1
            for f in range(f0, NF):
                acc = acc + gat_v[pl.ds(f * bpw + s * _L, _L)]
            if final:
                out_v[sl] = 1.0 / (1.0 + jnp.exp(-acc))
            else:
                out_v[sl] = acc
            return 0

        lax.fori_loop(0, nsl, sum_body, 0)

        pltpu.sync_copy(out_v, out_hbm.at[pl.ds(base, bpw)])

    return k


_F_SPLIT = 20


@jax.jit
def kernel(indices, tables, bias):
    F, V = tables.shape
    B = indices.shape[0]
    NW = _NC * _NS
    bpw = B // NW
    VP = ((V + 127) // 128) * 128
    body_len = (V // 128) * 128
    FA = min(_F_SPLIT, F)
    FB = F - FA

    idx_w = (
        indices.astype(jnp.int32).T.reshape(F, NW, bpw)
        .transpose(1, 0, 2).reshape(NW, F * bpw)
    )
    tails = jnp.pad(tables[:, body_len:], ((0, 0), (0, 128 - (V - body_len)))
                    ).reshape(-1)
    bias16 = jnp.broadcast_to(bias.astype(jnp.float32), (_L,))

    flat_a = _make_detile(0, FA, V, VP)(tables, tails[:FA * 128])
    part = _make_sc_gather(FA, 0, F, VP, B, False)(idx_w, flat_a, bias16)
    if FB:
        flat_b = _make_detile(FA, F, V, VP)(tables, tails[FA * 128:])
        return _make_sc_gather(FB, FA, F, VP, B, True)(
            idx_w, flat_b, bias16, part)
    return jax.nn.sigmoid(part + bias[0])

# --- scband reference (transcript-rebuilt; emitter-appended) ---
"""Pipeline reference for scband-ftrlmodel-41214506172969 (READ-ONLY COPY).

The authoritative reference and input builder live on the scoring server;
editing this copy changes nothing except your own understanding.
"""

import jax, jax.numpy as jnp
import numpy as np

B = 16384
F = 26
V = 1000000


def setup_inputs(seed: int = 0) -> dict:
    key = jax.random.key(seed)
    k1, k2 = jax.random.split(key, 2)
    # int64 indices per spec; jax will use int32 unless x64 enabled, values are in-range either way
    indices = jax.random.randint(k1, (B, F), 0, V)
    # learned params: one scalar weight per id per field (nn.Embedding(vocab, 1) x 26 fields),
    # stacked into a single [F, V] table; bias scalar.
    tables = jax.random.normal(k2, (F, V), dtype=jnp.float32) * 0.01
    bias = jnp.zeros((1,), dtype=jnp.float32)
    return {"indices": indices, "tables": tables, "bias": bias}


def reference(indices, tables, bias):
    # Faithful translation of FTRLModel.forward with 26 sparse features, no dense features.
    # out = bias + sum_f Embedding_f(indices[:, f]).squeeze(-1); sigmoid(out)
    F_, V_ = tables.shape
    flat_table = tables.reshape(-1)
    offsets = (jnp.arange(F_, dtype=indices.dtype) * V_)[None, :]
    flat_idx = indices + offsets  # [B, F]
    gathered = jnp.take(flat_table, flat_idx, axis=0)  # [B, F]
    out = bias[0] + jnp.sum(gathered, axis=1)  # [B]
    return jax.nn.sigmoid(out)

if __name__ == "__main__":
    import jax
    _d = setup_inputs()
    print(jax.jit(kernel)(*tuple(_d.values())))

</pallas_src>

<mosaic_0001>
#map = affine_map<(d0, d1) -> (0, 0)>
#map1 = affine_map<(d0, d1) -> (0)>
module attributes {stable_mosaic.version = 14 : i64} {
  func.func @k(%arg0: i32, %arg1: i32, %arg2: memref<32x13312xi32, #tpu.memory_space<hbm>>, %arg3: memref<20001280xf32, #tpu.memory_space<hbm>>, %arg4: memref<16xf32, #tpu.memory_space<hbm>>, %arg5: memref<16384xf32, #tpu.memory_space<hbm>>, %arg6: memref<10240xi32, #tpu.memory_space<vmem>>, %arg7: memref<10240xf32, #tpu.memory_space<vmem>>, %arg8: memref<512xf32, #tpu.memory_space<vmem>>, %arg9: memref<16xf32, #tpu.memory_space<vmem>>, %arg10: memref<!tpu.dma_semaphore, #tpu.memory_space<semaphore_mem>>) attributes {dimension_semantics = [#tpu.dimension_semantics<core_parallel>, #tpu.dimension_semantics<subcore_parallel>], iteration_bounds = array<i64: 2, 16>, scalar_prefetch = 0 : i64, scratch_operands = 5 : i64, tpu.core_type = #tpu.core_type<sc_vector_subcore>, window_params = [{transform_indices = #map}, {transform_indices = #map1}, {transform_indices = #map1}, {transform_indices = #map1}]} {
    %mul3A = arith.constant 2 : i32
    %mul3A_0 = arith.muli %arg1, %mul3A : i32
    %add3A = arith.addi %mul3A_0, %arg0 : i32
    %mul3A_1 = arith.constant 512 : i32
    %mul3A_2 = arith.muli %add3A, %mul3A_1 : i32
    "tpu.region"() ({
      %run_scoped3A = tpu.sem_alloc : memref<!tpu.dma_semaphore, #tpu.memory_space<semaphore_mem>>
      tpu.enqueue_dma source(%arg4 : memref<16xf32, #tpu.memory_space<hbm>>) target(%arg9 : memref<16xf32, #tpu.memory_space<vmem>>) target_semaphore(%run_scoped3A : memref<!tpu.dma_semaphore, #tpu.memory_space<semaphore_mem>>)
      tpu.wait_dma2 semaphore(%run_scoped3A : memref<!tpu.dma_semaphore, #tpu.memory_space<semaphore_mem>>) src(%arg4 : memref<16xf32, #tpu.memory_space<hbm>>) dst(%arg9 : memref<16xf32, #tpu.memory_space<vmem>>)
      tpu.yield
    }) : () -> ()
    "tpu.region"() ({
      %run_scoped3A = tpu.sem_alloc : memref<!tpu.dma_semaphore, #tpu.memory_space<semaphore_mem>>
      %dma_start3A_20 = arith.constant 0 : i32
      %dma_start3A_21 = tpu.memref_slice %arg2[%add3A, %dma_start3A_20] : memref<32x13312xi32, #tpu.memory_space<hbm>> -> memref<1x10240xi32, #tpu.memory_space<hbm>>
      %dma_start3A_22 = tpu.memref_squeeze %dma_start3A_21 : memref<1x10240xi32, #tpu.memory_space<hbm>> -> memref<10240xi32, #tpu.memory_space<hbm>>
      %dma_start3A_23 = arith.constant 0 : i32
      %dma_start3A_24 = tpu.memref_slice %arg2[%add3A, %dma_start3A_23] : memref<32x13312xi32, #tpu.memory_space<hbm>> -> memref<1x10240xi32, #tpu.memory_space<hbm>>
      %dma_start3A_25 = tpu.memref_squeeze %dma_start3A_24 : memref<1x10240xi32, #tpu.memory_space<hbm>> -> memref<10240xi32, #tpu.memory_space<hbm>>
      tpu.enqueue_dma source(%dma_start3A_25 : memref<10240xi32, #tpu.memory_space<hbm>>) target(%arg6 : memref<10240xi32, #tpu.memory_space<vmem>>) target_semaphore(%run_scoped3A : memref<!tpu.dma_semaphore, #tpu.memory_space<semaphore_mem>>)
      %dma_wait3A_26 = arith.constant 0 : i32
      %dma_wait3A_27 = tpu.memref_slice %arg2[%add3A, %dma_wait3A_26] : memref<32x13312xi32, #tpu.memory_space<hbm>> -> memref<1x10240xi32, #tpu.memory_space<hbm>>
      %dma_wait3A_28 = tpu.memref_squeeze %dma_wait3A_27 : memref<1x10240xi32, #tpu.memory_space<hbm>> -> memref<10240xi32, #tpu.memory_space<hbm>>
      %dma_wait3A_29 = arith.constant 0 : i32
      %dma_wait3A_30 = tpu.memref_slice %arg2[%add3A, %dma_wait3A_29] : memref<32x13312xi32, #tpu.memory_space<hbm>> -> memref<1x10240xi32, #tpu.memory_space<hbm>>
      %dma_wait3A_31 = tpu.memref_squeeze %dma_wait3A_30 : memref<1x10240xi32, #tpu.memory_space<hbm>> -> memref<10240xi32, #tpu.memory_space<hbm>>
      tpu.wait_dma2 semaphore(%run_scoped3A : memref<!tpu.dma_semaphore, #tpu.memory_space<semaphore_mem>>) src(%dma_wait3A_31 : memref<10240xi32, #tpu.memory_space<hbm>>) dst(%arg6 : memref<10240xi32, #tpu.memory_space<vmem>>)
      tpu.yield
    }) : () -> ()
    %scan3A = arith.constant 0 : i32
    %scan3A_3 = arith.constant 0 : i32
    %scan3A_4 = arith.constant 640 : i32
    %scan3A_5 = arith.addi %scan3A_3, %scan3A_4 : i32
    %scan3A_6 = arith.constant 1 : i32
    %scan3A_7 = scf.for %scan3A_20 = %scan3A_3 to %scan3A_5 step %scan3A_6 iter_args(%scan3A_21 = %scan3A) -> (i32)  : i32 {
      %jit3A = arith.constant 32 : i32
      %div3A = arith.divsi %scan3A_20, %jit3A : i32
      %sign3A = arith.constant 0 : i32
      %sign3A_22 = arith.cmpi sgt, %scan3A_20, %sign3A : i32
      %sign3A_23 = arith.extui %sign3A_22 : i1 to i32
      %sign3A_24 = arith.constant 0 : i32
      %sign3A_25 = arith.cmpi slt, %scan3A_20, %sign3A_24 : i32
      %sign3A_26 = arith.extui %sign3A_25 : i1 to i32
      %sign3A_27 = arith.subi %sign3A_23, %sign3A_26 : i32
      %sign3A_28 = arith.constant 0 : i32
      %sign3A_29 = arith.cmpi sgt, %jit3A, %sign3A_28 : i32
      %sign3A_30 = arith.extui %sign3A_29 : i1 to i32
      %sign3A_31 = arith.constant 0 : i32
      %sign3A_32 = arith.cmpi slt, %jit3A, %sign3A_31 : i32
      %sign3A_33 = arith.extui %sign3A_32 : i1 to i32
      %sign3A_34 = arith.subi %sign3A_30, %sign3A_33 : i32
      %ne3A = arith.cmpi ne, %sign3A_27, %sign3A_34 : i32
      %rem3A = arith.remsi %scan3A_20, %jit3A : i32
      %ne3A_35 = arith.constant 0 : i32
      %ne3A_36 = arith.cmpi ne, %rem3A, %ne3A_35 : i32
      %and3A = arith.andi %ne3A, %ne3A_36 : i1
      %sub3A = arith.constant 1 : i32
      %sub3A_37 = arith.subi %div3A, %sub3A : i32
      %select_n3A = arith.select %and3A, %sub3A_37, %div3A : i32
      %mul3A_38 = arith.constant 1000064 : i32
      %mul3A_39 = arith.muli %select_n3A, %mul3A_38 : i32
      %mul3A_40 = arith.constant 16 : i32
      %mul3A_41 = arith.muli %scan3A_20, %mul3A_40 : i32
      %get3A_42 = arith.index_cast %mul3A_41 : i32 to index
      %get3A_43 = tpu.vector_load %arg6[%get3A_42] {strides = array<i32>} : memref<10240xi32, #tpu.memory_space<vmem>>, vector<16xi32>,
      %get3A_44 = vector.shape_cast %get3A_43 : vector<16xi32> to vector<16xi32>
      %add3A_45 = vector.broadcast %mul3A_39 : i32 to vector<16xi32>
      %add3A_46 = arith.addi %get3A_44, %add3A_45 : vector<16xi32>
      %swap3A = arith.index_cast %mul3A_41 : i32 to index
      %swap3A_47 = tpu.vector_load %arg6[%swap3A] {strides = array<i32>} : memref<10240xi32, #tpu.memory_space<vmem>>, vector<16xi32>,
      %swap3A_48 = vector.shape_cast %swap3A_47 : vector<16xi32> to vector<16xi32>
      %swap3A_49 = vector.shape_cast %add3A_46 : vector<16xi32> to vector<16xi32>
      tpu.vector_store %arg6[%swap3A], %swap3A_49 {strides = array<i32>} : memref<10240xi32, #tpu.memory_space<vmem>>, vector<16xi32>,
      %scan3A_50 = arith.constant 0 : i32
      scf.yield %scan3A_50 : i32
    }
    %scan3A_8 = arith.constant 640 : i32
    %dma_start3A = arith.constant 0 : i32
    %dma_start3A_9 = tpu.memref_slice %arg3[%dma_start3A] : memref<20001280xf32, #tpu.memory_space<hbm>> -> memref<20001280xf32, #tpu.memory_space<hbm>>
    tpu.enqueue_indirect_dma source(%dma_start3A_9 : memref<20001280xf32, #tpu.memory_space<hbm>>) target(%arg7 : memref<10240xf32, #tpu.memory_space<vmem>>) offsets(%arg6 : memref<10240xi32, #tpu.memory_space<vmem>>) semaphore(%arg10 : memref<!tpu.dma_semaphore, #tpu.memory_space<semaphore_mem>>)
    %dma_wait3A = arith.constant 0 : i32
    %dma_wait3A_10 = tpu.memref_slice %arg3[%dma_wait3A] : memref<20001280xf32, #tpu.memory_space<hbm>> -> memref<20001280xf32, #tpu.memory_space<hbm>>
    tpu.wait_indirect_dma semaphore(%arg10 : memref<!tpu.dma_semaphore, #tpu.memory_space<semaphore_mem>>) src(%dma_wait3A_10 : memref<20001280xf32, #tpu.memory_space<hbm>>) dst(%arg7 : memref<10240xf32, #tpu.memory_space<vmem>>)
    %get3A = arith.constant 0 : index
    %get3A_11 = tpu.vector_load %arg9[%get3A] {strides = array<i32>} : memref<16xf32, #tpu.memory_space<vmem>>, vector<16xf32>,
    %get3A_12 = vector.shape_cast %get3A_11 : vector<16xf32> to vector<16xf32>
    %scan3A_13 = arith.constant 0 : i32
    %scan3A_14 = arith.constant 0 : i32
    %scan3A_15 = arith.constant 32 : i32
    %scan3A_16 = arith.addi %scan3A_14, %scan3A_15 : i32
    %scan3A_17 = arith.constant 1 : i32
    %scan3A_18 = scf.for %scan3A_20 = %scan3A_14 to %scan3A_16 step %scan3A_17 iter_args(%scan3A_21 = %scan3A_13) -> (i32)  : i32 {
      %mul3A_22 = arith.constant 16 : i32
      %mul3A_23 = arith.muli %scan3A_20, %mul3A_22 : i32
      %get3A_24 = arith.index_cast %mul3A_23 : i32 to index
      %get3A_25 = tpu.vector_load %arg7[%get3A_24] {strides = array<i32>} : memref<10240xf32, #tpu.memory_space<vmem>>, vector<16xf32>,
      %get3A_26 = vector.shape_cast %get3A_25 : vector<16xf32> to vector<16xf32>
      %mul3A_27 = arith.constant 16 : i32
      %mul3A_28 = arith.muli %scan3A_20, %mul3A_27 : i32
      %add3A_29 = arith.constant 512 : i32
      %add3A_30 = arith.addi %add3A_29, %mul3A_28 : i32
      %get3A_31 = arith.index_cast %add3A_30 : i32 to index
      %get3A_32 = tpu.vector_load %arg7[%get3A_31] {strides = array<i32>} : memref<10240xf32, #tpu.memory_space<vmem>>, vector<16xf32>,
      %get3A_33 = vector.shape_cast %get3A_32 : vector<16xf32> to vector<16xf32>
      %add3A_34 = arith.addf %get3A_26, %get3A_33 : vector<16xf32>
      %mul3A_35 = arith.constant 16 : i32
      %mul3A_36 = arith.muli %scan3A_20, %mul3A_35 : i32
      %add3A_37 = arith.constant 1024 : i32
      %add3A_38 = arith.addi %add3A_37, %mul3A_36 : i32
      %get3A_39 = arith.index_cast %add3A_38 : i32 to index
      %get3A_40 = tpu.vector_load %arg7[%get3A_39] {strides = array<i32>} : memref<10240xf32, #tpu.memory_space<vmem>>, vector<16xf32>,
      %get3A_41 = vector.shape_cast %get3A_40 : vector<16xf32> to vector<16xf32>
      %add3A_42 = arith.addf %add3A_34, %get3A_41 : vector<16xf32>
      %mul3A_43 = arith.constant 16 : i32
      %mul3A_44 = arith.muli %scan3A_20, %mul3A_43 : i32
      %add3A_45 = arith.constant 1536 : i32
      %add3A_46 = arith.addi %add3A_45, %mul3A_44 : i32
      %get3A_47 = arith.index_cast %add3A_46 : i32 to index
      %get3A_48 = tpu.vector_load %arg7[%get3A_47] {strides = array<i32>} : memref<10240xf32, #tpu.memory_space<vmem>>, vector<16xf32>,
      %get3A_49 = vector.shape_cast %get3A_48 : vector<16xf32> to vector<16xf32>
      %add3A_50 = arith.addf %add3A_42, %get3A_49 : vector<16xf32>
      %mul3A_51 = arith.constant 16 : i32
      %mul3A_52 = arith.muli %scan3A_20, %mul3A_51 : i32
      %add3A_53 = arith.constant 2048 : i32
      %add3A_54 = arith.addi %add3A_53, %mul3A_52 : i32
      %get3A_55 = arith.index_cast %add3A_54 : i32 to index
      %get3A_56 = tpu.vector_load %arg7[%get3A_55] {strides = array<i32>} : memref<10240xf32, #tpu.memory_space<vmem>>, vector<16xf32>,
      %get3A_57 = vector.shape_cast %get3A_56 : vector<16xf32> to vector<16xf32>
      %add3A_58 = arith.addf %add3A_50, %get3A_57 : vector<16xf32>
      %mul3A_59 = arith.constant 16 : i32
      %mul3A_60 = arith.muli %scan3A_20, %mul3A_59 : i32
      %add3A_61 = arith.constant 2560 : i32
      %add3A_62 = arith.addi %add3A_61, %mul3A_60 : i32
      %get3A_63 = arith.index_cast %add3A_62 : i32 to index
      %get3A_64 = tpu.vector_load %arg7[%get3A_63] {strides = array<i32>} : memref<10240xf32, #tpu.memory_space<vmem>>, vector<16xf32>,
      %get3A_65 = vector.shape_cast %get3A_64 : vector<16xf32> to vector<16xf32>
      %add3A_66 = arith.addf %add3A_58, %get3A_65 : vector<16xf32>
      %mul3A_67 = arith.constant 16 : i32
      %mul3A_68 = arith.muli %scan3A_20, %mul3A_67 : i32
      %add3A_69 = arith.constant 3072 : i32
      %add3A_70 = arith.addi %add3A_69, %mul3A_68 : i32
      %get3A_71 = arith.index_cast %add3A_70 : i32 to index
      %get3A_72 = tpu.vector_load %arg7[%get3A_71] {strides = array<i32>} : memref<10240xf32, #tpu.memory_space<vmem>>, vector<16xf32>,
      %get3A_73 = vector.shape_cast %get3A_72 : vector<16xf32> to vector<16xf32>
      %add3A_74 = arith.addf %add3A_66, %get3A_73 : vector<16xf32>
      %mul3A_75 = arith.constant 16 : i32
      %mul3A_76 = arith.muli %scan3A_20, %mul3A_75 : i32
      %add3A_77 = arith.constant 3584 : i32
      %add3A_78 = arith.addi %add3A_77, %mul3A_76 : i32
      %get3A_79 = arith.index_cast %add3A_78 : i32 to index
      %get3A_80 = tpu.vector_load %arg7[%get3A_79] {strides = array<i32>} : memref<10240xf32, #tpu.memory_space<vmem>>, vector<16xf32>,
      %get3A_81 = vector.shape_cast %get3A_80 : vector<16xf32> to vector<16xf32>
      %add3A_82 = arith.addf %add3A_74, %get3A_81 : vector<16xf32>
      %mul3A_83 = arith.constant 16 : i32
      %mul3A_84 = arith.muli %scan3A_20, %mul3A_83 : i32
      %add3A_85 = arith.constant 4096 : i32
      %add3A_86 = arith.addi %add3A_85, %mul3A_84 : i32
      %get3A_87 = arith.index_cast %add3A_86 : i32 to index
      %get3A_88 = tpu.vector_load %arg7[%get3A_87] {strides = array<i32>} : memref<10240xf32, #tpu.memory_space<vmem>>, vector<16xf32>,
      %get3A_89 = vector.shape_cast %get3A_88 : vector<16xf32> to vector<16xf32>
      %add3A_90 = arith.addf %add3A_82, %get3A_89 : vector<16xf32>
      %mul3A_91 = arith.constant 16 : i32
      %mul3A_92 = arith.muli %scan3A_20, %mul3A_91 : i32
      %add3A_93 = arith.constant 4608 : i32
      %add3A_94 = arith.addi %add3A_93, %mul3A_92 : i32
      %get3A_95 = arith.index_cast %add3A_94 : i32 to index
      %get3A_96 = tpu.vector_load %arg7[%get3A_95] {strides = array<i32>} : memref<10240xf32, #tpu.memory_space<vmem>>, vector<16xf32>,
      %get3A_97 = vector.shape_cast %get3A_96 : vector<16xf32> to vector<16xf32>
      %add3A_98 = arith.addf %add3A_90, %get3A_97 : vector<16xf32>
      %mul3A_99 = arith.constant 16 : i32
      %mul3A_100 = arith.muli %scan3A_20, %mul3A_99 : i32
      %add3A_101 = arith.constant 5120 : i32
      %add3A_102 = arith.addi %add3A_101, %mul3A_100 : i32
      %get3A_103 = arith.index_cast %add3A_102 : i32 to index
      %get3A_104 = tpu.vector_load %arg7[%get3A_103] {strides = array<i32>} : memref<10240xf32, #tpu.memory_space<vmem>>, vector<16xf32>,
      %get3A_105 = vector.shape_cast %get3A_104 : vector<16xf32> to vector<16xf32>
      %add3A_106 = arith.addf %add3A_98, %get3A_105 : vector<16xf32>
      %mul3A_107 = arith.constant 16 : i32
      %mul3A_108 = arith.muli %scan3A_20, %mul3A_107 : i32
      %add3A_109 = arith.constant 5632 : i32
      %add3A_110 = arith.addi %add3A_109, %mul3A_108 : i32
      %get3A_111 = arith.index_cast %add3A_110 : i32 to index
      %get3A_112 = tpu.vector_load %arg7[%get3A_111] {strides = array<i32>} : memref<10240xf32, #tpu.memory_space<vmem>>, vector<16xf32>,
      %get3A_113 = vector.shape_cast %get3A_112 : vector<16xf32> to vector<16xf32>
      %add3A_114 = arith.addf %add3A_106, %get3A_113 : vector<16xf32>
      %mul3A_115 = arith.constant 16 : i32
      %mul3A_116 = arith.muli %scan3A_20, %mul3A_115 : i32
      %add3A_117 = arith.constant 6144 : i32
      %add3A_118 = arith.addi %add3A_117, %mul3A_116 : i32
      %get3A_119 = arith.index_cast %add3A_118 : i32 to index
      %get3A_120 = tpu.vector_load %arg7[%get3A_119] {strides = array<i32>} : memref<10240xf32, #tpu.memory_space<vmem>>, vector<16xf32>,
      %get3A_121 = vector.shape_cast %get3A_120 : vector<16xf32> to vector<16xf32>
      %add3A_122 = arith.addf %add3A_114, %get3A_121 : vector<16xf32>
      %mul3A_123 = arith.constant 16 : i32
      %mul3A_124 = arith.muli %scan3A_20, %mul3A_123 : i32
      %add3A_125 = arith.constant 6656 : i32
      %add3A_126 = arith.addi %add3A_125, %mul3A_124 : i32
      %get3A_127 = arith.index_cast %add3A_126 : i32 to index
      %get3A_128 = tpu.vector_load %arg7[%get3A_127] {strides = array<i32>} : memref<10240xf32, #tpu.memory_space<vmem>>, vector<16xf32>,
      %get3A_129 = vector.shape_cast %get3A_128 : vector<16xf32> to vector<16xf32>
      %add3A_130 = arith.addf %add3A_122, %get3A_129 : vector<16xf32>
      %mul3A_131 = arith.constant 16 : i32
      %mul3A_132 = arith.muli %scan3A_20, %mul3A_131 : i32
      %add3A_133 = arith.constant 7168 : i32
      %add3A_134 = arith.addi %add3A_133, %mul3A_132 : i32
      %get3A_135 = arith.index_cast %add3A_134 : i32 to index
      %get3A_136 = tpu.vector_load %arg7[%get3A_135] {strides = array<i32>} : memref<10240xf32, #tpu.memory_space<vmem>>, vector<16xf32>,
      %get3A_137 = vector.shape_cast %get3A_136 : vector<16xf32> to vector<16xf32>
      %add3A_138 = arith.addf %add3A_130, %get3A_137 : vector<16xf32>
      %mul3A_139 = arith.constant 16 : i32
      %mul3A_140 = arith.muli %scan3A_20, %mul3A_139 : i32
      %add3A_141 = arith.constant 7680 : i32
      %add3A_142 = arith.addi %add3A_141, %mul3A_140 : i32
      %get3A_143 = arith.index_cast %add3A_142 : i32 to index
      %get3A_144 = tpu.vector_load %arg7[%get3A_143] {strides = array<i32>} : memref<10240xf32, #tpu.memory_space<vmem>>, vector<16xf32>,
      %get3A_145 = vector.shape_cast %get3A_144 : vector<16xf32> to vector<16xf32>
      %add3A_146 = arith.addf %add3A_138, %get3A_145 : vector<16xf32>
      %mul3A_147 = arith.constant 16 : i32
      %mul3A_148 = arith.muli %scan3A_20, %mul3A_147 : i32
      %add3A_149 = arith.constant 8192 : i32
      %add3A_150 = arith.addi %add3A_149, %mul3A_148 : i32
      %get3A_151 = arith.index_cast %add3A_150 : i32 to index
      %get3A_152 = tpu.vector_load %arg7[%get3A_151] {strides = array<i32>} : memref<10240xf32, #tpu.memory_space<vmem>>, vector<16xf32>,
      %get3A_153 = vector.shape_cast %get3A_152 : vector<16xf32> to vector<16xf32>
      %add3A_154 = arith.addf %add3A_146, %get3A_153 : vector<16xf32>
      %mul3A_155 = arith.constant 16 : i32
      %mul3A_156 = arith.muli %scan3A_20, %mul3A_155 : i32
      %add3A_157 = arith.constant 8704 : i32
      %add3A_158 = arith.addi %add3A_157, %mul3A_156 : i32
      %get3A_159 = arith.index_cast %add3A_158 : i32 to index
      %get3A_160 = tpu.vector_load %arg7[%get3A_159] {strides = array<i32>} : memref<10240xf32, #tpu.memory_space<vmem>>, vector<16xf32>,
      %get3A_161 = vector.shape_cast %get3A_160 : vector<16xf32> to vector<16xf32>
      %add3A_162 = arith.addf %add3A_154, %get3A_161 : vector<16xf32>
      %mul3A_163 = arith.constant 16 : i32
      %mul3A_164 = arith.muli %scan3A_20, %mul3A_163 : i32
      %add3A_165 = arith.constant 9216 : i32
      %add3A_166 = arith.addi %add3A_165, %mul3A_164 : i32
      %get3A_167 = arith.index_cast %add3A_166 : i32 to index
      %get3A_168 = tpu.vector_load %arg7[%get3A_167] {strides = array<i32>} : memref<10240xf32, #tpu.memory_space<vmem>>, vector<16xf32>,
      %get3A_169 = vector.shape_cast %get3A_168 : vector<16xf32> to vector<16xf32>
      %add3A_170 = arith.addf %add3A_162, %get3A_169 : vector<16xf32>
      %mul3A_171 = arith.constant 16 : i32
      %mul3A_172 = arith.muli %scan3A_20, %mul3A_171 : i32
      %add3A_173 = arith.constant 9728 : i32
      %add3A_174 = arith.addi %add3A_173, %mul3A_172 : i32
      %get3A_175 = arith.index_cast %add3A_174 : i32 to index
      %get3A_176 = tpu.vector_load %arg7[%get3A_175] {strides = array<i32>} : memref<10240xf32, #tpu.memory_space<vmem>>, vector<16xf32>,
      %get3A_177 = vector.shape_cast %get3A_176 : vector<16xf32> to vector<16xf32>
      %add3A_178 = arith.addf %add3A_170, %get3A_177 : vector<16xf32>
      %swap3A = arith.index_cast %mul3A_23 : i32 to index
      %swap3A_179 = tpu.vector_load %arg8[%swap3A] {strides = array<i32>} : memref<512xf32, #tpu.memory_space<vmem>>, vector<16xf32>,
      %swap3A_180 = vector.shape_cast %swap3A_179 : vector<16xf32> to vector<16xf32>
      %swap3A_181 = vector.shape_cast %add3A_178 : vector<16xf32> to vector<16xf32>
      tpu.vector_store %arg8[%swap3A], %swap3A_181 {strides = array<i32>} : memref<512xf32, #tpu.memory_space<vmem>>, vector<16xf32>,
      %scan3A_182 = arith.constant 0 : i32
      scf.yield %scan3A_182 : i32
    }
    %scan3A_19 = arith.constant 32 : i32
    "tpu.region"() ({
      %run_scoped3A = tpu.sem_alloc : memref<!tpu.dma_semaphore, #tpu.memory_space<semaphore_mem>>
      %dma_start3A_20 = tpu.memref_slice %arg5[%mul3A_2] : memref<16384xf32, #tpu.memory_space<hbm>> -> memref<512xf32, #tpu.memory_space<hbm>>
      %dma_start3A_21 = tpu.memref_slice %arg5[%mul3A_2] : memref<16384xf32, #tpu.memory_space<hbm>> -> memref<512xf32, #tpu.memory_space<hbm>>
      tpu.enqueue_dma source(%arg8 : memref<512xf32, #tpu.memory_space<vmem>>) target(%dma_start3A_21 : memref<512xf32, #tpu.memory_space<hbm>>) target_semaphore(%run_scoped3A : memref<!tpu.dma_semaphore, #tpu.memory_space<semaphore_mem>>)
      %dma_wait3A_22 = tpu.memref_slice %arg5[%mul3A_2] : memref<16384xf32, #tpu.memory_space<hbm>> -> memref<512xf32, #tpu.memory_space<hbm>>
      %dma_wait3A_23 = tpu.memref_slice %arg5[%mul3A_2] : memref<16384xf32, #tpu.memory_space<hbm>> -> memref<512xf32, #tpu.memory_space<hbm>>
      tpu.wait_dma2 semaphore(%run_scoped3A : memref<!tpu.dma_semaphore, #tpu.memory_space<semaphore_mem>>) src(%arg8 : memref<512xf32, #tpu.memory_space<vmem>>) dst(%dma_wait3A_23 : memref<512xf32, #tpu.memory_space<hbm>>)
      tpu.yield
    }) : () -> ()
    return
  }
}

#map = affine_map<(d0, d1) -> (0, 0)>
#map1 = affine_map<(d0, d1) -> (0)>
module attributes {stable_mosaic.version = 14 : i64} {
  func.func @k(%arg0: i32, %arg1: i32, %arg2: memref<32x13312xi32, #tpu.memory_space<hbm>>, %arg3: memref<6000384xf32, #tpu.memory_space<hbm>>, %arg4: memref<16xf32, #tpu.memory_space<hbm>>, %arg5: memref<16384xf32, #tpu.memory_space<hbm>>, %arg6: memref<16384xf32, #tpu.memory_space<hbm>>, %arg7: memref<3072xi32, #tpu.memory_space<vmem>>, %arg8: memref<3072xf32, #tpu.memory_space<vmem>>, %arg9: memref<512xf32, #tpu.memory_space<vmem>>, %arg10: memref<512xf32, #tpu.memory_space<vmem>>, %arg11: memref<16xf32, #tpu.memory_space<vmem>>, %arg12: memref<!tpu.dma_semaphore, #tpu.memory_space<semaphore_mem>>) attributes {dimension_semantics = [#tpu.dimension_semantics<core_parallel>, #tpu.dimension_semantics<subcore_parallel>], iteration_bounds = array<i64: 2, 16>, scalar_prefetch = 0 : i64, scratch_operands = 6 : i64, tpu.core_type = #tpu.core_type<sc_vector_subcore>, window_params = [{transform_indices = #map}, {transform_indices = #map1}, {transform_indices = #map1}, {transform_indices = #map1}, {transform_indices = #map1}]} {
    %mul3A = arith.constant 2 : i32
    %mul3A_0 = arith.muli %arg1, %mul3A : i32
    %add3A = arith.addi %mul3A_0, %arg0 : i32
    %mul3A_1 = arith.constant 512 : i32
    %mul3A_2 = arith.muli %add3A, %mul3A_1 : i32
    "tpu.region"() ({
      %run_scoped3A = tpu.sem_alloc : memref<!tpu.dma_semaphore, #tpu.memory_space<semaphore_mem>>
      tpu.enqueue_dma source(%arg4 : memref<16xf32, #tpu.memory_space<hbm>>) target(%arg11 : memref<16xf32, #tpu.memory_space<vmem>>) target_semaphore(%run_scoped3A : memref<!tpu.dma_semaphore, #tpu.memory_space<semaphore_mem>>)
      tpu.wait_dma2 semaphore(%run_scoped3A : memref<!tpu.dma_semaphore, #tpu.memory_space<semaphore_mem>>) src(%arg4 : memref<16xf32, #tpu.memory_space<hbm>>) dst(%arg11 : memref<16xf32, #tpu.memory_space<vmem>>)
      tpu.yield
    }) : () -> ()
    "tpu.region"() ({
      %run_scoped3A = tpu.sem_alloc : memref<!tpu.dma_semaphore, #tpu.memory_space<semaphore_mem>>
      %dma_start3A_20 = arith.constant 10240 : i32
      %dma_start3A_21 = tpu.memref_slice %arg2[%add3A, %dma_start3A_20] : memref<32x13312xi32, #tpu.memory_space<hbm>> -> memref<1x3072xi32, #tpu.memory_space<hbm>>
      %dma_start3A_22 = tpu.memref_squeeze %dma_start3A_21 : memref<1x3072xi32, #tpu.memory_space<hbm>> -> memref<3072xi32, #tpu.memory_space<hbm>>
      %dma_start3A_23 = arith.constant 10240 : i32
      %dma_start3A_24 = tpu.memref_slice %arg2[%add3A, %dma_start3A_23] : memref<32x13312xi32, #tpu.memory_space<hbm>> -> memref<1x3072xi32, #tpu.memory_space<hbm>>
      %dma_start3A_25 = tpu.memref_squeeze %dma_start3A_24 : memref<1x3072xi32, #tpu.memory_space<hbm>> -> memref<3072xi32, #tpu.memory_space<hbm>>
      tpu.enqueue_dma source(%dma_start3A_25 : memref<3072xi32, #tpu.memory_space<hbm>>) target(%arg7 : memref<3072xi32, #tpu.memory_space<vmem>>) target_semaphore(%run_scoped3A : memref<!tpu.dma_semaphore, #tpu.memory_space<semaphore_mem>>)
      %dma_wait3A_26 = arith.constant 10240 : i32
      %dma_wait3A_27 = tpu.memref_slice %arg2[%add3A, %dma_wait3A_26] : memref<32x13312xi32, #tpu.memory_space<hbm>> -> memref<1x3072xi32, #tpu.memory_space<hbm>>
      %dma_wait3A_28 = tpu.memref_squeeze %dma_wait3A_27 : memref<1x3072xi32, #tpu.memory_space<hbm>> -> memref<3072xi32, #tpu.memory_space<hbm>>
      %dma_wait3A_29 = arith.constant 10240 : i32
      %dma_wait3A_30 = tpu.memref_slice %arg2[%add3A, %dma_wait3A_29] : memref<32x13312xi32, #tpu.memory_space<hbm>> -> memref<1x3072xi32, #tpu.memory_space<hbm>>
      %dma_wait3A_31 = tpu.memref_squeeze %dma_wait3A_30 : memref<1x3072xi32, #tpu.memory_space<hbm>> -> memref<3072xi32, #tpu.memory_space<hbm>>
      tpu.wait_dma2 semaphore(%run_scoped3A : memref<!tpu.dma_semaphore, #tpu.memory_space<semaphore_mem>>) src(%dma_wait3A_31 : memref<3072xi32, #tpu.memory_space<hbm>>) dst(%arg7 : memref<3072xi32, #tpu.memory_space<vmem>>)
      tpu.yield
    }) : () -> ()
    "tpu.region"() ({
      %run_scoped3A = tpu.sem_alloc : memref<!tpu.dma_semaphore, #tpu.memory_space<semaphore_mem>>
      %dma_start3A_20 = tpu.memref_slice %arg5[%mul3A_2] : memref<16384xf32, #tpu.memory_space<hbm>> -> memref<512xf32, #tpu.memory_space<hbm>>
      %dma_start3A_21 = tpu.memref_slice %arg5[%mul3A_2] : memref<16384xf32, #tpu.memory_space<hbm>> -> memref<512xf32, #tpu.memory_space<hbm>>
      tpu.enqueue_dma source(%dma_start3A_21 : memref<512xf32, #tpu.memory_space<hbm>>) target(%arg10 : memref<512xf32, #tpu.memory_space<vmem>>) target_semaphore(%run_scoped3A : memref<!tpu.dma_semaphore, #tpu.memory_space<semaphore_mem>>)
      %dma_wait3A_22 = tpu.memref_slice %arg5[%mul3A_2] : memref<16384xf32, #tpu.memory_space<hbm>> -> memref<512xf32, #tpu.memory_space<hbm>>
      %dma_wait3A_23 = tpu.memref_slice %arg5[%mul3A_2] : memref<16384xf32, #tpu.memory_space<hbm>> -> memref<512xf32, #tpu.memory_space<hbm>>
      tpu.wait_dma2 semaphore(%run_scoped3A : memref<!tpu.dma_semaphore, #tpu.memory_space<semaphore_mem>>) src(%dma_wait3A_23 : memref<512xf32, #tpu.memory_space<hbm>>) dst(%arg10 : memref<512xf32, #tpu.memory_space<vmem>>)
      tpu.yield
    }) : () -> ()
    %scan3A = arith.constant 0 : i32
    %scan3A_3 = arith.constant 0 : i32
    %scan3A_4 = arith.constant 192 : i32
    %scan3A_5 = arith.addi %scan3A_3, %scan3A_4 : i32
    %scan3A_6 = arith.constant 1 : i32
    %scan3A_7 = scf.for %scan3A_20 = %scan3A_3 to %scan3A_5 step %scan3A_6 iter_args(%scan3A_21 = %scan3A) -> (i32)  : i32 {
      %jit3A = arith.constant 32 : i32
      %div3A = arith.divsi %scan3A_20, %jit3A : i32
      %sign3A = arith.constant 0 : i32
      %sign3A_22 = arith.cmpi sgt, %scan3A_20, %sign3A : i32
      %sign3A_23 = arith.extui %sign3A_22 : i1 to i32
      %sign3A_24 = arith.constant 0 : i32
      %sign3A_25 = arith.cmpi slt, %scan3A_20, %sign3A_24 : i32
      %sign3A_26 = arith.extui %sign3A_25 : i1 to i32
      %sign3A_27 = arith.subi %sign3A_23, %sign3A_26 : i32
      %sign3A_28 = arith.constant 0 : i32
      %sign3A_29 = arith.cmpi sgt, %jit3A, %sign3A_28 : i32
      %sign3A_30 = arith.extui %sign3A_29 : i1 to i32
      %sign3A_31 = arith.constant 0 : i32
      %sign3A_32 = arith.cmpi slt, %jit3A, %sign3A_31 : i32
      %sign3A_33 = arith.extui %sign3A_32 : i1 to i32
      %sign3A_34 = arith.subi %sign3A_30, %sign3A_33 : i32
      %ne3A = arith.cmpi ne, %sign3A_27, %sign3A_34 : i32
      %rem3A = arith.remsi %scan3A_20, %jit3A : i32
      %ne3A_35 = arith.constant 0 : i32
      %ne3A_36 = arith.cmpi ne, %rem3A, %ne3A_35 : i32
      %and3A = arith.andi %ne3A, %ne3A_36 : i1
      %sub3A = arith.constant 1 : i32
      %sub3A_37 = arith.subi %div3A, %sub3A : i32
      %select_n3A = arith.select %and3A, %sub3A_37, %div3A : i32
      %mul3A_38 = arith.constant 1000064 : i32
      %mul3A_39 = arith.muli %select_n3A, %mul3A_38 : i32
      %mul3A_40 = arith.constant 16 : i32
      %mul3A_41 = arith.muli %scan3A_20, %mul3A_40 : i32
      %get3A_42 = arith.index_cast %mul3A_41 : i32 to index
      %get3A_43 = tpu.vector_load %arg7[%get3A_42] {strides = array<i32>} : memref<3072xi32, #tpu.memory_space<vmem>>, vector<16xi32>,
      %get3A_44 = vector.shape_cast %get3A_43 : vector<16xi32> to vector<16xi32>
      %add3A_45 = vector.broadcast %mul3A_39 : i32 to vector<16xi32>
      %add3A_46 = arith.addi %get3A_44, %add3A_45 : vector<16xi32>
      %swap3A = arith.index_cast %mul3A_41 : i32 to index
      %swap3A_47 = tpu.vector_load %arg7[%swap3A] {strides = array<i32>} : memref<3072xi32, #tpu.memory_space<vmem>>, vector<16xi32>,
      %swap3A_48 = vector.shape_cast %swap3A_47 : vector<16xi32> to vector<16xi32>
      %swap3A_49 = vector.shape_cast %add3A_46 : vector<16xi32> to vector<16xi32>
      tpu.vector_store %arg7[%swap3A], %swap3A_49 {strides = array<i32>} : memref<3072xi32, #tpu.memory_space<vmem>>, vector<16xi32>,
      %scan3A_50 = arith.constant 0 : i32
      scf.yield %scan3A_50 : i32
    }
    %scan3A_8 = arith.constant 192 : i32
    %dma_start3A = arith.constant 0 : i32
    %dma_start3A_9 = tpu.memref_slice %arg3[%dma_start3A] : memref<6000384xf32, #tpu.memory_space<hbm>> -> memref<6000384xf32, #tpu.memory_space<hbm>>
    tpu.enqueue_indirect_dma source(%dma_start3A_9 : memref<6000384xf32, #tpu.memory_space<hbm>>) target(%arg8 : memref<3072xf32, #tpu.memory_space<vmem>>) offsets(%arg7 : memref<3072xi32, #tpu.memory_space<vmem>>) semaphore(%arg12 : memref<!tpu.dma_semaphore, #tpu.memory_space<semaphore_mem>>)
    %dma_wait3A = arith.constant 0 : i32
    %dma_wait3A_10 = tpu.memref_slice %arg3[%dma_wait3A] : memref<6000384xf32, #tpu.memory_space<hbm>> -> memref<6000384xf32, #tpu.memory_space<hbm>>
    tpu.wait_indirect_dma semaphore(%arg12 : memref<!tpu.dma_semaphore, #tpu.memory_space<semaphore_mem>>) src(%dma_wait3A_10 : memref<6000384xf32, #tpu.memory_space<hbm>>) dst(%arg8 : memref<3072xf32, #tpu.memory_space<vmem>>)
    %get3A = arith.constant 0 : index
    %get3A_11 = tpu.vector_load %arg11[%get3A] {strides = array<i32>} : memref<16xf32, #tpu.memory_space<vmem>>, vector<16xf32>,
    %get3A_12 = vector.shape_cast %get3A_11 : vector<16xf32> to vector<16xf32>
    %scan3A_13 = arith.constant 0 : i32
    %scan3A_14 = arith.constant 0 : i32
    %scan3A_15 = arith.constant 32 : i32
    %scan3A_16 = arith.addi %scan3A_14, %scan3A_15 : i32
    %scan3A_17 = arith.constant 1 : i32
    %scan3A_18 = scf.for %scan3A_20 = %scan3A_14 to %scan3A_16 step %scan3A_17 iter_args(%scan3A_21 = %scan3A_13) -> (i32)  : i32 {
      %mul3A_22 = arith.constant 16 : i32
      %mul3A_23 = arith.muli %scan3A_20, %mul3A_22 : i32
      %get3A_24 = arith.index_cast %mul3A_23 : i32 to index
      %get3A_25 = tpu.vector_load %arg10[%get3A_24] {strides = array<i32>} : memref<512xf32, #tpu.memory_space<vmem>>, vector<16xf32>,
      %get3A_26 = vector.shape_cast %get3A_25 : vector<16xf32> to vector<16xf32>
      %add3A_27 = arith.addf %get3A_12, %get3A_26 : vector<16xf32>
      %mul3A_28 = arith.constant 16 : i32
      %mul3A_29 = arith.muli %scan3A_20, %mul3A_28 : i32
      %add3A_30 = arith.constant 0 : i32
      %add3A_31 = arith.addi %add3A_30, %mul3A_29 : i32
      %get3A_32 = arith.index_cast %add3A_31 : i32 to index
      %get3A_33 = tpu.vector_load %arg8[%get3A_32] {strides = array<i32>} : memref<3072xf32, #tpu.memory_space<vmem>>, vector<16xf32>,
      %get3A_34 = vector.shape_cast %get3A_33 : vector<16xf32> to vector<16xf32>
      %add3A_35 = arith.addf %add3A_27, %get3A_34 : vector<16xf32>
      %mul3A_36 = arith.constant 16 : i32
      %mul3A_37 = arith.muli %scan3A_20, %mul3A_36 : i32
      %add3A_38 = arith.constant 512 : i32
      %add3A_39 = arith.addi %add3A_38, %mul3A_37 : i32
      %get3A_40 = arith.index_cast %add3A_39 : i32 to index
      %get3A_41 = tpu.vector_load %arg8[%get3A_40] {strides = array<i32>} : memref<3072xf32, #tpu.memory_space<vmem>>, vector<16xf32>,
      %get3A_42 = vector.shape_cast %get3A_41 : vector<16xf32> to vector<16xf32>
      %add3A_43 = arith.addf %add3A_35, %get3A_42 : vector<16xf32>
      %mul3A_44 = arith.constant 16 : i32
      %mul3A_45 = arith.muli %scan3A_20, %mul3A_44 : i32
      %add3A_46 = arith.constant 1024 : i32
      %add3A_47 = arith.addi %add3A_46, %mul3A_45 : i32
      %get3A_48 = arith.index_cast %add3A_47 : i32 to index
      %get3A_49 = tpu.vector_load %arg8[%get3A_48] {strides = array<i32>} : memref<3072xf32, #tpu.memory_space<vmem>>, vector<16xf32>,
      %get3A_50 = vector.shape_cast %get3A_49 : vector<16xf32> to vector<16xf32>
      %add3A_51 = arith.addf %add3A_43, %get3A_50 : vector<16xf32>
      %mul3A_52 = arith.constant 16 : i32
      %mul3A_53 = arith.muli %scan3A_20, %mul3A_52 : i32
      %add3A_54 = arith.constant 1536 : i32
      %add3A_55 = arith.addi %add3A_54, %mul3A_53 : i32
      %get3A_56 = arith.index_cast %add3A_55 : i32 to index
      %get3A_57 = tpu.vector_load %arg8[%get3A_56] {strides = array<i32>} : memref<3072xf32, #tpu.memory_space<vmem>>, vector<16xf32>,
      %get3A_58 = vector.shape_cast %get3A_57 : vector<16xf32> to vector<16xf32>
      %add3A_59 = arith.addf %add3A_51, %get3A_58 : vector<16xf32>
      %mul3A_60 = arith.constant 16 : i32
      %mul3A_61 = arith.muli %scan3A_20, %mul3A_60 : i32
      %add3A_62 = arith.constant 2048 : i32
      %add3A_63 = arith.addi %add3A_62, %mul3A_61 : i32
      %get3A_64 = arith.index_cast %add3A_63 : i32 to index
      %get3A_65 = tpu.vector_load %arg8[%get3A_64] {strides = array<i32>} : memref<3072xf32, #tpu.memory_space<vmem>>, vector<16xf32>,
      %get3A_66 = vector.shape_cast %get3A_65 : vector<16xf32> to vector<16xf32>
      %add3A_67 = arith.addf %add3A_59, %get3A_66 : vector<16xf32>
      %mul3A_68 = arith.constant 16 : i32
      %mul3A_69 = arith.muli %scan3A_20, %mul3A_68 : i32
      %add3A_70 = arith.constant 2560 : i32
      %add3A_71 = arith.addi %add3A_70, %mul3A_69 : i32
      %get3A_72 = arith.index_cast %add3A_71 : i32 to index
      %get3A_73 = tpu.vector_load %arg8[%get3A_72] {strides = array<i32>} : memref<3072xf32, #tpu.memory_space<vmem>>, vector<16xf32>,
      %get3A_74 = vector.shape_cast %get3A_73 : vector<16xf32> to vector<16xf32>
      %add3A_75 = arith.addf %add3A_67, %get3A_74 : vector<16xf32>
      %neg3A = arith.constant 0.000000e+00 : f32
      %neg3A_76 = vector.broadcast %neg3A : f32 to vector<16xf32>
      %neg3A_77 = arith.subf %neg3A_76, %add3A_75 : vector<16xf32>
      %exp3A = math.exp %neg3A_77 : vector<16xf32>
      %add3A_78 = arith.constant 1.000000e+00 : f32
      %add3A_79 = vector.broadcast %add3A_78 : f32 to vector<16xf32>
      %add3A_80 = arith.addf %add3A_79, %exp3A : vector<16xf32>
      %div3A = arith.constant 1.000000e+00 : f32
      %div3A_81 = vector.broadcast %div3A : f32 to vector<16xf32>
      %div3A_82 = arith.divf %div3A_81, %add3A_80 : vector<16xf32>
      %swap3A = arith.index_cast %mul3A_23 : i32 to index
      %swap3A_83 = tpu.vector_load %arg9[%swap3A] {strides = array<i32>} : memref<512xf32, #tpu.memory_space<vmem>>, vector<16xf32>,
      %swap3A_84 = vector.shape_cast %swap3A_83 : vector<16xf32> to vector<16xf32>
      %swap3A_85 = vector.shape_cast %div3A_82 : vector<16xf32> to vector<16xf32>
      tpu.vector_store %arg9[%swap3A], %swap3A_85 {strides = array<i32>} : memref<512xf32, #tpu.memory_space<vmem>>, vector<16xf32>,
      %scan3A_86 = arith.constant 0 : i32
      scf.yield %scan3A_86 : i32
    }
    %scan3A_19 = arith.constant 32 : i32
    "tpu.region"() ({
      %run_scoped3A = tpu.sem_alloc : memref<!tpu.dma_semaphore, #tpu.memory_space<semaphore_mem>>
      %dma_start3A_20 = tpu.memref_slice %arg6[%mul3A_2] : memref<16384xf32, #tpu.memory_space<hbm>> -> memref<512xf32, #tpu.memory_space<hbm>>
      %dma_start3A_21 = tpu.memref_slice %arg6[%mul3A_2] : memref<16384xf32, #tpu.memory_space<hbm>> -> memref<512xf32, #tpu.memory_space<hbm>>
      tpu.enqueue_dma source(%arg9 : memref<512xf32, #tpu.memory_space<vmem>>) target(%dma_start3A_21 : memref<512xf32, #tpu.memory_space<hbm>>) target_semaphore(%run_scoped3A : memref<!tpu.dma_semaphore, #tpu.memory_space<semaphore_mem>>)
      %dma_wait3A_22 = tpu.memref_slice %arg6[%mul3A_2] : memref<16384xf32, #tpu.memory_space<hbm>> -> memref<512xf32, #tpu.memory_space<hbm>>
      %dma_wait3A_23 = tpu.memref_slice %arg6[%mul3A_2] : memref<16384xf32, #tpu.memory_space<hbm>> -> memref<512xf32, #tpu.memory_space<hbm>>
      tpu.wait_dma2 semaphore(%run_scoped3A : memref<!tpu.dma_semaphore, #tpu.memory_space<semaphore_mem>>) src(%arg9 : memref<512xf32, #tpu.memory_space<vmem>>) dst(%dma_wait3A_23 : memref<512xf32, #tpu.memory_space<hbm>>)
      tpu.yield
    }) : () -> ()
    return
  }
}

module attributes {stable_mosaic.version = 14 : i64} {
  func.func @body(%arg0: memref<26x1000000xf32, #tpu.memory_space<any>>, %arg1: memref<2560xf32, #tpu.memory_space<any>>, %arg2: memref<20001280xf32, #tpu.memory_space<any>>, %arg3: memref<2x8x499968xf32, #tpu.memory_space<vmem>>, %arg4: memref<!tpu.dma_semaphore, #tpu.memory_space<semaphore_mem>>, %arg5: memref<!tpu.dma_semaphore, #tpu.memory_space<semaphore_mem>>, %arg6: memref<!tpu.dma_semaphore, #tpu.memory_space<semaphore_mem>>, %arg7: memref<!tpu.dma_semaphore, #tpu.memory_space<semaphore_mem>>, %arg8: memref<!tpu.dma_semaphore, #tpu.memory_space<semaphore_mem>>) attributes {dimension_semantics = [], scalar_prefetch = 0 : i64, scratch_operands = 6 : i64, tpu.core_type = #tpu.core_type<tc>} {
    %dma_start3A = arith.constant 999936 : i32
    %dma_start3A_0 = tpu.memref_slice %arg2[%dma_start3A] : memref<20001280xf32, #tpu.memory_space<any>> -> memref<128xf32, #tpu.memory_space<any>>
    %dma_start3A_1 = arith.constant 0 : i32
    %dma_start3A_2 = tpu.memref_slice %arg1[%dma_start3A_1] : memref<2560xf32, #tpu.memory_space<any>> -> memref<128xf32, #tpu.memory_space<any>>
    tpu.enqueue_dma source(%dma_start3A_2 : memref<128xf32, #tpu.memory_space<any>>) target(%dma_start3A_0 : memref<128xf32, #tpu.memory_space<any>>) target_semaphore(%arg8 : memref<!tpu.dma_semaphore, #tpu.memory_space<semaphore_mem>>)
    %dma_start3A_3 = arith.constant 2000000 : i32
    %dma_start3A_4 = tpu.memref_slice %arg2[%dma_start3A_3] : memref<20001280xf32, #tpu.memory_space<any>> -> memref<128xf32, #tpu.memory_space<any>>
    %dma_start3A_5 = arith.constant 128 : i32
    %dma_start3A_6 = tpu.memref_slice %arg1[%dma_start3A_5] : memref<2560xf32, #tpu.memory_space<any>> -> memref<128xf32, #tpu.memory_space<any>>
    tpu.enqueue_dma source(%dma_start3A_6 : memref<128xf32, #tpu.memory_space<any>>) target(%dma_start3A_4 : memref<128xf32, #tpu.memory_space<any>>) target_semaphore(%arg8 : memref<!tpu.dma_semaphore, #tpu.memory_space<semaphore_mem>>)
    %dma_start3A_7 = arith.constant 3000064 : i32
    %dma_start3A_8 = tpu.memref_slice %arg2[%dma_start3A_7] : memref<20001280xf32, #tpu.memory_space<any>> -> memref<128xf32, #tpu.memory_space<any>>
    %dma_start3A_9 = arith.constant 256 : i32
    %dma_start3A_10 = tpu.memref_slice %arg1[%dma_start3A_9] : memref<2560xf32, #tpu.memory_space<any>> -> memref<128xf32, #tpu.memory_space<any>>
    tpu.enqueue_dma source(%dma_start3A_10 : memref<128xf32, #tpu.memory_space<any>>) target(%dma_start3A_8 : memref<128xf32, #tpu.memory_space<any>>) target_semaphore(%arg8 : memref<!tpu.dma_semaphore, #tpu.memory_space<semaphore_mem>>)
    %dma_start3A_11 = arith.constant 4000128 : i32
    %dma_start3A_12 = tpu.memref_slice %arg2[%dma_start3A_11] : memref<20001280xf32, #tpu.memory_space<any>> -> memref<128xf32, #tpu.memory_space<any>>
    %dma_start3A_13 = arith.constant 384 : i32
    %dma_start3A_14 = tpu.memref_slice %arg1[%dma_start3A_13] : memref<2560xf32, #tpu.memory_space<any>> -> memref<128xf32, #tpu.memory_space<any>>
    tpu.enqueue_dma source(%dma_start3A_14 : memref<128xf32, #tpu.memory_space<any>>) target(%dma_start3A_12 : memref<128xf32, #tpu.memory_space<any>>) target_semaphore(%arg8 : memref<!tpu.dma_semaphore, #tpu.memory_space<semaphore_mem>>)
    %dma_start3A_15 = arith.constant 5000192 : i32
    %dma_start3A_16 = tpu.memref_slice %arg2[%dma_start3A_15] : memref<20001280xf32, #tpu.memory_space<any>> -> memref<128xf32, #tpu.memory_space<any>>
    %dma_start3A_17 = arith.constant 512 : i32
    %dma_start3A_18 = tpu.memref_slice %arg1[%dma_start3A_17] : memref<2560xf32, #tpu.memory_space<any>> -> memref<128xf32, #tpu.memory_space<any>>
    tpu.enqueue_dma source(%dma_start3A_18 : memref<128xf32, #tpu.memory_space<any>>) target(%dma_start3A_16 : memref<128xf32, #tpu.memory_space<any>>) target_semaphore(%arg8 : memref<!tpu.dma_semaphore, #tpu.memory_space<semaphore_mem>>)
    %dma_start3A_19 = arith.constant 6000256 : i32
    %dma_start3A_20 = tpu.memref_slice %arg2[%dma_start3A_19] : memref<20001280xf32, #tpu.memory_space<any>> -> memref<128xf32, #tpu.memory_space<any>>
    %dma_start3A_21 = arith.constant 640 : i32
    %dma_start3A_22 = tpu.memref_slice %arg1[%dma_start3A_21] : memref<2560xf32, #tpu.memory_space<any>> -> memref<128xf32, #tpu.memory_space<any>>
    tpu.enqueue_dma source(%dma_start3A_22 : memref<128xf32, #tpu.memory_space<any>>) target(%dma_start3A_20 : memref<128xf32, #tpu.memory_space<any>>) target_semaphore(%arg8 : memref<!tpu.dma_semaphore, #tpu.memory_space<semaphore_mem>>)
    %dma_start3A_23 = arith.constant 7000320 : i32
    %dma_start3A_24 = tpu.memref_slice %arg2[%dma_start3A_23] : memref<20001280xf32, #tpu.memory_space<any>> -> memref<128xf32, #tpu.memory_space<any>>
    %dma_start3A_25 = arith.constant 768 : i32
    %dma_start3A_26 = tpu.memref_slice %arg1[%dma_start3A_25] : memref<2560xf32, #tpu.memory_space<any>> -> memref<128xf32, #tpu.memory_space<any>>
    tpu.enqueue_dma source(%dma_start3A_26 : memref<128xf32, #tpu.memory_space<any>>) target(%dma_start3A_24 : memref<128xf32, #tpu.memory_space<any>>) target_semaphore(%arg8 : memref<!tpu.dma_semaphore, #tpu.memory_space<semaphore_mem>>)
    %dma_start3A_27 = arith.constant 8000384 : i32
    %dma_start3A_28 = tpu.memref_slice %arg2[%dma_start3A_27] : memref<20001280xf32, #tpu.memory_space<any>> -> memref<128xf32, #tpu.memory_space<any>>
    %dma_start3A_29 = arith.constant 896 : i32
    %dma_start3A_30 = tpu.memref_slice %arg1[%dma_start3A_29] : memref<2560xf32, #tpu.memory_space<any>> -> memref<128xf32, #tpu.memory_space<any>>
    tpu.enqueue_dma source(%dma_start3A_30 : memref<128xf32, #tpu.memory_space<any>>) target(%dma_start3A_28 : memref<128xf32, #tpu.memory_space<any>>) target_semaphore(%arg8 : memref<!tpu.dma_semaphore, #tpu.memory_space<semaphore_mem>>)
    %dma_start3A_31 = arith.constant 9000448 : i32
    %dma_start3A_32 = tpu.memref_slice %arg2[%dma_start3A_31] : memref<20001280xf32, #tpu.memory_space<any>> -> memref<128xf32, #tpu.memory_space<any>>
    %dma_start3A_33 = arith.constant 1024 : i32
    %dma_start3A_34 = tpu.memref_slice %arg1[%dma_start3A_33] : memref<2560xf32, #tpu.memory_space<any>> -> memref<128xf32, #tpu.memory_space<any>>
    tpu.enqueue_dma source(%dma_start3A_34 : memref<128xf32, #tpu.memory_space<any>>) target(%dma_start3A_32 : memref<128xf32, #tpu.memory_space<any>>) target_semaphore(%arg8 : memref<!tpu.dma_semaphore, #tpu.memory_space<semaphore_mem>>)
    %dma_start3A_35 = arith.constant 10000512 : i32
    %dma_start3A_36 = tpu.memref_slice %arg2[%dma_start3A_35] : memref<20001280xf32, #tpu.memory_space<any>> -> memref<128xf32, #tpu.memory_space<any>>
    %dma_start3A_37 = arith.constant 1152 : i32
    %dma_start3A_38 = tpu.memref_slice %arg1[%dma_start3A_37] : memref<2560xf32, #tpu.memory_space<any>> -> memref<128xf32, #tpu.memory_space<any>>
    tpu.enqueue_dma source(%dma_start3A_38 : memref<128xf32, #tpu.memory_space<any>>) target(%dma_start3A_36 : memref<128xf32, #tpu.memory_space<any>>) target_semaphore(%arg8 : memref<!tpu.dma_semaphore, #tpu.memory_space<semaphore_mem>>)
    %dma_start3A_39 = arith.constant 11000576 : i32
    %dma_start3A_40 = tpu.memref_slice %arg2[%dma_start3A_39] : memref<20001280xf32, #tpu.memory_space<any>> -> memref<128xf32, #tpu.memory_space<any>>
    %dma_start3A_41 = arith.constant 1280 : i32
    %dma_start3A_42 = tpu.memref_slice %arg1[%dma_start3A_41] : memref<2560xf32, #tpu.memory_space<any>> -> memref<128xf32, #tpu.memory_space<any>>
    tpu.enqueue_dma source(%dma_start3A_42 : memref<128xf32, #tpu.memory_space<any>>) target(%dma_start3A_40 : memref<128xf32, #tpu.memory_space<any>>) target_semaphore(%arg8 : memref<!tpu.dma_semaphore, #tpu.memory_space<semaphore_mem>>)
    %dma_start3A_43 = arith.constant 12000640 : i32
    %dma_start3A_44 = tpu.memref_slice %arg2[%dma_start3A_43] : memref<20001280xf32, #tpu.memory_space<any>> -> memref<128xf32, #tpu.memory_space<any>>
    %dma_start3A_45 = arith.constant 1408 : i32
    %dma_start3A_46 = tpu.memref_slice %arg1[%dma_start3A_45] : memref<2560xf32, #tpu.memory_space<any>> -> memref<128xf32, #tpu.memory_space<any>>
    tpu.enqueue_dma source(%dma_start3A_46 : memref<128xf32, #tpu.memory_space<any>>) target(%dma_start3A_44 : memref<128xf32, #tpu.memory_space<any>>) target_semaphore(%arg8 : memref<!tpu.dma_semaphore, #tpu.memory_space<semaphore_mem>>)
    %dma_start3A_47 = arith.constant 13000704 : i32
    %dma_start3A_48 = tpu.memref_slice %arg2[%dma_start3A_47] : memref<20001280xf32, #tpu.memory_space<any>> -> memref<128xf32, #tpu.memory_space<any>>
    %dma_start3A_49 = arith.constant 1536 : i32
    %dma_start3A_50 = tpu.memref_slice %arg1[%dma_start3A_49] : memref<2560xf32, #tpu.memory_space<any>> -> memref<128xf32, #tpu.memory_space<any>>
    tpu.enqueue_dma source(%dma_start3A_50 : memref<128xf32, #tpu.memory_space<any>>) target(%dma_start3A_48 : memref<128xf32, #tpu.memory_space<any>>) target_semaphore(%arg8 : memref<!tpu.dma_semaphore, #tpu.memory_space<semaphore_mem>>)
    %dma_start3A_51 = arith.constant 14000768 : i32
    %dma_start3A_52 = tpu.memref_slice %arg2[%dma_start3A_51] : memref<20001280xf32, #tpu.memory_space<any>> -> memref<128xf32, #tpu.memory_space<any>>
    %dma_start3A_53 = arith.constant 1664 : i32
    %dma_start3A_54 = tpu.memref_slice %arg1[%dma_start3A_53] : memref<2560xf32, #tpu.memory_space<any>> -> memref<128xf32, #tpu.memory_space<any>>
    tpu.enqueue_dma source(%dma_start3A_54 : memref<128xf32, #tpu.memory_space<any>>) target(%dma_start3A_52 : memref<128xf32, #tpu.memory_space<any>>) target_semaphore(%arg8 : memref<!tpu.dma_semaphore, #tpu.memory_space<semaphore_mem>>)
    %dma_start3A_55 = arith.constant 15000832 : i32
    %dma_start3A_56 = tpu.memref_slice %arg2[%dma_start3A_55] : memref<20001280xf32, #tpu.memory_space<any>> -> memref<128xf32, #tpu.memory_space<any>>
    %dma_start3A_57 = arith.constant 1792 : i32
    %dma_start3A_58 = tpu.memref_slice %arg1[%dma_start3A_57] : memref<2560xf32, #tpu.memory_space<any>> -> memref<128xf32, #tpu.memory_space<any>>
    tpu.enqueue_dma source(%dma_start3A_58 : memref<128xf32, #tpu.memory_space<any>>) target(%dma_start3A_56 : memref<128xf32, #tpu.memory_space<any>>) target_semaphore(%arg8 : memref<!tpu.dma_semaphore, #tpu.memory_space<semaphore_mem>>)
    %dma_start3A_59 = arith.constant 16000896 : i32
    %dma_start3A_60 = tpu.memref_slice %arg2[%dma_start3A_59] : memref<20001280xf32, #tpu.memory_space<any>> -> memref<128xf32, #tpu.memory_space<any>>
    %dma_start3A_61 = arith.constant 1920 : i32
    %dma_start3A_62 = tpu.memref_slice %arg1[%dma_start3A_61] : memref<2560xf32, #tpu.memory_space<any>> -> memref<128xf32, #tpu.memory_space<any>>
    tpu.enqueue_dma source(%dma_start3A_62 : memref<128xf32, #tpu.memory_space<any>>) target(%dma_start3A_60 : memref<128xf32, #tpu.memory_space<any>>) target_semaphore(%arg8 : memref<!tpu.dma_semaphore, #tpu.memory_space<semaphore_mem>>)
    %dma_start3A_63 = arith.constant 17000960 : i32
    %dma_start3A_64 = tpu.memref_slice %arg2[%dma_start3A_63] : memref<20001280xf32, #tpu.memory_space<any>> -> memref<128xf32, #tpu.memory_space<any>>
    %dma_start3A_65 = arith.constant 2048 : i32
    %dma_start3A_66 = tpu.memref_slice %arg1[%dma_start3A_65] : memref<2560xf32, #tpu.memory_space<any>> -> memref<128xf32, #tpu.memory_space<any>>
    tpu.enqueue_dma source(%dma_start3A_66 : memref<128xf32, #tpu.memory_space<any>>) target(%dma_start3A_64 : memref<128xf32, #tpu.memory_space<any>>) target_semaphore(%arg8 : memref<!tpu.dma_semaphore, #tpu.memory_space<semaphore_mem>>)
    %dma_start3A_67 = arith.constant 18001024 : i32
    %dma_start3A_68 = tpu.memref_slice %arg2[%dma_start3A_67] : memref<20001280xf32, #tpu.memory_space<any>> -> memref<128xf32, #tpu.memory_space<any>>
    %dma_start3A_69 = arith.constant 2176 : i32
    %dma_start3A_70 = tpu.memref_slice %arg1[%dma_start3A_69] : memref<2560xf32, #tpu.memory_space<any>> -> memref<128xf32, #tpu.memory_space<any>>
    tpu.enqueue_dma source(%dma_start3A_70 : memref<128xf32, #tpu.memory_space<any>>) target(%dma_start3A_68 : memref<128xf32, #tpu.memory_space<any>>) target_semaphore(%arg8 : memref<!tpu.dma_semaphore, #tpu.memory_space<semaphore_mem>>)
    %dma_start3A_71 = arith.constant 19001088 : i32
    %dma_start3A_72 = tpu.memref_slice %arg2[%dma_start3A_71] : memref<20001280xf32, #tpu.memory_space<any>> -> memref<128xf32, #tpu.memory_space<any>>
    %dma_start3A_73 = arith.constant 2304 : i32
    %dma_start3A_74 = tpu.memref_slice %arg1[%dma_start3A_73] : memref<2560xf32, #tpu.memory_space<any>> -> memref<128xf32, #tpu.memory_space<any>>
    tpu.enqueue_dma source(%dma_start3A_74 : memref<128xf32, #tpu.memory_space<any>>) target(%dma_start3A_72 : memref<128xf32, #tpu.memory_space<any>>) target_semaphore(%arg8 : memref<!tpu.dma_semaphore, #tpu.memory_space<semaphore_mem>>)
    %dma_start3A_75 = arith.constant 20001152 : i32
    %dma_start3A_76 = tpu.memref_slice %arg2[%dma_start3A_75] : memref<20001280xf32, #tpu.memory_space<any>> -> memref<128xf32, #tpu.memory_space<any>>
    %dma_start3A_77 = arith.constant 2432 : i32
    %dma_start3A_78 = tpu.memref_slice %arg1[%dma_start3A_77] : memref<2560xf32, #tpu.memory_space<any>> -> memref<128xf32, #tpu.memory_space<any>>
    tpu.enqueue_dma source(%dma_start3A_78 : memref<128xf32, #tpu.memory_space<any>>) target(%dma_start3A_76 : memref<128xf32, #tpu.memory_space<any>>) target_semaphore(%arg8 : memref<!tpu.dma_semaphore, #tpu.memory_space<semaphore_mem>>)
    %dma_start3A_79 = arith.constant 0 : i32
    %dma_start3A_80 = arith.constant 0 : i32
    %dma_start3A_81 = arith.constant 0 : i32
    %dma_start3A_82 = tpu.memref_slice %arg3[%dma_start3A_79, %dma_start3A_80, %dma_start3A_81] : memref<2x8x499968xf32, #tpu.memory_space<vmem>> -> memref<1x8x499968xf32, #tpu.memory_space<vmem>>
    %dma_start3A_83 = tpu.memref_squeeze %dma_start3A_82 : memref<1x8x499968xf32, #tpu.memory_space<vmem>> -> memref<8x499968xf32, #tpu.memory_space<vmem>>
    %dma_start3A_84 = arith.constant 0 : i32
    %dma_start3A_85 = arith.constant 0 : i32
    %dma_start3A_86 = tpu.memref_slice %arg0[%dma_start3A_84, %dma_start3A_85] : memref<26x1000000xf32, #tpu.memory_space<any>> -> memref<8x499968xf32, #tpu.memory_space<any>>
    tpu.enqueue_dma source(%dma_start3A_86 : memref<8x499968xf32, #tpu.memory_space<any>>) target(%dma_start3A_83 : memref<8x499968xf32, #tpu.memory_space<vmem>>) target_semaphore(%arg4 : memref<!tpu.dma_semaphore, #tpu.memory_space<semaphore_mem>>)
    %dma_start3A_87 = arith.constant 1 : i32
    %dma_start3A_88 = arith.constant 0 : i32
    %dma_start3A_89 = arith.constant 0 : i32
    %dma_start3A_90 = tpu.memref_slice %arg3[%dma_start3A_87, %dma_start3A_88, %dma_start3A_89] : memref<2x8x499968xf32, #tpu.memory_space<vmem>> -> memref<1x8x499968xf32, #tpu.memory_space<vmem>>
    %dma_start3A_91 = tpu.memref_squeeze %dma_start3A_90 : memref<1x8x499968xf32, #tpu.memory_space<vmem>> -> memref<8x499968xf32, #tpu.memory_space<vmem>>
    %dma_start3A_92 = arith.constant 0 : i32
    %dma_start3A_93 = arith.constant 499968 : i32
    %dma_start3A_94 = tpu.memref_slice %arg0[%dma_start3A_92, %dma_start3A_93] : memref<26x1000000xf32, #tpu.memory_space<any>> -> memref<8x499968xf32, #tpu.memory_space<any>>
    tpu.enqueue_dma source(%dma_start3A_94 : memref<8x499968xf32, #tpu.memory_space<any>>) target(%dma_start3A_91 : memref<8x499968xf32, #tpu.memory_space<vmem>>) target_semaphore(%arg5 : memref<!tpu.dma_semaphore, #tpu.memory_space<semaphore_mem>>)
    %dma_wait3A = arith.constant 0 : i32
    %dma_wait3A_95 = arith.constant 0 : i32
    %dma_wait3A_96 = arith.constant 0 : i32
    %dma_wait3A_97 = tpu.memref_slice %arg3[%dma_wait3A, %dma_wait3A_95, %dma_wait3A_96] : memref<2x8x499968xf32, #tpu.memory_space<vmem>> -> memref<1x8x499968xf32, #tpu.memory_space<vmem>>
    %dma_wait3A_98 = tpu.memref_squeeze %dma_wait3A_97 : memref<1x8x499968xf32, #tpu.memory_space<vmem>> -> memref<8x499968xf32, #tpu.memory_space<vmem>>
    %dma_wait3A_99 = arith.constant 0 : i32
    %dma_wait3A_100 = arith.constant 0 : i32
    %dma_wait3A_101 = tpu.memref_slice %arg0[%dma_wait3A_99, %dma_wait3A_100] : memref<26x1000000xf32, #tpu.memory_space<any>> -> memref<8x499968xf32, #tpu.memory_space<any>>
    tpu.wait_dma2 semaphore(%arg4 : memref<!tpu.dma_semaphore, #tpu.memory_space<semaphore_mem>>) src(%dma_wait3A_101 : memref<8x499968xf32, #tpu.memory_space<any>>) dst(%dma_wait3A_98 : memref<8x499968xf32, #tpu.memory_space<vmem>>)
    %dma_start3A_102 = arith.constant 0 : i32
    %dma_start3A_103 = arith.constant 0 : i32
    %dma_start3A_104 = arith.constant 0 : i32
    %dma_start3A_105 = tpu.memref_slice %arg2[%dma_start3A_104] : memref<20001280xf32, #tpu.memory_space<any>> -> memref<499968xf32, #tpu.memory_space<any>>
    %dma_start3A_106 = arith.constant 0 : i32
    %dma_start3A_107 = tpu.memref_slice %arg3[%dma_start3A_102, %dma_start3A_103, %dma_start3A_106] : memref<2x8x499968xf32, #tpu.memory_space<vmem>> -> memref<1x1x499968xf32, #tpu.memory_space<vmem>>
    %dma_start3A_108 = tpu.memref_squeeze %dma_start3A_107 : memref<1x1x499968xf32, #tpu.memory_space<vmem>> -> memref<499968xf32, #tpu.memory_space<vmem>>
    tpu.enqueue_dma source(%dma_start3A_108 : memref<499968xf32, #tpu.memory_space<vmem>>) target(%dma_start3A_105 : memref<499968xf32, #tpu.memory_space<any>>) target_semaphore(%arg6 : memref<!tpu.dma_semaphore, #tpu.memory_space<semaphore_mem>>)
    %dma_start3A_109 = arith.constant 0 : i32
    %dma_start3A_110 = arith.constant 1 : i32
    %dma_start3A_111 = arith.constant 1000064 : i32
    %dma_start3A_112 = tpu.memref_slice %arg2[%dma_start3A_111] : memref<20001280xf32, #tpu.memory_space<any>> -> memref<499968xf32, #tpu.memory_space<any>>
    %dma_start3A_113 = arith.constant 0 : i32
    %dma_start3A_114 = tpu.memref_slice %arg3[%dma_start3A_109, %dma_start3A_110, %dma_start3A_113] : memref<2x8x499968xf32, #tpu.memory_space<vmem>> -> memref<1x1x499968xf32, #tpu.memory_space<vmem>>
    %dma_start3A_115 = tpu.memref_squeeze %dma_start3A_114 : memref<1x1x499968xf32, #tpu.memory_space<vmem>> -> memref<499968xf32, #tpu.memory_space<vmem>>
    tpu.enqueue_dma source(%dma_start3A_115 : memref<499968xf32, #tpu.memory_space<vmem>>) target(%dma_start3A_112 : memref<499968xf32, #tpu.memory_space<any>>) target_semaphore(%arg6 : memref<!tpu.dma_semaphore, #tpu.memory_space<semaphore_mem>>)
    %dma_start3A_116 = arith.constant 0 : i32
    %dma_start3A_117 = arith.constant 2 : i32
    %dma_start3A_118 = arith.constant 2000128 : i32
    %dma_start3A_119 = tpu.memref_slice %arg2[%dma_start3A_118] : memref<20001280xf32, #tpu.memory_space<any>> -> memref<499968xf32, #tpu.memory_space<any>>
    %dma_start3A_120 = arith.constant 0 : i32
    %dma_start3A_121 = tpu.memref_slice %arg3[%dma_start3A_116, %dma_start3A_117, %dma_start3A_120] : memref<2x8x499968xf32, #tpu.memory_space<vmem>> -> memref<1x1x499968xf32, #tpu.memory_space<vmem>>
    %dma_start3A_122 = tpu.memref_squeeze %dma_start3A_121 : memref<1x1x499968xf32, #tpu.memory_space<vmem>> -> memref<499968xf32, #tpu.memory_space<vmem>>
    tpu.enqueue_dma source(%dma_start3A_122 : memref<499968xf32, #tpu.memory_space<vmem>>) target(%dma_start3A_119 : memref<499968xf32, #tpu.memory_space<any>>) target_semaphore(%arg6 : memref<!tpu.dma_semaphore, #tpu.memory_space<semaphore_mem>>)
    %dma_start3A_123 = arith.constant 0 : i32
    %dma_start3A_124 = arith.constant 3 : i32
    %dma_start3A_125 = arith.constant 3000192 : i32
    %dma_start3A_126 = tpu.memref_slice %arg2[%dma_start3A_125] : memref<20001280xf32, #tpu.memory_space<any>> -> memref<499968xf32, #tpu.memory_space<any>>
    %dma_start3A_127 = arith.constant 0 : i32
    %dma_start3A_128 = tpu.memref_slice %arg3[%dma_start3A_123, %dma_start3A_124, %dma_start3A_127] : memref<2x8x499968xf32, #tpu.memory_space<vmem>> -> memref<1x1x499968xf32, #tpu.memory_space<vmem>>
    %dma_start3A_129 = tpu.memref_squeeze %dma_start3A_128 : memref<1x1x499968xf32, #tpu.memory_space<vmem>> -> memref<499968xf32, #tpu.memory_space<vmem>>
    tpu.enqueue_dma source(%dma_start3A_129 : memref<499968xf32, #tpu.memory_space<vmem>>) target(%dma_start3A_126 : memref<499968xf32, #tpu.memory_space<any>>) target_semaphore(%arg6 : memref<!tpu.dma_semaphore, #tpu.memory_space<semaphore_mem>>)
    %dma_start3A_130 = arith.constant 0 : i32
    %dma_start3A_131 = arith.constant 4 : i32
    %dma_start3A_132 = arith.constant 4000256 : i32
    %dma_start3A_133 = tpu.memref_slice %arg2[%dma_start3A_132] : memref<20001280xf32, #tpu.memory_space<any>> -> memref<499968xf32, #tpu.memory_space<any>>
    %dma_start3A_134 = arith.constant 0 : i32
    %dma_start3A_135 = tpu.memref_slice %arg3[%dma_start3A_130, %dma_start3A_131, %dma_start3A_134] : memref<2x8x499968xf32, #tpu.memory_space<vmem>> -> memref<1x1x499968xf32, #tpu.memory_space<vmem>>
    %dma_start3A_136 = tpu.memref_squeeze %dma_start3A_135 : memref<1x1x499968xf32, #tpu.memory_space<vmem>> -> memref<499968xf32, #tpu.memory_space<vmem>>
    tpu.enqueue_dma source(%dma_start3A_136 : memref<499968xf32, #tpu.memory_space<vmem>>) target(%dma_start3A_133 : memref<499968xf32, #tpu.memory_space<any>>) target_semaphore(%arg6 : memref<!tpu.dma_semaphore, #tpu.memory_space<semaphore_mem>>)
    %dma_start3A_137 = arith.constant 0 : i32
    %dma_start3A_138 = arith.constant 5 : i32
    %dma_start3A_139 = arith.constant 5000320 : i32
    %dma_start3A_140 = tpu.memref_slice %arg2[%dma_start3A_139] : memref<20001280xf32, #tpu.memory_space<any>> -> memref<499968xf32, #tpu.memory_space<any>>
    %dma_start3A_141 = arith.constant 0 : i32
    %dma_start3A_142 = tpu.memref_slice %arg3[%dma_start3A_137, %dma_start3A_138, %dma_start3A_141] : memref<2x8x499968xf32, #tpu.memory_space<vmem>> -> memref<1x1x499968xf32, #tpu.memory_space<vmem>>
    %dma_start3A_143 = tpu.memref_squeeze %dma_start3A_142 : memref<1x1x499968xf32, #tpu.memory_space<vmem>> -> memref<499968xf32, #tpu.memory_space<vmem>>
    tpu.enqueue_dma source(%dma_start3A_143 : memref<499968xf32, #tpu.memory_space<vmem>>) target(%dma_start3A_140 : memref<499968xf32, #tpu.memory_space<any>>) target_semaphore(%arg6 : memref<!tpu.dma_semaphore, #tpu.memory_space<semaphore_mem>>)
    %dma_start3A_144 = arith.constant 0 : i32
    %dma_start3A_145 = arith.constant 6 : i32
    %dma_start3A_146 = arith.constant 6000384 : i32
    %dma_start3A_147 = tpu.memref_slice %arg2[%dma_start3A_146] : memref<20001280xf32, #tpu.memory_space<any>> -> memref<499968xf32, #tpu.memory_space<any>>
    %dma_start3A_148 = arith.constant 0 : i32
    %dma_start3A_149 = tpu.memref_slice %arg3[%dma_start3A_144, %dma_start3A_145, %dma_start3A_148] : memref<2x8x499968xf32, #tpu.memory_space<vmem>> -> memref<1x1x499968xf32, #tpu.memory_space<vmem>>
    %dma_start3A_150 = tpu.memref_squeeze %dma_start3A_149 : memref<1x1x499968xf32, #tpu.memory_space<vmem>> -> memref<499968xf32, #tpu.memory_space<vmem>>
    tpu.enqueue_dma source(%dma_start3A_150 : memref<499968xf32, #tpu.memory_space<vmem>>) target(%dma_start3A_147 : memref<499968xf32, #tpu.memory_space<any>>) target_semaphore(%arg6 : memref<!tpu.dma_semaphore, #tpu.memory_space<semaphore_mem>>)
    %dma_start3A_151 = arith.constant 0 : i32
    %dma_start3A_152 = arith.constant 7 : i32
    %dma_start3A_153 = arith.constant 7000448 : i32
    %dma_start3A_154 = tpu.memref_slice %arg2[%dma_start3A_153] : memref<20001280xf32, #tpu.memory_space<any>> -> memref<499968xf32, #tpu.memory_space<any>>
    %dma_start3A_155 = arith.constant 0 : i32
    %dma_start3A_156 = tpu.memref_slice %arg3[%dma_start3A_151, %dma_start3A_152, %dma_start3A_155] : memref<2x8x499968xf32, #tpu.memory_space<vmem>> -> memref<1x1x499968xf32, #tpu.memory_space<vmem>>
    %dma_start3A_157 = tpu.memref_squeeze %dma_start3A_156 : memref<1x1x499968xf32, #tpu.memory_space<vmem>> -> memref<499968xf32, #tpu.memory_space<vmem>>
    tpu.enqueue_dma source(%dma_start3A_157 : memref<499968xf32, #tpu.memory_space<vmem>>) target(%dma_start3A_154 : memref<499968xf32, #tpu.memory_space<any>>) target_semaphore(%arg6 : memref<!tpu.dma_semaphore, #tpu.memory_space<semaphore_mem>>)
    %dma_wait3A_158 = arith.constant 0 : i32
    %dma_wait3A_159 = arith.constant 0 : i32
    %dma_wait3A_160 = arith.constant 0 : i32
    %dma_wait3A_161 = tpu.memref_slice %arg2[%dma_wait3A_160] : memref<20001280xf32, #tpu.memory_space<any>> -> memref<499968xf32, #tpu.memory_space<any>>
    %dma_wait3A_162 = arith.constant 0 : i32
    %dma_wait3A_163 = tpu.memref_slice %arg3[%dma_wait3A_158, %dma_wait3A_159, %dma_wait3A_162] : memref<2x8x499968xf32, #tpu.memory_space<vmem>> -> memref<1x1x499968xf32, #tpu.memory_space<vmem>>
    %dma_wait3A_164 = tpu.memref_squeeze %dma_wait3A_163 : memref<1x1x499968xf32, #tpu.memory_space<vmem>> -> memref<499968xf32, #tpu.memory_space<vmem>>
    tpu.wait_dma2 semaphore(%arg6 : memref<!tpu.dma_semaphore, #tpu.memory_space<semaphore_mem>>) src(%dma_wait3A_164 : memref<499968xf32, #tpu.memory_space<vmem>>) dst(%dma_wait3A_161 : memref<499968xf32, #tpu.memory_space<any>>)
    %dma_wait3A_165 = arith.constant 0 : i32
    %dma_wait3A_166 = arith.constant 1 : i32
    %dma_wait3A_167 = arith.constant 1000064 : i32
    %dma_wait3A_168 = tpu.memref_slice %arg2[%dma_wait3A_167] : memref<20001280xf32, #tpu.memory_space<any>> -> memref<499968xf32, #tpu.memory_space<any>>
    %dma_wait3A_169 = arith.constant 0 : i32
    %dma_wait3A_170 = tpu.memref_slice %arg3[%dma_wait3A_165, %dma_wait3A_166, %dma_wait3A_169] : memref<2x8x499968xf32, #tpu.memory_space<vmem>> -> memref<1x1x499968xf32, #tpu.memory_space<vmem>>
    %dma_wait3A_171 = tpu.memref_squeeze %dma_wait3A_170 : memref<1x1x499968xf32, #tpu.memory_space<vmem>> -> memref<499968xf32, #tpu.memory_space<vmem>>
    tpu.wait_dma2 semaphore(%arg6 : memref<!tpu.dma_semaphore, #tpu.memory_space<semaphore_mem>>) src(%dma_wait3A_171 : memref<499968xf32, #tpu.memory_space<vmem>>) dst(%dma_wait3A_168 : memref<499968xf32, #tpu.memory_space<any>>)
    %dma_wait3A_172 = arith.constant 0 : i32
    %dma_wait3A_173 = arith.constant 2 : i32
    %dma_wait3A_174 = arith.constant 2000128 : i32
    %dma_wait3A_175 = tpu.memref_slice %arg2[%dma_wait3A_174] : memref<20001280xf32, #tpu.memory_space<any>> -> memref<499968xf32, #tpu.memory_space<any>>
    %dma_wait3A_176 = arith.constant 0 : i32
    %dma_wait3A_177 = tpu.memref_slice %arg3[%dma_wait3A_172, %dma_wait3A_173, %dma_wait3A_176] : memref<2x8x499968xf32, #tpu.memory_space<vmem>> -> memref<1x1x499968xf32, #tpu.memory_space<vmem>>
    %dma_wait3A_178 = tpu.memref_squeeze %dma_wait3A_177 : memref<1x1x499968xf32, #tpu.memory_space<vmem>> -> memref<499968xf32, #tpu.memory_space<vmem>>
    tpu.wait_dma2 semaphore(%arg6 : memref<!tpu.dma_semaphore, #tpu.memory_space<semaphore_mem>>) src(%dma_wait3A_178 : memref<499968xf32, #tpu.memory_space<vmem>>) dst(%dma_wait3A_175 : memref<499968xf32, #tpu.memory_space<any>>)
    %dma_wait3A_179 = arith.constant 0 : i32
    %dma_wait3A_180 = arith.constant 3 : i32
    %dma_wait3A_181 = arith.constant 3000192 : i32
    %dma_wait3A_182 = tpu.memref_slice %arg2[%dma_wait3A_181] : memref<20001280xf32, #tpu.memory_space<any>> -> memref<499968xf32, #tpu.memory_space<any>>
    %dma_wait3A_183 = arith.constant 0 : i32
    %dma_wait3A_184 = tpu.memref_slice %arg3[%dma_wait3A_179, %dma_wait3A_180, %dma_wait3A_183] : memref<2x8x499968xf32, #tpu.memory_space<vmem>> -> memref<1x1x499968xf32, #tpu.memory_space<vmem>>
    %dma_wait3A_185 = tpu.memref_squeeze %dma_wait3A_184 : memref<1x1x499968xf32, #tpu.memory_space<vmem>> -> memref<499968xf32, #tpu.memory_space<vmem>>
    tpu.wait_dma2 semaphore(%arg6 : memref<!tpu.dma_semaphore, #tpu.memory_space<semaphore_mem>>) src(%dma_wait3A_185 : memref<499968xf32, #tpu.memory_space<vmem>>) dst(%dma_wait3A_182 : memref<499968xf32, #tpu.memory_space<any>>)
    %dma_wait3A_186 = arith.constant 0 : i32
    %dma_wait3A_187 = arith.constant 4 : i32
    %dma_wait3A_188 = arith.constant 4000256 : i32
    %dma_wait3A_189 = tpu.memref_slice %arg2[%dma_wait3A_188] : memref<20001280xf32, #tpu.memory_space<any>> -> memref<499968xf32, #tpu.memory_space<any>>
    %dma_wait3A_190 = arith.constant 0 : i32
    %dma_wait3A_191 = tpu.memref_slice %arg3[%dma_wait3A_186, %dma_wait3A_187, %dma_wait3A_190] : memref<2x8x499968xf32, #tpu.memory_space<vmem>> -> memref<1x1x499968xf32, #tpu.memory_space<vmem>>
    %dma_wait3A_192 = tpu.memref_squeeze %dma_wait3A_191 : memref<1x1x499968xf32, #tpu.memory_space<vmem>> -> memref<499968xf32, #tpu.memory_space<vmem>>
    tpu.wait_dma2 semaphore(%arg6 : memref<!tpu.dma_semaphore, #tpu.memory_space<semaphore_mem>>) src(%dma_wait3A_192 : memref<499968xf32, #tpu.memory_space<vmem>>) dst(%dma_wait3A_189 : memref<499968xf32, #tpu.memory_space<any>>)
    %dma_wait3A_193 = arith.constant 0 : i32
    %dma_wait3A_194 = arith.constant 5 : i32
    %dma_wait3A_195 = arith.constant 5000320 : i32
    %dma_wait3A_196 = tpu.memref_slice %arg2[%dma_wait3A_195] : memref<20001280xf32, #tpu.memory_space<any>> -> memref<499968xf32, #tpu.memory_space<any>>
    %dma_wait3A_197 = arith.constant 0 : i32
    %dma_wait3A_198 = tpu.memref_slice %arg3[%dma_wait3A_193, %dma_wait3A_194, %dma_wait3A_197] : memref<2x8x499968xf32, #tpu.memory_space<vmem>> -> memref<1x1x499968xf32, #tpu.memory_space<vmem>>
    %dma_wait3A_199 = tpu.memref_squeeze %dma_wait3A_198 : memref<1x1x499968xf32, #tpu.memory_space<vmem>> -> memref<499968xf32, #tpu.memory_space<vmem>>
    tpu.wait_dma2 semaphore(%arg6 : memref<!tpu.dma_semaphore, #tpu.memory_space<semaphore_mem>>) src(%dma_wait3A_199 : memref<499968xf32, #tpu.memory_space<vmem>>) dst(%dma_wait3A_196 : memref<499968xf32, #tpu.memory_space<any>>)
    %dma_wait3A_200 = arith.constant 0 : i32
    %dma_wait3A_201 = arith.constant 6 : i32
    %dma_wait3A_202 = arith.constant 6000384 : i32
    %dma_wait3A_203 = tpu.memref_slice %arg2[%dma_wait3A_202] : memref<20001280xf32, #tpu.memory_space<any>> -> memref<499968xf32, #tpu.memory_space<any>>
    %dma_wait3A_204 = arith.constant 0 : i32
    %dma_wait3A_205 = tpu.memref_slice %arg3[%dma_wait3A_200, %dma_wait3A_201, %dma_wait3A_204] : memref<2x8x499968xf32, #tpu.memory_space<vmem>> -> memref<1x1x499968xf32, #tpu.memory_space<vmem>>
    %dma_wait3A_206 = tpu.memref_squeeze %dma_wait3A_205 : memref<1x1x499968xf32, #tpu.memory_space<vmem>> -> memref<499968xf32, #tpu.memory_space<vmem>>
    tpu.wait_dma2 semaphore(%arg6 : memref<!tpu.dma_semaphore, #tpu.memory_space<semaphore_mem>>) src(%dma_wait3A_206 : memref<499968xf32, #tpu.memory_space<vmem>>) dst(%dma_wait3A_203 : memref<499968xf32, #tpu.memory_space<any>>)
    %dma_wait3A_207 = arith.constant 0 : i32
    %dma_wait3A_208 = arith.constant 7 : i32
    %dma_wait3A_209 = arith.constant 7000448 : i32
    %dma_wait3A_210 = tpu.memref_slice %arg2[%dma_wait3A_209] : memref<20001280xf32, #tpu.memory_space<any>> -> memref<499968xf32, #tpu.memory_space<any>>
    %dma_wait3A_211 = arith.constant 0 : i32
    %dma_wait3A_212 = tpu.memref_slice %arg3[%dma_wait3A_207, %dma_wait3A_208, %dma_wait3A_211] : memref<2x8x499968xf32, #tpu.memory_space<vmem>> -> memref<1x1x499968xf32, #tpu.memory_space<vmem>>
    %dma_wait3A_213 = tpu.memref_squeeze %dma_wait3A_212 : memref<1x1x499968xf32, #tpu.memory_space<vmem>> -> memref<499968xf32, #tpu.memory_space<vmem>>
    tpu.wait_dma2 semaphore(%arg6 : memref<!tpu.dma_semaphore, #tpu.memory_space<semaphore_mem>>) src(%dma_wait3A_213 : memref<499968xf32, #tpu.memory_space<vmem>>) dst(%dma_wait3A_210 : memref<499968xf32, #tpu.memory_space<any>>)
    %dma_start3A_214 = arith.constant 0 : i32
    %dma_start3A_215 = arith.constant 0 : i32
    %dma_start3A_216 = arith.constant 0 : i32
    %dma_start3A_217 = tpu.memref_slice %arg3[%dma_start3A_214, %dma_start3A_215, %dma_start3A_216] : memref<2x8x499968xf32, #tpu.memory_space<vmem>> -> memref<1x8x499968xf32, #tpu.memory_space<vmem>>
    %dma_start3A_218 = tpu.memref_squeeze %dma_start3A_217 : memref<1x8x499968xf32, #tpu.memory_space<vmem>> -> memref<8x499968xf32, #tpu.memory_space<vmem>>
    %dma_start3A_219 = arith.constant 8 : i32
    %dma_start3A_220 = arith.constant 0 : i32
    %dma_start3A_221 = tpu.memref_slice %arg0[%dma_start3A_219, %dma_start3A_220] : memref<26x1000000xf32, #tpu.memory_space<any>> -> memref<8x499968xf32, #tpu.memory_space<any>>
    tpu.enqueue_dma source(%dma_start3A_221 : memref<8x499968xf32, #tpu.memory_space<any>>) target(%dma_start3A_218 : memref<8x499968xf32, #tpu.memory_space<vmem>>) target_semaphore(%arg4 : memref<!tpu.dma_semaphore, #tpu.memory_space<semaphore_mem>>)
    %dma_wait3A_222 = arith.constant 1 : i32
    %dma_wait3A_223 = arith.constant 0 : i32
    %dma_wait3A_224 = arith.constant 0 : i32
    %dma_wait3A_225 = tpu.memref_slice %arg3[%dma_wait3A_222, %dma_wait3A_223, %dma_wait3A_224] : memref<2x8x499968xf32, #tpu.memory_space<vmem>> -> memref<1x8x499968xf32, #tpu.memory_space<vmem>>
    %dma_wait3A_226 = tpu.memref_squeeze %dma_wait3A_225 : memref<1x8x499968xf32, #tpu.memory_space<vmem>> -> memref<8x499968xf32, #tpu.memory_space<vmem>>
    %dma_wait3A_227 = arith.constant 0 : i32
    %dma_wait3A_228 = arith.constant 499968 : i32
    %dma_wait3A_229 = tpu.memref_slice %arg0[%dma_wait3A_227, %dma_wait3A_228] : memref<26x1000000xf32, #tpu.memory_space<any>> -> memref<8x499968xf32, #tpu.memory_space<any>>
    tpu.wait_dma2 semaphore(%arg5 : memref<!tpu.dma_semaphore, #tpu.memory_space<semaphore_mem>>) src(%dma_wait3A_229 : memref<8x499968xf32, #tpu.memory_space<any>>) dst(%dma_wait3A_226 : memref<8x499968xf32, #tpu.memory_space<vmem>>)
    %dma_start3A_230 = arith.constant 1 : i32
    %dma_start3A_231 = arith.constant 0 : i32
    %dma_start3A_232 = arith.constant 499968 : i32
    %dma_start3A_233 = tpu.memref_slice %arg2[%dma_start3A_232] : memref<20001280xf32, #tpu.memory_space<any>> -> memref<499968xf32, #tpu.memory_space<any>>
    %dma_start3A_234 = arith.constant 0 : i32
    %dma_start3A_235 = tpu.memref_slice %arg3[%dma_start3A_230, %dma_start3A_231, %dma_start3A_234] : memref<2x8x499968xf32, #tpu.memory_space<vmem>> -> memref<1x1x499968xf32, #tpu.memory_space<vmem>>
    %dma_start3A_236 = tpu.memref_squeeze %dma_start3A_235 : memref<1x1x499968xf32, #tpu.memory_space<vmem>> -> memref<499968xf32, #tpu.memory_space<vmem>>
    tpu.enqueue_dma source(%dma_start3A_236 : memref<499968xf32, #tpu.memory_space<vmem>>) target(%dma_start3A_233 : memref<499968xf32, #tpu.memory_space<any>>) target_semaphore(%arg7 : memref<!tpu.dma_semaphore, #tpu.memory_space<semaphore_mem>>)
    %dma_start3A_237 = arith.constant 1 : i32
    %dma_start3A_238 = arith.constant 1 : i32
    %dma_start3A_239 = arith.constant 1500032 : i32
    %dma_start3A_240 = tpu.memref_slice %arg2[%dma_start3A_239] : memref<20001280xf32, #tpu.memory_space<any>> -> memref<499968xf32, #tpu.memory_space<any>>
    %dma_start3A_241 = arith.constant 0 : i32
    %dma_start3A_242 = tpu.memref_slice %arg3[%dma_start3A_237, %dma_start3A_238, %dma_start3A_241] : memref<2x8x499968xf32, #tpu.memory_space<vmem>> -> memref<1x1x499968xf32, #tpu.memory_space<vmem>>
    %dma_start3A_243 = tpu.memref_squeeze %dma_start3A_242 : memref<1x1x499968xf32, #tpu.memory_space<vmem>> -> memref<499968xf32, #tpu.memory_space<vmem>>
    tpu.enqueue_dma source(%dma_start3A_243 : memref<499968xf32, #tpu.memory_space<vmem>>) target(%dma_start3A_240 : memref<499968xf32, #tpu.memory_space<any>>) target_semaphore(%arg7 : memref<!tpu.dma_semaphore, #tpu.memory_space<semaphore_mem>>)
    %dma_start3A_244 = arith.constant 1 : i32
    %dma_start3A_245 = arith.constant 2 : i32
    %dma_start3A_246 = arith.constant 2500096 : i32
    %dma_start3A_247 = tpu.memref_slice %arg2[%dma_start3A_246] : memref<20001280xf32, #tpu.memory_space<any>> -> memref<499968xf32, #tpu.memory_space<any>>
    %dma_start3A_248 = arith.constant 0 : i32
    %dma_start3A_249 = tpu.memref_slice %arg3[%dma_start3A_244, %dma_start3A_245, %dma_start3A_248] : memref<2x8x499968xf32, #tpu.memory_space<vmem>> -> memref<1x1x499968xf32, #tpu.memory_space<vmem>>
    %dma_start3A_250 = tpu.memref_squeeze %dma_start3A_249 : memref<1x1x499968xf32, #tpu.memory_space<vmem>> -> memref<499968xf32, #tpu.memory_space<vmem>>
    tpu.enqueue_dma source(%dma_start3A_250 : memref<499968xf32, #tpu.memory_space<vmem>>) target(%dma_start3A_247 : memref<499968xf32, #tpu.memory_space<any>>) target_semaphore(%arg7 : memref<!tpu.dma_semaphore, #tpu.memory_space<semaphore_mem>>)
    %dma_start3A_251 = arith.constant 1 : i32
    %dma_start3A_252 = arith.constant 3 : i32
    %dma_start3A_253 = arith.constant 3500160 : i32
    %dma_start3A_254 = tpu.memref_slice %arg2[%dma_start3A_253] : memref<20001280xf32, #tpu.memory_space<any>> -> memref<499968xf32, #tpu.memory_space<any>>
    %dma_start3A_255 = arith.constant 0 : i32
    %dma_start3A_256 = tpu.memref_slice %arg3[%dma_start3A_251, %dma_start3A_252, %dma_start3A_255] : memref<2x8x499968xf32, #tpu.memory_space<vmem>> -> memref<1x1x499968xf32, #tpu.memory_space<vmem>>
    %dma_start3A_257 = tpu.memref_squeeze %dma_start3A_256 : memref<1x1x499968xf32, #tpu.memory_space<vmem>> -> memref<499968xf32, #tpu.memory_space<vmem>>
    tpu.enqueue_dma source(%dma_start3A_257 : memref<499968xf32, #tpu.memory_space<vmem>>) target(%dma_start3A_254 : memref<499968xf32, #tpu.memory_space<any>>) target_semaphore(%arg7 : memref<!tpu.dma_semaphore, #tpu.memory_space<semaphore_mem>>)
    %dma_start3A_258 = arith.constant 1 : i32
    %dma_start3A_259 = arith.constant 4 : i32
    %dma_start3A_260 = arith.constant 4500224 : i32
    %dma_start3A_261 = tpu.memref_slice %arg2[%dma_start3A_260] : memref<20001280xf32, #tpu.memory_space<any>> -> memref<499968xf32, #tpu.memory_space<any>>
    %dma_start3A_262 = arith.constant 0 : i32
    %dma_start3A_263 = tpu.memref_slice %arg3[%dma_start3A_258, %dma_start3A_259, %dma_start3A_262] : memref<2x8x499968xf32, #tpu.memory_space<vmem>> -> memref<1x1x499968xf32, #tpu.memory_space<vmem>>
    %dma_start3A_264 = tpu.memref_squeeze %dma_start3A_263 : memref<1x1x499968xf32, #tpu.memory_space<vmem>> -> memref<499968xf32, #tpu.memory_space<vmem>>
    tpu.enqueue_dma source(%dma_start3A_264 : memref<499968xf32, #tpu.memory_space<vmem>>) target(%dma_start3A_261 : memref<499968xf32, #tpu.memory_space<any>>) target_semaphore(%arg7 : memref<!tpu.dma_semaphore, #tpu.memory_space<semaphore_mem>>)
    %dma_start3A_265 = arith.constant 1 : i32
    %dma_start3A_266 = arith.constant 5 : i32
    %dma_start3A_267 = arith.constant 5500288 : i32
    %dma_start3A_268 = tpu.memref_slice %arg2[%dma_start3A_267] : memref<20001280xf32, #tpu.memory_space<any>> -> memref<499968xf32, #tpu.memory_space<any>>
    %dma_start3A_269 = arith.constant 0 : i32
    %dma_start3A_270 = tpu.memref_slice %arg3[%dma_start3A_265, %dma_start3A_266, %dma_start3A_269] : memref<2x8x499968xf32, #tpu.memory_space<vmem>> -> memref<1x1x499968xf32, #tpu.memory_space<vmem>>
    %dma_start3A_271 = tpu.memref_squeeze %dma_start3A_270 : memref<1x1x499968xf32, #tpu.memory_space<vmem>> -> memref<499968xf32, #tpu.memory_space<vmem>>
    tpu.enqueue_dma source(%dma_start3A_271 : memref<499968xf32, #tpu.memory_space<vmem>>) target(%dma_start3A_268 : memref<499968xf32, #tpu.memory_space<any>>) target_semaphore(%arg7 : memref<!tpu.dma_semaphore, #tpu.memory_space<semaphore_mem>>)
    %dma_start3A_272 = arith.constant 1 : i32
    %dma_start3A_273 = arith.constant 6 : i32
    %dma_start3A_274 = arith.constant 6500352 : i32
    %dma_start3A_275 = tpu.memref_slice %arg2[%dma_start3A_274] : memref<20001280xf32, #tpu.memory_space<any>> -> memref<499968xf32, #tpu.memory_space<any>>
    %dma_start3A_276 = arith.constant 0 : i32
    %dma_start3A_277 = tpu.memref_slice %arg3[%dma_start3A_272, %dma_start3A_273, %dma_start3A_276] : memref<2x8x499968xf32, #tpu.memory_space<vmem>> -> memref<1x1x499968xf32, #tpu.memory_space<vmem>>
    %dma_start3A_278 = tpu.memref_squeeze %dma_start3A_277 : memref<1x1x499968xf32, #tpu.memory_space<vmem>> -> memref<499968xf32, #tpu.memory_space<vmem>>
    tpu.enqueue_dma source(%dma_start3A_278 : memref<499968xf32, #tpu.memory_space<vmem>>) target(%dma_start3A_275 : memref<499968xf32, #tpu.memory_space<any>>) target_semaphore(%arg7 : memref<!tpu.dma_semaphore, #tpu.memory_space<semaphore_mem>>)
    %dma_start3A_279 = arith.constant 1 : i32
    %dma_start3A_280 = arith.constant 7 : i32
    %dma_start3A_281 = arith.constant 7500416 : i32
    %dma_start3A_282 = tpu.memref_slice %arg2[%dma_start3A_281] : memref<20001280xf32, #tpu.memory_space<any>> -> memref<499968xf32, #tpu.memory_space<any>>
    %dma_start3A_283 = arith.constant 0 : i32
    %dma_start3A_284 = tpu.memref_slice %arg3[%dma_start3A_279, %dma_start3A_280, %dma_start3A_283] : memref<2x8x499968xf32, #tpu.memory_space<vmem>> -> memref<1x1x499968xf32, #tpu.memory_space<vmem>>
    %dma_start3A_285 = tpu.memref_squeeze %dma_start3A_284 : memref<1x1x499968xf32, #tpu.memory_space<vmem>> -> memref<499968xf32, #tpu.memory_space<vmem>>
    tpu.enqueue_dma source(%dma_start3A_285 : memref<499968xf32, #tpu.memory_space<vmem>>) target(%dma_start3A_282 : memref<499968xf32, #tpu.memory_space<any>>) target_semaphore(%arg7 : memref<!tpu.dma_semaphore, #tpu.memory_space<semaphore_mem>>)
    %dma_wait3A_286 = arith.constant 1 : i32
    %dma_wait3A_287 = arith.constant 0 : i32
    %dma_wait3A_288 = arith.constant 499968 : i32
    %dma_wait3A_289 = tpu.memref_slice %arg2[%dma_wait3A_288] : memref<20001280xf32, #tpu.memory_space<any>> -> memref<499968xf32, #tpu.memory_space<any>>
    %dma_wait3A_290 = arith.constant 0 : i32
    %dma_wait3A_291 = tpu.memref_slice %arg3[%dma_wait3A_286, %dma_wait3A_287, %dma_wait3A_290] : memref<2x8x499968xf32, #tpu.memory_space<vmem>> -> memref<1x1x499968xf32, #tpu.memory_space<vmem>>
    %dma_wait3A_292 = tpu.memref_squeeze %dma_wait3A_291 : memref<1x1x499968xf32, #tpu.memory_space<vmem>> -> memref<499968xf32, #tpu.memory_space<vmem>>
    tpu.wait_dma2 semaphore(%arg7 : memref<!tpu.dma_semaphore, #tpu.memory_space<semaphore_mem>>) src(%dma_wait3A_292 : memref<499968xf32, #tpu.memory_space<vmem>>) dst(%dma_wait3A_289 : memref<499968xf32, #tpu.memory_space<any>>)
    %dma_wait3A_293 = arith.constant 1 : i32
    %dma_wait3A_294 = arith.constant 1 : i32
    %dma_wait3A_295 = arith.constant 1500032 : i32
    %dma_wait3A_296 = tpu.memref_slice %arg2[%dma_wait3A_295] : memref<20001280xf32, #tpu.memory_space<any>> -> memref<499968xf32, #tpu.memory_space<any>>
    %dma_wait3A_297 = arith.constant 0 : i32
    %dma_wait3A_298 = tpu.memref_slice %arg3[%dma_wait3A_293, %dma_wait3A_294, %dma_wait3A_297] : memref<2x8x499968xf32, #tpu.memory_space<vmem>> -> memref<1x1x499968xf32, #tpu.memory_space<vmem>>
    %dma_wait3A_299 = tpu.memref_squeeze %dma_wait3A_298 : memref<1x1x499968xf32, #tpu.memory_space<vmem>> -> memref<499968xf32, #tpu.memory_space<vmem>>
    tpu.wait_dma2 semaphore(%arg7 : memref<!tpu.dma_semaphore, #tpu.memory_space<semaphore_mem>>) src(%dma_wait3A_299 : memref<499968xf32, #tpu.memory_space<vmem>>) dst(%dma_wait3A_296 : memref<499968xf32, #tpu.memory_space<any>>)
    %dma_wait3A_300 = arith.constant 1 : i32
    %dma_wait3A_301 = arith.constant 2 : i32
    %dma_wait3A_302 = arith.constant 2500096 : i32
    %dma_wait3A_303 = tpu.memref_slice %arg2[%dma_wait3A_302] : memref<20001280xf32, #tpu.memory_space<any>> -> memref<499968xf32, #tpu.memory_space<any>>
    %dma_wait3A_304 = arith.constant 0 : i32
    %dma_wait3A_305 = tpu.memref_slice %arg3[%dma_wait3A_300, %dma_wait3A_301, %dma_wait3A_304] : memref<2x8x499968xf32, #tpu.memory_space<vmem>> -> memref<1x1x499968xf32, #tpu.memory_space<vmem>>
    %dma_wait3A_306 = tpu.memref_squeeze %dma_wait3A_305 : memref<1x1x499968xf32, #tpu.memory_space<vmem>> -> memref<499968xf32, #tpu.memory_space<vmem>>
    tpu.wait_dma2 semaphore(%arg7 : memref<!tpu.dma_semaphore, #tpu.memory_space<semaphore_mem>>) src(%dma_wait3A_306 : memref<499968xf32, #tpu.memory_space<vmem>>) dst(%dma_wait3A_303 : memref<499968xf32, #tpu.memory_space<any>>)
    %dma_wait3A_307 = arith.constant 1 : i32
    %dma_wait3A_308 = arith.constant 3 : i32
    %dma_wait3A_309 = arith.constant 3500160 : i32
    %dma_wait3A_310 = tpu.memref_slice %arg2[%dma_wait3A_309] : memref<20001280xf32, #tpu.memory_space<any>> -> memref<499968xf32, #tpu.memory_space<any>>
    %dma_wait3A_311 = arith.constant 0 : i32
    %dma_wait3A_312 = tpu.memref_slice %arg3[%dma_wait3A_307, %dma_wait3A_308, %dma_wait3A_311] : memref<2x8x499968xf32, #tpu.memory_space<vmem>> -> memref<1x1x499968xf32, #tpu.memory_space<vmem>>
    %dma_wait3A_313 = tpu.memref_squeeze %dma_wait3A_312 : memref<1x1x499968xf32, #tpu.memory_space<vmem>> -> memref<499968xf32, #tpu.memory_space<vmem>>
    tpu.wait_dma2 semaphore(%arg7 : memref<!tpu.dma_semaphore, #tpu.memory_space<semaphore_mem>>) src(%dma_wait3A_313 : memref<499968xf32, #tpu.memory_space<vmem>>) dst(%dma_wait3A_310 : memref<499968xf32, #tpu.memory_space<any>>)
    %dma_wait3A_314 = arith.constant 1 : i32
    %dma_wait3A_315 = arith.constant 4 : i32
    %dma_wait3A_316 = arith.constant 4500224 : i32
    %dma_wait3A_317 = tpu.memref_slice %arg2[%dma_wait3A_316] : memref<20001280xf32, #tpu.memory_space<any>> -> memref<499968xf32, #tpu.memory_space<any>>
    %dma_wait3A_318 = arith.constant 0 : i32
    %dma_wait3A_319 = tpu.memref_slice %arg3[%dma_wait3A_314, %dma_wait3A_315, %dma_wait3A_318] : memref<2x8x499968xf32, #tpu.memory_space<vmem>> -> memref<1x1x499968xf32, #tpu.memory_space<vmem>>
    %dma_wait3A_320 = tpu.memref_squeeze %dma_wait3A_319 : memref<1x1x499968xf32, #tpu.memory_space<vmem>> -> memref<499968xf32, #tpu.memory_space<vmem>>
    tpu.wait_dma2 semaphore(%arg7 : memref<!tpu.dma_semaphore, #tpu.memory_space<semaphore_mem>>) src(%dma_wait3A_320 : memref<499968xf32, #tpu.memory_space<vmem>>) dst(%dma_wait3A_317 : memref<499968xf32, #tpu.memory_space<any>>)
    %dma_wait3A_321 = arith.constant 1 : i32
    %dma_wait3A_322 = arith.constant 5 : i32
    %dma_wait3A_323 = arith.constant 5500288 : i32
    %dma_wait3A_324 = tpu.memref_slice %arg2[%dma_wait3A_323] : memref<20001280xf32, #tpu.memory_space<any>> -> memref<499968xf32, #tpu.memory_space<any>>
    %dma_wait3A_325 = arith.constant 0 : i32
    %dma_wait3A_326 = tpu.memref_slice %arg3[%dma_wait3A_321, %dma_wait3A_322, %dma_wait3A_325] : memref<2x8x499968xf32, #tpu.memory_space<vmem>> -> memref<1x1x499968xf32, #tpu.memory_space<vmem>>
    %dma_wait3A_327 = tpu.memref_squeeze %dma_wait3A_326 : memref<1x1x499968xf32, #tpu.memory_space<vmem>> -> memref<499968xf32, #tpu.memory_space<vmem>>
    tpu.wait_dma2 semaphore(%arg7 : memref<!tpu.dma_semaphore, #tpu.memory_space<semaphore_mem>>) src(%dma_wait3A_327 : memref<499968xf32, #tpu.memory_space<vmem>>) dst(%dma_wait3A_324 : memref<499968xf32, #tpu.memory_space<any>>)
    %dma_wait3A_328 = arith.constant 1 : i32
    %dma_wait3A_329 = arith.constant 6 : i32
    %dma_wait3A_330 = arith.constant 6500352 : i32
    %dma_wait3A_331 = tpu.memref_slice %arg2[%dma_wait3A_330] : memref<20001280xf32, #tpu.memory_space<any>> -> memref<499968xf32, #tpu.memory_space<any>>
    %dma_wait3A_332 = arith.constant 0 : i32
    %dma_wait3A_333 = tpu.memref_slice %arg3[%dma_wait3A_328, %dma_wait3A_329, %dma_wait3A_332] : memref<2x8x499968xf32, #tpu.memory_space<vmem>> -> memref<1x1x499968xf32, #tpu.memory_space<vmem>>
    %dma_wait3A_334 = tpu.memref_squeeze %dma_wait3A_333 : memref<1x1x499968xf32, #tpu.memory_space<vmem>> -> memref<499968xf32, #tpu.memory_space<vmem>>
    tpu.wait_dma2 semaphore(%arg7 : memref<!tpu.dma_semaphore, #tpu.memory_space<semaphore_mem>>) src(%dma_wait3A_334 : memref<499968xf32, #tpu.memory_space<vmem>>) dst(%dma_wait3A_331 : memref<499968xf32, #tpu.memory_space<any>>)
    %dma_wait3A_335 = arith.constant 1 : i32
    %dma_wait3A_336 = arith.constant 7 : i32
    %dma_wait3A_337 = arith.constant 7500416 : i32
    %dma_wait3A_338 = tpu.memref_slice %arg2[%dma_wait3A_337] : memref<20001280xf32, #tpu.memory_space<any>> -> memref<499968xf32, #tpu.memory_space<any>>
    %dma_wait3A_339 = arith.constant 0 : i32
    %dma_wait3A_340 = tpu.memref_slice %arg3[%dma_wait3A_335, %dma_wait3A_336, %dma_wait3A_339] : memref<2x8x499968xf32, #tpu.memory_space<vmem>> -> memref<1x1x499968xf32, #tpu.memory_space<vmem>>
    %dma_wait3A_341 = tpu.memref_squeeze %dma_wait3A_340 : memref<1x1x499968xf32, #tpu.memory_space<vmem>> -> memref<499968xf32, #tpu.memory_space<vmem>>
    tpu.wait_dma2 semaphore(%arg7 : memref<!tpu.dma_semaphore, #tpu.memory_space<semaphore_mem>>) src(%dma_wait3A_341 : memref<499968xf32, #tpu.memory_space<vmem>>) dst(%dma_wait3A_338 : memref<499968xf32, #tpu.memory_space<any>>)
    %dma_start3A_342 = arith.constant 1 : i32
    %dma_start3A_343 = arith.constant 0 : i32
    %dma_start3A_344 = arith.constant 0 : i32
    %dma_start3A_345 = tpu.memref_slice %arg3[%dma_start3A_342, %dma_start3A_343, %dma_start3A_344] : memref<2x8x499968xf32, #tpu.memory_space<vmem>> -> memref<1x8x499968xf32, #tpu.memory_space<vmem>>
    %dma_start3A_346 = tpu.memref_squeeze %dma_start3A_345 : memref<1x8x499968xf32, #tpu.memory_space<vmem>> -> memref<8x499968xf32, #tpu.memory_space<vmem>>
    %dma_start3A_347 = arith.constant 8 : i32
    %dma_start3A_348 = arith.constant 499968 : i32
    %dma_start3A_349 = tpu.memref_slice %arg0[%dma_start3A_347, %dma_start3A_348] : memref<26x1000000xf32, #tpu.memory_space<any>> -> memref<8x499968xf32, #tpu.memory_space<any>>
    tpu.enqueue_dma source(%dma_start3A_349 : memref<8x499968xf32, #tpu.memory_space<any>>) target(%dma_start3A_346 : memref<8x499968xf32, #tpu.memory_space<vmem>>) target_semaphore(%arg5 : memref<!tpu.dma_semaphore, #tpu.memory_space<semaphore_mem>>)
    %dma_wait3A_350 = arith.constant 0 : i32
    %dma_wait3A_351 = arith.constant 0 : i32
    %dma_wait3A_352 = arith.constant 0 : i32
    %dma_wait3A_353 = tpu.memref_slice %arg3[%dma_wait3A_350, %dma_wait3A_351, %dma_wait3A_352] : memref<2x8x499968xf32, #tpu.memory_space<vmem>> -> memref<1x8x499968xf32, #tpu.memory_space<vmem>>
    %dma_wait3A_354 = tpu.memref_squeeze %dma_wait3A_353 : memref<1x8x499968xf32, #tpu.memory_space<vmem>> -> memref<8x499968xf32, #tpu.memory_space<vmem>>
    %dma_wait3A_355 = arith.constant 8 : i32
    %dma_wait3A_356 = arith.constant 0 : i32
    %dma_wait3A_357 = tpu.memref_slice %arg0[%dma_wait3A_355, %dma_wait3A_356] : memref<26x1000000xf32, #tpu.memory_space<any>> -> memref<8x499968xf32, #tpu.memory_space<any>>
    tpu.wait_dma2 semaphore(%arg4 : memref<!tpu.dma_semaphore, #tpu.memory_space<semaphore_mem>>) src(%dma_wait3A_357 : memref<8x499968xf32, #tpu.memory_space<any>>) dst(%dma_wait3A_354 : memref<8x499968xf32, #tpu.memory_space<vmem>>)
    %dma_start3A_358 = arith.constant 0 : i32
    %dma_start3A_359 = arith.constant 0 : i32
    %dma_start3A_360 = arith.constant 8000512 : i32
    %dma_start3A_361 = tpu.memref_slice %arg2[%dma_start3A_360] : memref<20001280xf32, #tpu.memory_space<any>> -> memref<499968xf32, #tpu.memory_space<any>>
    %dma_start3A_362 = arith.constant 0 : i32
    %dma_start3A_363 = tpu.memref_slice %arg3[%dma_start3A_358, %dma_start3A_359, %dma_start3A_362] : memref<2x8x499968xf32, #tpu.memory_space<vmem>> -> memref<1x1x499968xf32, #tpu.memory_space<vmem>>
    %dma_start3A_364 = tpu.memref_squeeze %dma_start3A_363 : memref<1x1x499968xf32, #tpu.memory_space<vmem>> -> memref<499968xf32, #tpu.memory_space<vmem>>
    tpu.enqueue_dma source(%dma_start3A_364 : memref<499968xf32, #tpu.memory_space<vmem>>) target(%dma_start3A_361 : memref<499968xf32, #tpu.memory_space<any>>) target_semaphore(%arg6 : memref<!tpu.dma_semaphore, #tpu.memory_space<semaphore_mem>>)
    %dma_start3A_365 = arith.constant 0 : i32
    %dma_start3A_366 = arith.constant 1 : i32
    %dma_start3A_367 = arith.constant 9000576 : i32
    %dma_start3A_368 = tpu.memref_slice %arg2[%dma_start3A_367] : memref<20001280xf32, #tpu.memory_space<any>> -> memref<499968xf32, #tpu.memory_space<any>>
    %dma_start3A_369 = arith.constant 0 : i32
    %dma_start3A_370 = tpu.memref_slice %arg3[%dma_start3A_365, %dma_start3A_366, %dma_start3A_369] : memref<2x8x499968xf32, #tpu.memory_space<vmem>> -> memref<1x1x499968xf32, #tpu.memory_space<vmem>>
    %dma_start3A_371 = tpu.memref_squeeze %dma_start3A_370 : memref<1x1x499968xf32, #tpu.memory_space<vmem>> -> memref<499968xf32, #tpu.memory_space<vmem>>
    tpu.enqueue_dma source(%dma_start3A_371 : memref<499968xf32, #tpu.memory_space<vmem>>) target(%dma_start3A_368 : memref<499968xf32, #tpu.memory_space<any>>) target_semaphore(%arg6 : memref<!tpu.dma_semaphore, #tpu.memory_space<semaphore_mem>>)
    %dma_start3A_372 = arith.constant 0 : i32
    %dma_start3A_373 = arith.constant 2 : i32
    %dma_start3A_374 = arith.constant 10000640 : i32
    %dma_start3A_375 = tpu.memref_slice %arg2[%dma_start3A_374] : memref<20001280xf32, #tpu.memory_space<any>> -> memref<499968xf32, #tpu.memory_space<any>>
    %dma_start3A_376 = arith.constant 0 : i32
    %dma_start3A_377 = tpu.memref_slice %arg3[%dma_start3A_372, %dma_start3A_373, %dma_start3A_376] : memref<2x8x499968xf32, #tpu.memory_space<vmem>> -> memref<1x1x499968xf32, #tpu.memory_space<vmem>>
    %dma_start3A_378 = tpu.memref_squeeze %dma_start3A_377 : memref<1x1x499968xf32, #tpu.memory_space<vmem>> -> memref<499968xf32, #tpu.memory_space<vmem>>
    tpu.enqueue_dma source(%dma_start3A_378 : memref<499968xf32, #tpu.memory_space<vmem>>) target(%dma_start3A_375 : memref<499968xf32, #tpu.memory_space<any>>) target_semaphore(%arg6 : memref<!tpu.dma_semaphore, #tpu.memory_space<semaphore_mem>>)
    %dma_start3A_379 = arith.constant 0 : i32
    %dma_start3A_380 = arith.constant 3 : i32
    %dma_start3A_381 = arith.constant 11000704 : i32
    %dma_start3A_382 = tpu.memref_slice %arg2[%dma_start3A_381] : memref<20001280xf32, #tpu.memory_space<any>> -> memref<499968xf32, #tpu.memory_space<any>>
    %dma_start3A_383 = arith.constant 0 : i32
    %dma_start3A_384 = tpu.memref_slice %arg3[%dma_start3A_379, %dma_start3A_380, %dma_start3A_383] : memref<2x8x499968xf32, #tpu.memory_space<vmem>> -> memref<1x1x499968xf32, #tpu.memory_space<vmem>>
    %dma_start3A_385 = tpu.memref_squeeze %dma_start3A_384 : memref<1x1x499968xf32, #tpu.memory_space<vmem>> -> memref<499968xf32, #tpu.memory_space<vmem>>
    tpu.enqueue_dma source(%dma_start3A_385 : memref<499968xf32, #tpu.memory_space<vmem>>) target(%dma_start3A_382 : memref<499968xf32, #tpu.memory_space<any>>) target_semaphore(%arg6 : memref<!tpu.dma_semaphore, #tpu.memory_space<semaphore_mem>>)
    %dma_start3A_386 = arith.constant 0 : i32
    %dma_start3A_387 = arith.constant 4 : i32
    %dma_start3A_388 = arith.constant 12000768 : i32
    %dma_start3A_389 = tpu.memref_slice %arg2[%dma_start3A_388] : memref<20001280xf32, #tpu.memory_space<any>> -> memref<499968xf32, #tpu.memory_space<any>>
    %dma_start3A_390 = arith.constant 0 : i32
    %dma_start3A_391 = tpu.memref_slice %arg3[%dma_start3A_386, %dma_start3A_387, %dma_start3A_390] : memref<2x8x499968xf32, #tpu.memory_space<vmem>> -> memref<1x1x499968xf32, #tpu.memory_space<vmem>>
    %dma_start3A_392 = tpu.memref_squeeze %dma_start3A_391 : memref<1x1x499968xf32, #tpu.memory_space<vmem>> -> memref<499968xf32, #tpu.memory_space<vmem>>
    tpu.enqueue_dma source(%dma_start3A_392 : memref<499968xf32, #tpu.memory_space<vmem>>) target(%dma_start3A_389 : memref<499968xf32, #tpu.memory_space<any>>) target_semaphore(%arg6 : memref<!tpu.dma_semaphore, #tpu.memory_space<semaphore_mem>>)
    %dma_start3A_393 = arith.constant 0 : i32
    %dma_start3A_394 = arith.constant 5 : i32
    %dma_start3A_395 = arith.constant 13000832 : i32
    %dma_start3A_396 = tpu.memref_slice %arg2[%dma_start3A_395] : memref<20001280xf32, #tpu.memory_space<any>> -> memref<499968xf32, #tpu.memory_space<any>>
    %dma_start3A_397 = arith.constant 0 : i32
    %dma_start3A_398 = tpu.memref_slice %arg3[%dma_start3A_393, %dma_start3A_394, %dma_start3A_397] : memref<2x8x499968xf32, #tpu.memory_space<vmem>> -> memref<1x1x499968xf32, #tpu.memory_space<vmem>>
    %dma_start3A_399 = tpu.memref_squeeze %dma_start3A_398 : memref<1x1x499968xf32, #tpu.memory_space<vmem>> -> memref<499968xf32, #tpu.memory_space<vmem>>
    tpu.enqueue_dma source(%dma_start3A_399 : memref<499968xf32, #tpu.memory_space<vmem>>) target(%dma_start3A_396 : memref<499968xf32, #tpu.memory_space<any>>) target_semaphore(%arg6 : memref<!tpu.dma_semaphore, #tpu.memory_space<semaphore_mem>>)
    %dma_start3A_400 = arith.constant 0 : i32
    %dma_start3A_401 = arith.constant 6 : i32
    %dma_start3A_402 = arith.constant 14000896 : i32
    %dma_start3A_403 = tpu.memref_slice %arg2[%dma_start3A_402] : memref<20001280xf32, #tpu.memory_space<any>> -> memref<499968xf32, #tpu.memory_space<any>>
    %dma_start3A_404 = arith.constant 0 : i32
    %dma_start3A_405 = tpu.memref_slice %arg3[%dma_start3A_400, %dma_start3A_401, %dma_start3A_404] : memref<2x8x499968xf32, #tpu.memory_space<vmem>> -> memref<1x1x499968xf32, #tpu.memory_space<vmem>>
    %dma_start3A_406 = tpu.memref_squeeze %dma_start3A_405 : memref<1x1x499968xf32, #tpu.memory_space<vmem>> -> memref<499968xf32, #tpu.memory_space<vmem>>
    tpu.enqueue_dma source(%dma_start3A_406 : memref<499968xf32, #tpu.memory_space<vmem>>) target(%dma_start3A_403 : memref<499968xf32, #tpu.memory_space<any>>) target_semaphore(%arg6 : memref<!tpu.dma_semaphore, #tpu.memory_space<semaphore_mem>>)
    %dma_start3A_407 = arith.constant 0 : i32
    %dma_start3A_408 = arith.constant 7 : i32
    %dma_start3A_409 = arith.constant 15000960 : i32
    %dma_start3A_410 = tpu.memref_slice %arg2[%dma_start3A_409] : memref<20001280xf32, #tpu.memory_space<any>> -> memref<499968xf32, #tpu.memory_space<any>>
    %dma_start3A_411 = arith.constant 0 : i32
    %dma_start3A_412 = tpu.memref_slice %arg3[%dma_start3A_407, %dma_start3A_408, %dma_start3A_411] : memref<2x8x499968xf32, #tpu.memory_space<vmem>> -> memref<1x1x499968xf32, #tpu.memory_space<vmem>>
    %dma_start3A_413 = tpu.memref_squeeze %dma_start3A_412 : memref<1x1x499968xf32, #tpu.memory_space<vmem>> -> memref<499968xf32, #tpu.memory_space<vmem>>
    tpu.enqueue_dma source(%dma_start3A_413 : memref<499968xf32, #tpu.memory_space<vmem>>) target(%dma_start3A_410 : memref<499968xf32, #tpu.memory_space<any>>) target_semaphore(%arg6 : memref<!tpu.dma_semaphore, #tpu.memory_space<semaphore_mem>>)
    %dma_wait3A_414 = arith.constant 0 : i32
    %dma_wait3A_415 = arith.constant 0 : i32
    %dma_wait3A_416 = arith.constant 8000512 : i32
    %dma_wait3A_417 = tpu.memref_slice %arg2[%dma_wait3A_416] : memref<20001280xf32, #tpu.memory_space<any>> -> memref<499968xf32, #tpu.memory_space<any>>
    %dma_wait3A_418 = arith.constant 0 : i32
    %dma_wait3A_419 = tpu.memref_slice %arg3[%dma_wait3A_414, %dma_wait3A_415, %dma_wait3A_418] : memref<2x8x499968xf32, #tpu.memory_space<vmem>> -> memref<1x1x499968xf32, #tpu.memory_space<vmem>>
    %dma_wait3A_420 = tpu.memref_squeeze %dma_wait3A_419 : memref<1x1x499968xf32, #tpu.memory_space<vmem>> -> memref<499968xf32, #tpu.memory_space<vmem>>
    tpu.wait_dma2 semaphore(%arg6 : memref<!tpu.dma_semaphore, #tpu.memory_space<semaphore_mem>>) src(%dma_wait3A_420 : memref<499968xf32, #tpu.memory_space<vmem>>) dst(%dma_wait3A_417 : memref<499968xf32, #tpu.memory_space<any>>)
    %dma_wait3A_421 = arith.constant 0 : i32
    %dma_wait3A_422 = arith.constant 1 : i32
    %dma_wait3A_423 = arith.constant 9000576 : i32
    %dma_wait3A_424 = tpu.memref_slice %arg2[%dma_wait3A_423] : memref<20001280xf32, #tpu.memory_space<any>> -> memref<499968xf32, #tpu.memory_space<any>>
    %dma_wait3A_425 = arith.constant 0 : i32
    %dma_wait3A_426 = tpu.memref_slice %arg3[%dma_wait3A_421, %dma_wait3A_422, %dma_wait3A_425] : memref<2x8x499968xf32, #tpu.memory_space<vmem>> -> memref<1x1x499968xf32, #tpu.memory_space<vmem>>
    %dma_wait3A_427 = tpu.memref_squeeze %dma_wait3A_426 : memref<1x1x499968xf32, #tpu.memory_space<vmem>> -> memref<499968xf32, #tpu.memory_space<vmem>>
    tpu.wait_dma2 semaphore(%arg6 : memref<!tpu.dma_semaphore, #tpu.memory_space<semaphore_mem>>) src(%dma_wait3A_427 : memref<499968xf32, #tpu.memory_space<vmem>>) dst(%dma_wait3A_424 : memref<499968xf32, #tpu.memory_space<any>>)
    %dma_wait3A_428 = arith.constant 0 : i32
    %dma_wait3A_429 = arith.constant 2 : i32
    %dma_wait3A_430 = arith.constant 10000640 : i32
    %dma_wait3A_431 = tpu.memref_slice %arg2[%dma_wait3A_430] : memref<20001280xf32, #tpu.memory_space<any>> -> memref<499968xf32, #tpu.memory_space<any>>
    %dma_wait3A_432 = arith.constant 0 : i32
    %dma_wait3A_433 = tpu.memref_slice %arg3[%dma_wait3A_428, %dma_wait3A_429, %dma_wait3A_432] : memref<2x8x499968xf32, #tpu.memory_space<vmem>> -> memref<1x1x499968xf32, #tpu.memory_space<vmem>>
    %dma_wait3A_434 = tpu.memref_squeeze %dma_wait3A_433 : memref<1x1x499968xf32, #tpu.memory_space<vmem>> -> memref<499968xf32, #tpu.memory_space<vmem>>
    tpu.wait_dma2 semaphore(%arg6 : memref<!tpu.dma_semaphore, #tpu.memory_space<semaphore_mem>>) src(%dma_wait3A_434 : memref<499968xf32, #tpu.memory_space<vmem>>) dst(%dma_wait3A_431 : memref<499968xf32, #tpu.memory_space<any>>)
    %dma_wait3A_435 = arith.constant 0 : i32
    %dma_wait3A_436 = arith.constant 3 : i32
    %dma_wait3A_437 = arith.constant 11000704 : i32
    %dma_wait3A_438 = tpu.memref_slice %arg2[%dma_wait3A_437] : memref<20001280xf32, #tpu.memory_space<any>> -> memref<499968xf32, #tpu.memory_space<any>>
    %dma_wait3A_439 = arith.constant 0 : i32
    %dma_wait3A_440 = tpu.memref_slice %arg3[%dma_wait3A_435, %dma_wait3A_436, %dma_wait3A_439] : memref<2x8x499968xf32, #tpu.memory_space<vmem>> -> memref<1x1x499968xf32, #tpu.memory_space<vmem>>
    %dma_wait3A_441 = tpu.memref_squeeze %dma_wait3A_440 : memref<1x1x499968xf32, #tpu.memory_space<vmem>> -> memref<499968xf32, #tpu.memory_space<vmem>>
    tpu.wait_dma2 semaphore(%arg6 : memref<!tpu.dma_semaphore, #tpu.memory_space<semaphore_mem>>) src(%dma_wait3A_441 : memref<499968xf32, #tpu.memory_space<vmem>>) dst(%dma_wait3A_438 : memref<499968xf32, #tpu.memory_space<any>>)
    %dma_wait3A_442 = arith.constant 0 : i32
    %dma_wait3A_443 = arith.constant 4 : i32
    %dma_wait3A_444 = arith.constant 12000768 : i32
    %dma_wait3A_445 = tpu.memref_slice %arg2[%dma_wait3A_444] : memref<20001280xf32, #tpu.memory_space<any>> -> memref<499968xf32, #tpu.memory_space<any>>
    %dma_wait3A_446 = arith.constant 0 : i32
    %dma_wait3A_447 = tpu.memref_slice %arg3[%dma_wait3A_442, %dma_wait3A_443, %dma_wait3A_446] : memref<2x8x499968xf32, #tpu.memory_space<vmem>> -> memref<1x1x499968xf32, #tpu.memory_space<vmem>>
    %dma_wait3A_448 = tpu.memref_squeeze %dma_wait3A_447 : memref<1x1x499968xf32, #tpu.memory_space<vmem>> -> memref<499968xf32, #tpu.memory_space<vmem>>
    tpu.wait_dma2 semaphore(%arg6 : memref<!tpu.dma_semaphore, #tpu.memory_space<semaphore_mem>>) src(%dma_wait3A_448 : memref<499968xf32, #tpu.memory_space<vmem>>) dst(%dma_wait3A_445 : memref<499968xf32, #tpu.memory_space<any>>)
    %dma_wait3A_449 = arith.constant 0 : i32
    %dma_wait3A_450 = arith.constant 5 : i32
    %dma_wait3A_451 = arith.constant 13000832 : i32
    %dma_wait3A_452 = tpu.memref_slice %arg2[%dma_wait3A_451] : memref<20001280xf32, #tpu.memory_space<any>> -> memref<499968xf32, #tpu.memory_space<any>>
    %dma_wait3A_453 = arith.constant 0 : i32
    %dma_wait3A_454 = tpu.memref_slice %arg3[%dma_wait3A_449, %dma_wait3A_450, %dma_wait3A_453] : memref<2x8x499968xf32, #tpu.memory_space<vmem>> -> memref<1x1x499968xf32, #tpu.memory_space<vmem>>
    %dma_wait3A_455 = tpu.memref_squeeze %dma_wait3A_454 : memref<1x1x499968xf32, #tpu.memory_space<vmem>> -> memref<499968xf32, #tpu.memory_space<vmem>>
    tpu.wait_dma2 semaphore(%arg6 : memref<!tpu.dma_semaphore, #tpu.memory_space<semaphore_mem>>) src(%dma_wait3A_455 : memref<499968xf32, #tpu.memory_space<vmem>>) dst(%dma_wait3A_452 : memref<499968xf32, #tpu.memory_space<any>>)
    %dma_wait3A_456 = arith.constant 0 : i32
    %dma_wait3A_457 = arith.constant 6 : i32
    %dma_wait3A_458 = arith.constant 14000896 : i32
    %dma_wait3A_459 = tpu.memref_slice %arg2[%dma_wait3A_458] : memref<20001280xf32, #tpu.memory_space<any>> -> memref<499968xf32, #tpu.memory_space<any>>
    %dma_wait3A_460 = arith.constant 0 : i32
    %dma_wait3A_461 = tpu.memref_slice %arg3[%dma_wait3A_456, %dma_wait3A_457, %dma_wait3A_460] : memref<2x8x499968xf32, #tpu.memory_space<vmem>> -> memref<1x1x499968xf32, #tpu.memory_space<vmem>>
    %dma_wait3A_462 = tpu.memref_squeeze %dma_wait3A_461 : memref<1x1x499968xf32, #tpu.memory_space<vmem>> -> memref<499968xf32, #tpu.memory_space<vmem>>
    tpu.wait_dma2 semaphore(%arg6 : memref<!tpu.dma_semaphore, #tpu.memory_space<semaphore_mem>>) src(%dma_wait3A_462 : memref<499968xf32, #tpu.memory_space<vmem>>) dst(%dma_wait3A_459 : memref<499968xf32, #tpu.memory_space<any>>)
    %dma_wait3A_463 = arith.constant 0 : i32
    %dma_wait3A_464 = arith.constant 7 : i32
    %dma_wait3A_465 = arith.constant 15000960 : i32
    %dma_wait3A_466 = tpu.memref_slice %arg2[%dma_wait3A_465] : memref<20001280xf32, #tpu.memory_space<any>> -> memref<499968xf32, #tpu.memory_space<any>>
    %dma_wait3A_467 = arith.constant 0 : i32
    %dma_wait3A_468 = tpu.memref_slice %arg3[%dma_wait3A_463, %dma_wait3A_464, %dma_wait3A_467] : memref<2x8x499968xf32, #tpu.memory_space<vmem>> -> memref<1x1x499968xf32, #tpu.memory_space<vmem>>
    %dma_wait3A_469 = tpu.memref_squeeze %dma_wait3A_468 : memref<1x1x499968xf32, #tpu.memory_space<vmem>> -> memref<499968xf32, #tpu.memory_space<vmem>>
    tpu.wait_dma2 semaphore(%arg6 : memref<!tpu.dma_semaphore, #tpu.memory_space<semaphore_mem>>) src(%dma_wait3A_469 : memref<499968xf32, #tpu.memory_space<vmem>>) dst(%dma_wait3A_466 : memref<499968xf32, #tpu.memory_space<any>>)
    %dma_start3A_470 = arith.constant 0 : i32
    %dma_start3A_471 = arith.constant 0 : i32
    %dma_start3A_472 = arith.constant 0 : i32
    %dma_start3A_473 = tpu.memref_slice %arg3[%dma_start3A_470, %dma_start3A_471, %dma_start3A_472] : memref<2x8x499968xf32, #tpu.memory_space<vmem>> -> memref<1x1x499968xf32, #tpu.memory_space<vmem>>
    %dma_start3A_474 = tpu.memref_squeeze %dma_start3A_473 : memref<1x1x499968xf32, #tpu.memory_space<vmem>> -> memref<1x499968xf32, #tpu.memory_space<vmem>>
    %dma_start3A_475 = arith.constant 16 : i32
    %dma_start3A_476 = arith.constant 0 : i32
    %dma_start3A_477 = tpu.memref_slice %arg0[%dma_start3A_475, %dma_start3A_476] : memref<26x1000000xf32, #tpu.memory_space<any>> -> memref<1x499968xf32, #tpu.memory_space<any>>
    tpu.enqueue_dma source(%dma_start3A_477 : memref<1x499968xf32, #tpu.memory_space<any>>) target(%dma_start3A_474 : memref<1x499968xf32, #tpu.memory_space<vmem>>) target_semaphore(%arg4 : memref<!tpu.dma_semaphore, #tpu.memory_space<semaphore_mem>>)
    %dma_start3A_478 = arith.constant 0 : i32
    %dma_start3A_479 = arith.constant 1 : i32
    %dma_start3A_480 = arith.constant 0 : i32
    %dma_start3A_481 = tpu.memref_slice %arg3[%dma_start3A_478, %dma_start3A_479, %dma_start3A_480] : memref<2x8x499968xf32, #tpu.memory_space<vmem>> -> memref<1x1x499968xf32, #tpu.memory_space<vmem>>
    %dma_start3A_482 = tpu.memref_squeeze %dma_start3A_481 : memref<1x1x499968xf32, #tpu.memory_space<vmem>> -> memref<1x499968xf32, #tpu.memory_space<vmem>>
    %dma_start3A_483 = arith.constant 17 : i32
    %dma_start3A_484 = arith.constant 0 : i32
    %dma_start3A_485 = tpu.memref_slice %arg0[%dma_start3A_483, %dma_start3A_484] : memref<26x1000000xf32, #tpu.memory_space<any>> -> memref<1x499968xf32, #tpu.memory_space<any>>
    tpu.enqueue_dma source(%dma_start3A_485 : memref<1x499968xf32, #tpu.memory_space<any>>) target(%dma_start3A_482 : memref<1x499968xf32, #tpu.memory_space<vmem>>) target_semaphore(%arg4 : memref<!tpu.dma_semaphore, #tpu.memory_space<semaphore_mem>>)
    %dma_start3A_486 = arith.constant 0 : i32
    %dma_start3A_487 = arith.constant 2 : i32
    %dma_start3A_488 = arith.constant 0 : i32
    %dma_start3A_489 = tpu.memref_slice %arg3[%dma_start3A_486, %dma_start3A_487, %dma_start3A_488] : memref<2x8x499968xf32, #tpu.memory_space<vmem>> -> memref<1x1x499968xf32, #tpu.memory_space<vmem>>
    %dma_start3A_490 = tpu.memref_squeeze %dma_start3A_489 : memref<1x1x499968xf32, #tpu.memory_space<vmem>> -> memref<1x499968xf32, #tpu.memory_space<vmem>>
    %dma_start3A_491 = arith.constant 18 : i32
    %dma_start3A_492 = arith.constant 0 : i32
    %dma_start3A_493 = tpu.memref_slice %arg0[%dma_start3A_491, %dma_start3A_492] : memref<26x1000000xf32, #tpu.memory_space<any>> -> memref<1x499968xf32, #tpu.memory_space<any>>
    tpu.enqueue_dma source(%dma_start3A_493 : memref<1x499968xf32, #tpu.memory_space<any>>) target(%dma_start3A_490 : memref<1x499968xf32, #tpu.memory_space<vmem>>) target_semaphore(%arg4 : memref<!tpu.dma_semaphore, #tpu.memory_space<semaphore_mem>>)
    %dma_start3A_494 = arith.constant 0 : i32
    %dma_start3A_495 = arith.constant 3 : i32
    %dma_start3A_496 = arith.constant 0 : i32
    %dma_start3A_497 = tpu.memref_slice %arg3[%dma_start3A_494, %dma_start3A_495, %dma_start3A_496] : memref<2x8x499968xf32, #tpu.memory_space<vmem>> -> memref<1x1x499968xf32, #tpu.memory_space<vmem>>
    %dma_start3A_498 = tpu.memref_squeeze %dma_start3A_497 : memref<1x1x499968xf32, #tpu.memory_space<vmem>> -> memref<1x499968xf32, #tpu.memory_space<vmem>>
    %dma_start3A_499 = arith.constant 19 : i32
    %dma_start3A_500 = arith.constant 0 : i32
    %dma_start3A_501 = tpu.memref_slice %arg0[%dma_start3A_499, %dma_start3A_500] : memref<26x1000000xf32, #tpu.memory_space<any>> -> memref<1x499968xf32, #tpu.memory_space<any>>
    tpu.enqueue_dma source(%dma_start3A_501 : memref<1x499968xf32, #tpu.memory_space<any>>) target(%dma_start3A_498 : memref<1x499968xf32, #tpu.memory_space<vmem>>) target_semaphore(%arg4 : memref<!tpu.dma_semaphore, #tpu.memory_space<semaphore_mem>>)
    %dma_wait3A_502 = arith.constant 1 : i32
    %dma_wait3A_503 = arith.constant 0 : i32
    %dma_wait3A_504 = arith.constant 0 : i32
    %dma_wait3A_505 = tpu.memref_slice %arg3[%dma_wait3A_502, %dma_wait3A_503, %dma_wait3A_504] : memref<2x8x499968xf32, #tpu.memory_space<vmem>> -> memref<1x8x499968xf32, #tpu.memory_space<vmem>>
    %dma_wait3A_506 = tpu.memref_squeeze %dma_wait3A_505 : memref<1x8x499968xf32, #tpu.memory_space<vmem>> -> memref<8x499968xf32, #tpu.memory_space<vmem>>
    %dma_wait3A_507 = arith.constant 8 : i32
    %dma_wait3A_508 = arith.constant 499968 : i32
    %dma_wait3A_509 = tpu.memref_slice %arg0[%dma_wait3A_507, %dma_wait3A_508] : memref<26x1000000xf32, #tpu.memory_space<any>> -> memref<8x499968xf32, #tpu.memory_space<any>>
    tpu.wait_dma2 semaphore(%arg5 : memref<!tpu.dma_semaphore, #tpu.memory_space<semaphore_mem>>) src(%dma_wait3A_509 : memref<8x499968xf32, #tpu.memory_space<any>>) dst(%dma_wait3A_506 : memref<8x499968xf32, #tpu.memory_space<vmem>>)
    %dma_start3A_510 = arith.constant 1 : i32
    %dma_start3A_511 = arith.constant 0 : i32
    %dma_start3A_512 = arith.constant 8500480 : i32
    %dma_start3A_513 = tpu.memref_slice %arg2[%dma_start3A_512] : memref<20001280xf32, #tpu.memory_space<any>> -> memref<499968xf32, #tpu.memory_space<any>>
    %dma_start3A_514 = arith.constant 0 : i32
    %dma_start3A_515 = tpu.memref_slice %arg3[%dma_start3A_510, %dma_start3A_511, %dma_start3A_514] : memref<2x8x499968xf32, #tpu.memory_space<vmem>> -> memref<1x1x499968xf32, #tpu.memory_space<vmem>>
    %dma_start3A_516 = tpu.memref_squeeze %dma_start3A_515 : memref<1x1x499968xf32, #tpu.memory_space<vmem>> -> memref<499968xf32, #tpu.memory_space<vmem>>
    tpu.enqueue_dma source(%dma_start3A_516 : memref<499968xf32, #tpu.memory_space<vmem>>) target(%dma_start3A_513 : memref<499968xf32, #tpu.memory_space<any>>) target_semaphore(%arg7 : memref<!tpu.dma_semaphore, #tpu.memory_space<semaphore_mem>>)
    %dma_start3A_517 = arith.constant 1 : i32
    %dma_start3A_518 = arith.constant 1 : i32
    %dma_start3A_519 = arith.constant 9500544 : i32
    %dma_start3A_520 = tpu.memref_slice %arg2[%dma_start3A_519] : memref<20001280xf32, #tpu.memory_space<any>> -> memref<499968xf32, #tpu.memory_space<any>>
    %dma_start3A_521 = arith.constant 0 : i32
    %dma_start3A_522 = tpu.memref_slice %arg3[%dma_start3A_517, %dma_start3A_518, %dma_start3A_521] : memref<2x8x499968xf32, #tpu.memory_space<vmem>> -> memref<1x1x499968xf32, #tpu.memory_space<vmem>>
    %dma_start3A_523 = tpu.memref_squeeze %dma_start3A_522 : memref<1x1x499968xf32, #tpu.memory_space<vmem>> -> memref<499968xf32, #tpu.memory_space<vmem>>
    tpu.enqueue_dma source(%dma_start3A_523 : memref<499968xf32, #tpu.memory_space<vmem>>) target(%dma_start3A_520 : memref<499968xf32, #tpu.memory_space<any>>) target_semaphore(%arg7 : memref<!tpu.dma_semaphore, #tpu.memory_space<semaphore_mem>>)
    %dma_start3A_524 = arith.constant 1 : i32
    %dma_start3A_525 = arith.constant 2 : i32
    %dma_start3A_526 = arith.constant 10500608 : i32
    %dma_start3A_527 = tpu.memref_slice %arg2[%dma_start3A_526] : memref<20001280xf32, #tpu.memory_space<any>> -> memref<499968xf32, #tpu.memory_space<any>>
    %dma_start3A_528 = arith.constant 0 : i32
    %dma_start3A_529 = tpu.memref_slice %arg3[%dma_start3A_524, %dma_start3A_525, %dma_start3A_528] : memref<2x8x499968xf32, #tpu.memory_space<vmem>> -> memref<1x1x499968xf32, #tpu.memory_space<vmem>>
    %dma_start3A_530 = tpu.memref_squeeze %dma_start3A_529 : memref<1x1x499968xf32, #tpu.memory_space<vmem>> -> memref<499968xf32, #tpu.memory_space<vmem>>
    tpu.enqueue_dma source(%dma_start3A_530 : memref<499968xf32, #tpu.memory_space<vmem>>) target(%dma_start3A_527 : memref<499968xf32, #tpu.memory_space<any>>) target_semaphore(%arg7 : memref<!tpu.dma_semaphore, #tpu.memory_space<semaphore_mem>>)
    %dma_start3A_531 = arith.constant 1 : i32
    %dma_start3A_532 = arith.constant 3 : i32
    %dma_start3A_533 = arith.constant 11500672 : i32
    %dma_start3A_534 = tpu.memref_slice %arg2[%dma_start3A_533] : memref<20001280xf32, #tpu.memory_space<any>> -> memref<499968xf32, #tpu.memory_space<any>>
    %dma_start3A_535 = arith.constant 0 : i32
    %dma_start3A_536 = tpu.memref_slice %arg3[%dma_start3A_531, %dma_start3A_532, %dma_start3A_535] : memref<2x8x499968xf32, #tpu.memory_space<vmem>> -> memref<1x1x499968xf32, #tpu.memory_space<vmem>>
    %dma_start3A_537 = tpu.memref_squeeze %dma_start3A_536 : memref<1x1x499968xf32, #tpu.memory_space<vmem>> -> memref<499968xf32, #tpu.memory_space<vmem>>
    tpu.enqueue_dma source(%dma_start3A_537 : memref<499968xf32, #tpu.memory_space<vmem>>) target(%dma_start3A_534 : memref<499968xf32, #tpu.memory_space<any>>) target_semaphore(%arg7 : memref<!tpu.dma_semaphore, #tpu.memory_space<semaphore_mem>>)
    %dma_start3A_538 = arith.constant 1 : i32
    %dma_start3A_539 = arith.constant 4 : i32
    %dma_start3A_540 = arith.constant 12500736 : i32
    %dma_start3A_541 = tpu.memref_slice %arg2[%dma_start3A_540] : memref<20001280xf32, #tpu.memory_space<any>> -> memref<499968xf32, #tpu.memory_space<any>>
    %dma_start3A_542 = arith.constant 0 : i32
    %dma_start3A_543 = tpu.memref_slice %arg3[%dma_start3A_538, %dma_start3A_539, %dma_start3A_542] : memref<2x8x499968xf32, #tpu.memory_space<vmem>> -> memref<1x1x499968xf32, #tpu.memory_space<vmem>>
    %dma_start3A_544 = tpu.memref_squeeze %dma_start3A_543 : memref<1x1x499968xf32, #tpu.memory_space<vmem>> -> memref<499968xf32, #tpu.memory_space<vmem>>
    tpu.enqueue_dma source(%dma_start3A_544 : memref<499968xf32, #tpu.memory_space<vmem>>) target(%dma_start3A_541 : memref<499968xf32, #tpu.memory_space<any>>) target_semaphore(%arg7 : memref<!tpu.dma_semaphore, #tpu.memory_space<semaphore_mem>>)
    %dma_start3A_545 = arith.constant 1 : i32
    %dma_start3A_546 = arith.constant 5 : i32
    %dma_start3A_547 = arith.constant 13500800 : i32
    %dma_start3A_548 = tpu.memref_slice %arg2[%dma_start3A_547] : memref<20001280xf32, #tpu.memory_space<any>> -> memref<499968xf32, #tpu.memory_space<any>>
    %dma_start3A_549 = arith.constant 0 : i32
    %dma_start3A_550 = tpu.memref_slice %arg3[%dma_start3A_545, %dma_start3A_546, %dma_start3A_549] : memref<2x8x499968xf32, #tpu.memory_space<vmem>> -> memref<1x1x499968xf32, #tpu.memory_space<vmem>>
    %dma_start3A_551 = tpu.memref_squeeze %dma_start3A_550 : memref<1x1x499968xf32, #tpu.memory_space<vmem>> -> memref<499968xf32, #tpu.memory_space<vmem>>
    tpu.enqueue_dma source(%dma_start3A_551 : memref<499968xf32, #tpu.memory_space<vmem>>) target(%dma_start3A_548 : memref<499968xf32, #tpu.memory_space<any>>) target_semaphore(%arg7 : memref<!tpu.dma_semaphore, #tpu.memory_space<semaphore_mem>>)
    %dma_start3A_552 = arith.constant 1 : i32
    %dma_start3A_553 = arith.constant 6 : i32
    %dma_start3A_554 = arith.constant 14500864 : i32
    %dma_start3A_555 = tpu.memref_slice %arg2[%dma_start3A_554] : memref<20001280xf32, #tpu.memory_space<any>> -> memref<499968xf32, #tpu.memory_space<any>>
    %dma_start3A_556 = arith.constant 0 : i32
    %dma_start3A_557 = tpu.memref_slice %arg3[%dma_start3A_552, %dma_start3A_553, %dma_start3A_556] : memref<2x8x499968xf32, #tpu.memory_space<vmem>> -> memref<1x1x499968xf32, #tpu.memory_space<vmem>>
    %dma_start3A_558 = tpu.memref_squeeze %dma_start3A_557 : memref<1x1x499968xf32, #tpu.memory_space<vmem>> -> memref<499968xf32, #tpu.memory_space<vmem>>
    tpu.enqueue_dma source(%dma_start3A_558 : memref<499968xf32, #tpu.memory_space<vmem>>) target(%dma_start3A_555 : memref<499968xf32, #tpu.memory_space<any>>) target_semaphore(%arg7 : memref<!tpu.dma_semaphore, #tpu.memory_space<semaphore_mem>>)
    %dma_start3A_559 = arith.constant 1 : i32
    %dma_start3A_560 = arith.constant 7 : i32
    %dma_start3A_561 = arith.constant 15500928 : i32
    %dma_start3A_562 = tpu.memref_slice %arg2[%dma_start3A_561] : memref<20001280xf32, #tpu.memory_space<any>> -> memref<499968xf32, #tpu.memory_space<any>>
    %dma_start3A_563 = arith.constant 0 : i32
    %dma_start3A_564 = tpu.memref_slice %arg3[%dma_start3A_559, %dma_start3A_560, %dma_start3A_563] : memref<2x8x499968xf32, #tpu.memory_space<vmem>> -> memref<1x1x499968xf32, #tpu.memory_space<vmem>>
    %dma_start3A_565 = tpu.memref_squeeze %dma_start3A_564 : memref<1x1x499968xf32, #tpu.memory_space<vmem>> -> memref<499968xf32, #tpu.memory_space<vmem>>
    tpu.enqueue_dma source(%dma_start3A_565 : memref<499968xf32, #tpu.memory_space<vmem>>) target(%dma_start3A_562 : memref<499968xf32, #tpu.memory_space<any>>) target_semaphore(%arg7 : memref<!tpu.dma_semaphore, #tpu.memory_space<semaphore_mem>>)
    %dma_wait3A_566 = arith.constant 1 : i32
    %dma_wait3A_567 = arith.constant 0 : i32
    %dma_wait3A_568 = arith.constant 8500480 : i32
    %dma_wait3A_569 = tpu.memref_slice %arg2[%dma_wait3A_568] : memref<20001280xf32, #tpu.memory_space<any>> -> memref<499968xf32, #tpu.memory_space<any>>
    %dma_wait3A_570 = arith.constant 0 : i32
    %dma_wait3A_571 = tpu.memref_slice %arg3[%dma_wait3A_566, %dma_wait3A_567, %dma_wait3A_570] : memref<2x8x499968xf32, #tpu.memory_space<vmem>> -> memref<1x1x499968xf32, #tpu.memory_space<vmem>>
    %dma_wait3A_572 = tpu.memref_squeeze %dma_wait3A_571 : memref<1x1x499968xf32, #tpu.memory_space<vmem>> -> memref<499968xf32, #tpu.memory_space<vmem>>
    tpu.wait_dma2 semaphore(%arg7 : memref<!tpu.dma_semaphore, #tpu.memory_space<semaphore_mem>>) src(%dma_wait3A_572 : memref<499968xf32, #tpu.memory_space<vmem>>) dst(%dma_wait3A_569 : memref<499968xf32, #tpu.memory_space<any>>)
    %dma_wait3A_573 = arith.constant 1 : i32
    %dma_wait3A_574 = arith.constant 1 : i32
    %dma_wait3A_575 = arith.constant 9500544 : i32
    %dma_wait3A_576 = tpu.memref_slice %arg2[%dma_wait3A_575] : memref<20001280xf32, #tpu.memory_space<any>> -> memref<499968xf32, #tpu.memory_space<any>>
    %dma_wait3A_577 = arith.constant 0 : i32
    %dma_wait3A_578 = tpu.memref_slice %arg3[%dma_wait3A_573, %dma_wait3A_574, %dma_wait3A_577] : memref<2x8x499968xf32, #tpu.memory_space<vmem>> -> memref<1x1x499968xf32, #tpu.memory_space<vmem>>
    %dma_wait3A_579 = tpu.memref_squeeze %dma_wait3A_578 : memref<1x1x499968xf32, #tpu.memory_space<vmem>> -> memref<499968xf32, #tpu.memory_space<vmem>>
    tpu.wait_dma2 semaphore(%arg7 : memref<!tpu.dma_semaphore, #tpu.memory_space<semaphore_mem>>) src(%dma_wait3A_579 : memref<499968xf32, #tpu.memory_space<vmem>>) dst(%dma_wait3A_576 : memref<499968xf32, #tpu.memory_space<any>>)
    %dma_wait3A_580 = arith.constant 1 : i32
    %dma_wait3A_581 = arith.constant 2 : i32
    %dma_wait3A_582 = arith.constant 10500608 : i32
    %dma_wait3A_583 = tpu.memref_slice %arg2[%dma_wait3A_582] : memref<20001280xf32, #tpu.memory_space<any>> -> memref<499968xf32, #tpu.memory_space<any>>
    %dma_wait3A_584 = arith.constant 0 : i32
    %dma_wait3A_585 = tpu.memref_slice %arg3[%dma_wait3A_580, %dma_wait3A_581, %dma_wait3A_584] : memref<2x8x499968xf32, #tpu.memory_space<vmem>> -> memref<1x1x499968xf32, #tpu.memory_space<vmem>>
    %dma_wait3A_586 = tpu.memref_squeeze %dma_wait3A_585 : memref<1x1x499968xf32, #tpu.memory_space<vmem>> -> memref<499968xf32, #tpu.memory_space<vmem>>
    tpu.wait_dma2 semaphore(%arg7 : memref<!tpu.dma_semaphore, #tpu.memory_space<semaphore_mem>>) src(%dma_wait3A_586 : memref<499968xf32, #tpu.memory_space<vmem>>) dst(%dma_wait3A_583 : memref<499968xf32, #tpu.memory_space<any>>)
    %dma_wait3A_587 = arith.constant 1 : i32
    %dma_wait3A_588 = arith.constant 3 : i32
    %dma_wait3A_589 = arith.constant 11500672 : i32
    %dma_wait3A_590 = tpu.memref_slice %arg2[%dma_wait3A_589] : memref<20001280xf32, #tpu.memory_space<any>> -> memref<499968xf32, #tpu.memory_space<any>>
    %dma_wait3A_591 = arith.constant 0 : i32
    %dma_wait3A_592 = tpu.memref_slice %arg3[%dma_wait3A_587, %dma_wait3A_588, %dma_wait3A_591] : memref<2x8x499968xf32, #tpu.memory_space<vmem>> -> memref<1x1x499968xf32, #tpu.memory_space<vmem>>
    %dma_wait3A_593 = tpu.memref_squeeze %dma_wait3A_592 : memref<1x1x499968xf32, #tpu.memory_space<vmem>> -> memref<499968xf32, #tpu.memory_space<vmem>>
    tpu.wait_dma2 semaphore(%arg7 : memref<!tpu.dma_semaphore, #tpu.memory_space<semaphore_mem>>) src(%dma_wait3A_593 : memref<499968xf32, #tpu.memory_space<vmem>>) dst(%dma_wait3A_590 : memref<499968xf32, #tpu.memory_space<any>>)
    %dma_wait3A_594 = arith.constant 1 : i32
    %dma_wait3A_595 = arith.constant 4 : i32
    %dma_wait3A_596 = arith.constant 12500736 : i32
    %dma_wait3A_597 = tpu.memref_slice %arg2[%dma_wait3A_596] : memref<20001280xf32, #tpu.memory_space<any>> -> memref<499968xf32, #tpu.memory_space<any>>
    %dma_wait3A_598 = arith.constant 0 : i32
    %dma_wait3A_599 = tpu.memref_slice %arg3[%dma_wait3A_594, %dma_wait3A_595, %dma_wait3A_598] : memref<2x8x499968xf32, #tpu.memory_space<vmem>> -> memref<1x1x499968xf32, #tpu.memory_space<vmem>>
    %dma_wait3A_600 = tpu.memref_squeeze %dma_wait3A_599 : memref<1x1x499968xf32, #tpu.memory_space<vmem>> -> memref<499968xf32, #tpu.memory_space<vmem>>
    tpu.wait_dma2 semaphore(%arg7 : memref<!tpu.dma_semaphore, #tpu.memory_space<semaphore_mem>>) src(%dma_wait3A_600 : memref<499968xf32, #tpu.memory_space<vmem>>) dst(%dma_wait3A_597 : memref<499968xf32, #tpu.memory_space<any>>)
    %dma_wait3A_601 = arith.constant 1 : i32
    %dma_wait3A_602 = arith.constant 5 : i32
    %dma_wait3A_603 = arith.constant 13500800 : i32
    %dma_wait3A_604 = tpu.memref_slice %arg2[%dma_wait3A_603] : memref<20001280xf32, #tpu.memory_space<any>> -> memref<499968xf32, #tpu.memory_space<any>>
    %dma_wait3A_605 = arith.constant 0 : i32
    %dma_wait3A_606 = tpu.memref_slice %arg3[%dma_wait3A_601, %dma_wait3A_602, %dma_wait3A_605] : memref<2x8x499968xf32, #tpu.memory_space<vmem>> -> memref<1x1x499968xf32, #tpu.memory_space<vmem>>
    %dma_wait3A_607 = tpu.memref_squeeze %dma_wait3A_606 : memref<1x1x499968xf32, #tpu.memory_space<vmem>> -> memref<499968xf32, #tpu.memory_space<vmem>>
    tpu.wait_dma2 semaphore(%arg7 : memref<!tpu.dma_semaphore, #tpu.memory_space<semaphore_mem>>) src(%dma_wait3A_607 : memref<499968xf32, #tpu.memory_space<vmem>>) dst(%dma_wait3A_604 : memref<499968xf32, #tpu.memory_space<any>>)
    %dma_wait3A_608 = arith.constant 1 : i32
    %dma_wait3A_609 = arith.constant 6 : i32
    %dma_wait3A_610 = arith.constant 14500864 : i32
    %dma_wait3A_611 = tpu.memref_slice %arg2[%dma_wait3A_610] : memref<20001280xf32, #tpu.memory_space<any>> -> memref<499968xf32, #tpu.memory_space<any>>
    %dma_wait3A_612 = arith.constant 0 : i32
    %dma_wait3A_613 = tpu.memref_slice %arg3[%dma_wait3A_608, %dma_wait3A_609, %dma_wait3A_612] : memref<2x8x499968xf32, #tpu.memory_space<vmem>> -> memref<1x1x499968xf32, #tpu.memory_space<vmem>>
    %dma_wait3A_614 = tpu.memref_squeeze %dma_wait3A_613 : memref<1x1x499968xf32, #tpu.memory_space<vmem>> -> memref<499968xf32, #tpu.memory_space<vmem>>
    tpu.wait_dma2 semaphore(%arg7 : memref<!tpu.dma_semaphore, #tpu.memory_space<semaphore_mem>>) src(%dma_wait3A_614 : memref<499968xf32, #tpu.memory_space<vmem>>) dst(%dma_wait3A_611 : memref<499968xf32, #tpu.memory_space<any>>)
    %dma_wait3A_615 = arith.constant 1 : i32
    %dma_wait3A_616 = arith.constant 7 : i32
    %dma_wait3A_617 = arith.constant 15500928 : i32
    %dma_wait3A_618 = tpu.memref_slice %arg2[%dma_wait3A_617] : memref<20001280xf32, #tpu.memory_space<any>> -> memref<499968xf32, #tpu.memory_space<any>>
    %dma_wait3A_619 = arith.constant 0 : i32
    %dma_wait3A_620 = tpu.memref_slice %arg3[%dma_wait3A_615, %dma_wait3A_616, %dma_wait3A_619] : memref<2x8x499968xf32, #tpu.memory_space<vmem>> -> memref<1x1x499968xf32, #tpu.memory_space<vmem>>
    %dma_wait3A_621 = tpu.memref_squeeze %dma_wait3A_620 : memref<1x1x499968xf32, #tpu.memory_space<vmem>> -> memref<499968xf32, #tpu.memory_space<vmem>>
    tpu.wait_dma2 semaphore(%arg7 : memref<!tpu.dma_semaphore, #tpu.memory_space<semaphore_mem>>) src(%dma_wait3A_621 : memref<499968xf32, #tpu.memory_space<vmem>>) dst(%dma_wait3A_618 : memref<499968xf32, #tpu.memory_space<any>>)
    %dma_start3A_622 = arith.constant 1 : i32
    %dma_start3A_623 = arith.constant 0 : i32
    %dma_start3A_624 = arith.constant 0 : i32
    %dma_start3A_625 = tpu.memref_slice %arg3[%dma_start3A_622, %dma_start3A_623, %dma_start3A_624] : memref<2x8x499968xf32, #tpu.memory_space<vmem>> -> memref<1x1x499968xf32, #tpu.memory_space<vmem>>
    %dma_start3A_626 = tpu.memref_squeeze %dma_start3A_625 : memref<1x1x499968xf32, #tpu.memory_space<vmem>> -> memref<1x499968xf32, #tpu.memory_space<vmem>>
    %dma_start3A_627 = arith.constant 16 : i32
    %dma_start3A_628 = arith.constant 499968 : i32
    %dma_start3A_629 = tpu.memref_slice %arg0[%dma_start3A_627, %dma_start3A_628] : memref<26x1000000xf32, #tpu.memory_space<any>> -> memref<1x499968xf32, #tpu.memory_space<any>>
    tpu.enqueue_dma source(%dma_start3A_629 : memref<1x499968xf32, #tpu.memory_space<any>>) target(%dma_start3A_626 : memref<1x499968xf32, #tpu.memory_space<vmem>>) target_semaphore(%arg5 : memref<!tpu.dma_semaphore, #tpu.memory_space<semaphore_mem>>)
    %dma_start3A_630 = arith.constant 1 : i32
    %dma_start3A_631 = arith.constant 1 : i32
    %dma_start3A_632 = arith.constant 0 : i32
    %dma_start3A_633 = tpu.memref_slice %arg3[%dma_start3A_630, %dma_start3A_631, %dma_start3A_632] : memref<2x8x499968xf32, #tpu.memory_space<vmem>> -> memref<1x1x499968xf32, #tpu.memory_space<vmem>>
    %dma_start3A_634 = tpu.memref_squeeze %dma_start3A_633 : memref<1x1x499968xf32, #tpu.memory_space<vmem>> -> memref<1x499968xf32, #tpu.memory_space<vmem>>
    %dma_start3A_635 = arith.constant 17 : i32
    %dma_start3A_636 = arith.constant 499968 : i32
    %dma_start3A_637 = tpu.memref_slice %arg0[%dma_start3A_635, %dma_start3A_636] : memref<26x1000000xf32, #tpu.memory_space<any>> -> memref<1x499968xf32, #tpu.memory_space<any>>
    tpu.enqueue_dma source(%dma_start3A_637 : memref<1x499968xf32, #tpu.memory_space<any>>) target(%dma_start3A_634 : memref<1x499968xf32, #tpu.memory_space<vmem>>) target_semaphore(%arg5 : memref<!tpu.dma_semaphore, #tpu.memory_space<semaphore_mem>>)
    %dma_start3A_638 = arith.constant 1 : i32
    %dma_start3A_639 = arith.constant 2 : i32
    %dma_start3A_640 = arith.constant 0 : i32
    %dma_start3A_641 = tpu.memref_slice %arg3[%dma_start3A_638, %dma_start3A_639, %dma_start3A_640] : memref<2x8x499968xf32, #tpu.memory_space<vmem>> -> memref<1x1x499968xf32, #tpu.memory_space<vmem>>
    %dma_start3A_642 = tpu.memref_squeeze %dma_start3A_641 : memref<1x1x499968xf32, #tpu.memory_space<vmem>> -> memref<1x499968xf32, #tpu.memory_space<vmem>>
    %dma_start3A_643 = arith.constant 18 : i32
    %dma_start3A_644 = arith.constant 499968 : i32
    %dma_start3A_645 = tpu.memref_slice %arg0[%dma_start3A_643, %dma_start3A_644] : memref<26x1000000xf32, #tpu.memory_space<any>> -> memref<1x499968xf32, #tpu.memory_space<any>>
    tpu.enqueue_dma source(%dma_start3A_645 : memref<1x499968xf32, #tpu.memory_space<any>>) target(%dma_start3A_642 : memref<1x499968xf32, #tpu.memory_space<vmem>>) target_semaphore(%arg5 : memref<!tpu.dma_semaphore, #tpu.memory_space<semaphore_mem>>)
    %dma_start3A_646 = arith.constant 1 : i32
    %dma_start3A_647 = arith.constant 3 : i32
    %dma_start3A_648 = arith.constant 0 : i32
    %dma_start3A_649 = tpu.memref_slice %arg3[%dma_start3A_646, %dma_start3A_647, %dma_start3A_648] : memref<2x8x499968xf32, #tpu.memory_space<vmem>> -> memref<1x1x499968xf32, #tpu.memory_space<vmem>>
    %dma_start3A_650 = tpu.memref_squeeze %dma_start3A_649 : memref<1x1x499968xf32, #tpu.memory_space<vmem>> -> memref<1x499968xf32, #tpu.memory_space<vmem>>
    %dma_start3A_651 = arith.constant 19 : i32
    %dma_start3A_652 = arith.constant 499968 : i32
    %dma_start3A_653 = tpu.memref_slice %arg0[%dma_start3A_651, %dma_start3A_652] : memref<26x1000000xf32, #tpu.memory_space<any>> -> memref<1x499968xf32, #tpu.memory_space<any>>
    tpu.enqueue_dma source(%dma_start3A_653 : memref<1x499968xf32, #tpu.memory_space<any>>) target(%dma_start3A_650 : memref<1x499968xf32, #tpu.memory_space<vmem>>) target_semaphore(%arg5 : memref<!tpu.dma_semaphore, #tpu.memory_space<semaphore_mem>>)
    %dma_wait3A_654 = arith.constant 0 : i32
    %dma_wait3A_655 = arith.constant 0 : i32
    %dma_wait3A_656 = arith.constant 0 : i32
    %dma_wait3A_657 = tpu.memref_slice %arg3[%dma_wait3A_654, %dma_wait3A_655, %dma_wait3A_656] : memref<2x8x499968xf32, #tpu.memory_space<vmem>> -> memref<1x1x499968xf32, #tpu.memory_space<vmem>>
    %dma_wait3A_658 = tpu.memref_squeeze %dma_wait3A_657 : memref<1x1x499968xf32, #tpu.memory_space<vmem>> -> memref<1x499968xf32, #tpu.memory_space<vmem>>
    %dma_wait3A_659 = arith.constant 16 : i32
    %dma_wait3A_660 = arith.constant 0 : i32
    %dma_wait3A_661 = tpu.memref_slice %arg0[%dma_wait3A_659, %dma_wait3A_660] : memref<26x1000000xf32, #tpu.memory_space<any>> -> memref<1x499968xf32, #tpu.memory_space<any>>
    tpu.wait_dma2 semaphore(%arg4 : memref<!tpu.dma_semaphore, #tpu.memory_space<semaphore_mem>>) src(%dma_wait3A_661 : memref<1x499968xf32, #tpu.memory_space<any>>) dst(%dma_wait3A_658 : memref<1x499968xf32, #tpu.memory_space<vmem>>)
    %dma_wait3A_662 = arith.constant 0 : i32
    %dma_wait3A_663 = arith.constant 1 : i32
    %dma_wait3A_664 = arith.constant 0 : i32
    %dma_wait3A_665 = tpu.memref_slice %arg3[%dma_wait3A_662, %dma_wait3A_663, %dma_wait3A_664] : memref<2x8x499968xf32, #tpu.memory_space<vmem>> -> memref<1x1x499968xf32, #tpu.memory_space<vmem>>
    %dma_wait3A_666 = tpu.memref_squeeze %dma_wait3A_665 : memref<1x1x499968xf32, #tpu.memory_space<vmem>> -> memref<1x499968xf32, #tpu.memory_space<vmem>>
    %dma_wait3A_667 = arith.constant 17 : i32
    %dma_wait3A_668 = arith.constant 0 : i32
    %dma_wait3A_669 = tpu.memref_slice %arg0[%dma_wait3A_667, %dma_wait3A_668] : memref<26x1000000xf32, #tpu.memory_space<any>> -> memref<1x499968xf32, #tpu.memory_space<any>>
    tpu.wait_dma2 semaphore(%arg4 : memref<!tpu.dma_semaphore, #tpu.memory_space<semaphore_mem>>) src(%dma_wait3A_669 : memref<1x499968xf32, #tpu.memory_space<any>>) dst(%dma_wait3A_666 : memref<1x499968xf32, #tpu.memory_space<vmem>>)
    %dma_wait3A_670 = arith.constant 0 : i32
    %dma_wait3A_671 = arith.constant 2 : i32
    %dma_wait3A_672 = arith.constant 0 : i32
    %dma_wait3A_673 = tpu.memref_slice %arg3[%dma_wait3A_670, %dma_wait3A_671, %dma_wait3A_672] : memref<2x8x499968xf32, #tpu.memory_space<vmem>> -> memref<1x1x499968xf32, #tpu.memory_space<vmem>>
    %dma_wait3A_674 = tpu.memref_squeeze %dma_wait3A_673 : memref<1x1x499968xf32, #tpu.memory_space<vmem>> -> memref<1x499968xf32, #tpu.memory_space<vmem>>
    %dma_wait3A_675 = arith.constant 18 : i32
    %dma_wait3A_676 = arith.constant 0 : i32
    %dma_wait3A_677 = tpu.memref_slice %arg0[%dma_wait3A_675, %dma_wait3A_676] : memref<26x1000000xf32, #tpu.memory_space<any>> -> memref<1x499968xf32, #tpu.memory_space<any>>
    tpu.wait_dma2 semaphore(%arg4 : memref<!tpu.dma_semaphore, #tpu.memory_space<semaphore_mem>>) src(%dma_wait3A_677 : memref<1x499968xf32, #tpu.memory_space<any>>) dst(%dma_wait3A_674 : memref<1x499968xf32, #tpu.memory_space<vmem>>)
    %dma_wait3A_678 = arith.constant 0 : i32
    %dma_wait3A_679 = arith.constant 3 : i32
    %dma_wait3A_680 = arith.constant 0 : i32
    %dma_wait3A_681 = tpu.memref_slice %arg3[%dma_wait3A_678, %dma_wait3A_679, %dma_wait3A_680] : memref<2x8x499968xf32, #tpu.memory_space<vmem>> -> memref<1x1x499968xf32, #tpu.memory_space<vmem>>
    %dma_wait3A_682 = tpu.memref_squeeze %dma_wait3A_681 : memref<1x1x499968xf32, #tpu.memory_space<vmem>> -> memref<1x499968xf32, #tpu.memory_space<vmem>>
    %dma_wait3A_683 = arith.constant 19 : i32
    %dma_wait3A_684 = arith.constant 0 : i32
    %dma_wait3A_685 = tpu.memref_slice %arg0[%dma_wait3A_683, %dma_wait3A_684] : memref<26x1000000xf32, #tpu.memory_space<any>> -> memref<1x499968xf32, #tpu.memory_space<any>>
    tpu.wait_dma2 semaphore(%arg4 : memref<!tpu.dma_semaphore, #tpu.memory_space<semaphore_mem>>) src(%dma_wait3A_685 : memref<1x499968xf32, #tpu.memory_space<any>>) dst(%dma_wait3A_682 : memref<1x499968xf32, #tpu.memory_space<vmem>>)
    %dma_start3A_686 = arith.constant 0 : i32
    %dma_start3A_687 = arith.constant 0 : i32
    %dma_start3A_688 = arith.constant 16001024 : i32
    %dma_start3A_689 = tpu.memref_slice %arg2[%dma_start3A_688] : memref<20001280xf32, #tpu.memory_space<any>> -> memref<499968xf32, #tpu.memory_space<any>>
    %dma_start3A_690 = arith.constant 0 : i32
    %dma_start3A_691 = tpu.memref_slice %arg3[%dma_start3A_686, %dma_start3A_687, %dma_start3A_690] : memref<2x8x499968xf32, #tpu.memory_space<vmem>> -> memref<1x1x499968xf32, #tpu.memory_space<vmem>>
    %dma_start3A_692 = tpu.memref_squeeze %dma_start3A_691 : memref<1x1x499968xf32, #tpu.memory_space<vmem>> -> memref<499968xf32, #tpu.memory_space<vmem>>
    tpu.enqueue_dma source(%dma_start3A_692 : memref<499968xf32, #tpu.memory_space<vmem>>) target(%dma_start3A_689 : memref<499968xf32, #tpu.memory_space<any>>) target_semaphore(%arg6 : memref<!tpu.dma_semaphore, #tpu.memory_space<semaphore_mem>>)
    %dma_start3A_693 = arith.constant 0 : i32
    %dma_start3A_694 = arith.constant 1 : i32
    %dma_start3A_695 = arith.constant 17001088 : i32
    %dma_start3A_696 = tpu.memref_slice %arg2[%dma_start3A_695] : memref<20001280xf32, #tpu.memory_space<any>> -> memref<499968xf32, #tpu.memory_space<any>>
    %dma_start3A_697 = arith.constant 0 : i32
    %dma_start3A_698 = tpu.memref_slice %arg3[%dma_start3A_693, %dma_start3A_694, %dma_start3A_697] : memref<2x8x499968xf32, #tpu.memory_space<vmem>> -> memref<1x1x499968xf32, #tpu.memory_space<vmem>>
    %dma_start3A_699 = tpu.memref_squeeze %dma_start3A_698 : memref<1x1x499968xf32, #tpu.memory_space<vmem>> -> memref<499968xf32, #tpu.memory_space<vmem>>
    tpu.enqueue_dma source(%dma_start3A_699 : memref<499968xf32, #tpu.memory_space<vmem>>) target(%dma_start3A_696 : memref<499968xf32, #tpu.memory_space<any>>) target_semaphore(%arg6 : memref<!tpu.dma_semaphore, #tpu.memory_space<semaphore_mem>>)
    %dma_start3A_700 = arith.constant 0 : i32
    %dma_start3A_701 = arith.constant 2 : i32
    %dma_start3A_702 = arith.constant 18001152 : i32
    %dma_start3A_703 = tpu.memref_slice %arg2[%dma_start3A_702] : memref<20001280xf32, #tpu.memory_space<any>> -> memref<499968xf32, #tpu.memory_space<any>>
    %dma_start3A_704 = arith.constant 0 : i32
    %dma_start3A_705 = tpu.memref_slice %arg3[%dma_start3A_700, %dma_start3A_701, %dma_start3A_704] : memref<2x8x499968xf32, #tpu.memory_space<vmem>> -> memref<1x1x499968xf32, #tpu.memory_space<vmem>>
    %dma_start3A_706 = tpu.memref_squeeze %dma_start3A_705 : memref<1x1x499968xf32, #tpu.memory_space<vmem>> -> memref<499968xf32, #tpu.memory_space<vmem>>
    tpu.enqueue_dma source(%dma_start3A_706 : memref<499968xf32, #tpu.memory_space<vmem>>) target(%dma_start3A_703 : memref<499968xf32, #tpu.memory_space<any>>) target_semaphore(%arg6 : memref<!tpu.dma_semaphore, #tpu.memory_space<semaphore_mem>>)
    %dma_start3A_707 = arith.constant 0 : i32
    %dma_start3A_708 = arith.constant 3 : i32
    %dma_start3A_709 = arith.constant 19001216 : i32
    %dma_start3A_710 = tpu.memref_slice %arg2[%dma_start3A_709] : memref<20001280xf32, #tpu.memory_space<any>> -> memref<499968xf32, #tpu.memory_space<any>>
    %dma_start3A_711 = arith.constant 0 : i32
    %dma_start3A_712 = tpu.memref_slice %arg3[%dma_start3A_707, %dma_start3A_708, %dma_start3A_711] : memref<2x8x499968xf32, #tpu.memory_space<vmem>> -> memref<1x1x499968xf32, #tpu.memory_space<vmem>>
    %dma_start3A_713 = tpu.memref_squeeze %dma_start3A_712 : memref<1x1x499968xf32, #tpu.memory_space<vmem>> -> memref<499968xf32, #tpu.memory_space<vmem>>
    tpu.enqueue_dma source(%dma_start3A_713 : memref<499968xf32, #tpu.memory_space<vmem>>) target(%dma_start3A_710 : memref<499968xf32, #tpu.memory_space<any>>) target_semaphore(%arg6 : memref<!tpu.dma_semaphore, #tpu.memory_space<semaphore_mem>>)
    %dma_wait3A_714 = arith.constant 1 : i32
    %dma_wait3A_715 = arith.constant 0 : i32
    %dma_wait3A_716 = arith.constant 0 : i32
    %dma_wait3A_717 = tpu.memref_slice %arg3[%dma_wait3A_714, %dma_wait3A_715, %dma_wait3A_716] : memref<2x8x499968xf32, #tpu.memory_space<vmem>> -> memref<1x1x499968xf32, #tpu.memory_space<vmem>>
    %dma_wait3A_718 = tpu.memref_squeeze %dma_wait3A_717 : memref<1x1x499968xf32, #tpu.memory_space<vmem>> -> memref<1x499968xf32, #tpu.memory_space<vmem>>
    %dma_wait3A_719 = arith.constant 16 : i32
    %dma_wait3A_720 = arith.constant 499968 : i32
    %dma_wait3A_721 = tpu.memref_slice %arg0[%dma_wait3A_719, %dma_wait3A_720] : memref<26x1000000xf32, #tpu.memory_space<any>> -> memref<1x499968xf32, #tpu.memory_space<any>>
    tpu.wait_dma2 semaphore(%arg5 : memref<!tpu.dma_semaphore, #tpu.memory_space<semaphore_mem>>) src(%dma_wait3A_721 : memref<1x499968xf32, #tpu.memory_space<any>>) dst(%dma_wait3A_718 : memref<1x499968xf32, #tpu.memory_space<vmem>>)
    %dma_wait3A_722 = arith.constant 1 : i32
    %dma_wait3A_723 = arith.constant 1 : i32
    %dma_wait3A_724 = arith.constant 0 : i32
    %dma_wait3A_725 = tpu.memref_slice %arg3[%dma_wait3A_722, %dma_wait3A_723, %dma_wait3A_724] : memref<2x8x499968xf32, #tpu.memory_space<vmem>> -> memref<1x1x499968xf32, #tpu.memory_space<vmem>>
    %dma_wait3A_726 = tpu.memref_squeeze %dma_wait3A_725 : memref<1x1x499968xf32, #tpu.memory_space<vmem>> -> memref<1x499968xf32, #tpu.memory_space<vmem>>
    %dma_wait3A_727 = arith.constant 17 : i32
    %dma_wait3A_728 = arith.constant 499968 : i32
    %dma_wait3A_729 = tpu.memref_slice %arg0[%dma_wait3A_727, %dma_wait3A_728] : memref<26x1000000xf32, #tpu.memory_space<any>> -> memref<1x499968xf32, #tpu.memory_space<any>>
    tpu.wait_dma2 semaphore(%arg5 : memref<!tpu.dma_semaphore, #tpu.memory_space<semaphore_mem>>) src(%dma_wait3A_729 : memref<1x499968xf32, #tpu.memory_space<any>>) dst(%dma_wait3A_726 : memref<1x499968xf32, #tpu.memory_space<vmem>>)
    %dma_wait3A_730 = arith.constant 1 : i32
    %dma_wait3A_731 = arith.constant 2 : i32
    %dma_wait3A_732 = arith.constant 0 : i32
    %dma_wait3A_733 = tpu.memref_slice %arg3[%dma_wait3A_730, %dma_wait3A_731, %dma_wait3A_732] : memref<2x8x499968xf32, #tpu.memory_space<vmem>> -> memref<1x1x499968xf32, #tpu.memory_space<vmem>>
    %dma_wait3A_734 = tpu.memref_squeeze %dma_wait3A_733 : memref<1x1x499968xf32, #tpu.memory_space<vmem>> -> memref<1x499968xf32, #tpu.memory_space<vmem>>
    %dma_wait3A_735 = arith.constant 18 : i32
    %dma_wait3A_736 = arith.constant 499968 : i32
    %dma_wait3A_737 = tpu.memref_slice %arg0[%dma_wait3A_735, %dma_wait3A_736] : memref<26x1000000xf32, #tpu.memory_space<any>> -> memref<1x499968xf32, #tpu.memory_space<any>>
    tpu.wait_dma2 semaphore(%arg5 : memref<!tpu.dma_semaphore, #tpu.memory_space<semaphore_mem>>) src(%dma_wait3A_737 : memref<1x499968xf32, #tpu.memory_space<any>>) dst(%dma_wait3A_734 : memref<1x499968xf32, #tpu.memory_space<vmem>>)
    %dma_wait3A_738 = arith.constant 1 : i32
    %dma_wait3A_739 = arith.constant 3 : i32
    %dma_wait3A_740 = arith.constant 0 : i32
    %dma_wait3A_741 = tpu.memref_slice %arg3[%dma_wait3A_738, %dma_wait3A_739, %dma_wait3A_740] : memref<2x8x499968xf32, #tpu.memory_space<vmem>> -> memref<1x1x499968xf32, #tpu.memory_space<vmem>>
    %dma_wait3A_742 = tpu.memref_squeeze %dma_wait3A_741 : memref<1x1x499968xf32, #tpu.memory_space<vmem>> -> memref<1x499968xf32, #tpu.memory_space<vmem>>
    %dma_wait3A_743 = arith.constant 19 : i32
    %dma_wait3A_744 = arith.constant 499968 : i32
    %dma_wait3A_745 = tpu.memref_slice %arg0[%dma_wait3A_743, %dma_wait3A_744] : memref<26x1000000xf32, #tpu.memory_space<any>> -> memref<1x499968xf32, #tpu.memory_space<any>>
    tpu.wait_dma2 semaphore(%arg5 : memref<!tpu.dma_semaphore, #tpu.memory_space<semaphore_mem>>) src(%dma_wait3A_745 : memref<1x499968xf32, #tpu.memory_space<any>>) dst(%dma_wait3A_742 : memref<1x499968xf32, #tpu.memory_space<vmem>>)
    %dma_start3A_746 = arith.constant 1 : i32
    %dma_start3A_747 = arith.constant 0 : i32
    %dma_start3A_748 = arith.constant 16500992 : i32
    %dma_start3A_749 = tpu.memref_slice %arg2[%dma_start3A_748] : memref<20001280xf32, #tpu.memory_space<any>> -> memref<499968xf32, #tpu.memory_space<any>>
    %dma_start3A_750 = arith.constant 0 : i32
    %dma_start3A_751 = tpu.memref_slice %arg3[%dma_start3A_746, %dma_start3A_747, %dma_start3A_750] : memref<2x8x499968xf32, #tpu.memory_space<vmem>> -> memref<1x1x499968xf32, #tpu.memory_space<vmem>>
    %dma_start3A_752 = tpu.memref_squeeze %dma_start3A_751 : memref<1x1x499968xf32, #tpu.memory_space<vmem>> -> memref<499968xf32, #tpu.memory_space<vmem>>
    tpu.enqueue_dma source(%dma_start3A_752 : memref<499968xf32, #tpu.memory_space<vmem>>) target(%dma_start3A_749 : memref<499968xf32, #tpu.memory_space<any>>) target_semaphore(%arg7 : memref<!tpu.dma_semaphore, #tpu.memory_space<semaphore_mem>>)
    %dma_start3A_753 = arith.constant 1 : i32
    %dma_start3A_754 = arith.constant 1 : i32
    %dma_start3A_755 = arith.constant 17501056 : i32
    %dma_start3A_756 = tpu.memref_slice %arg2[%dma_start3A_755] : memref<20001280xf32, #tpu.memory_space<any>> -> memref<499968xf32, #tpu.memory_space<any>>
    %dma_start3A_757 = arith.constant 0 : i32
    %dma_start3A_758 = tpu.memref_slice %arg3[%dma_start3A_753, %dma_start3A_754, %dma_start3A_757] : memref<2x8x499968xf32, #tpu.memory_space<vmem>> -> memref<1x1x499968xf32, #tpu.memory_space<vmem>>
    %dma_start3A_759 = tpu.memref_squeeze %dma_start3A_758 : memref<1x1x499968xf32, #tpu.memory_space<vmem>> -> memref<499968xf32, #tpu.memory_space<vmem>>
    tpu.enqueue_dma source(%dma_start3A_759 : memref<499968xf32, #tpu.memory_space<vmem>>) target(%dma_start3A_756 : memref<499968xf32, #tpu.memory_space<any>>) target_semaphore(%arg7 : memref<!tpu.dma_semaphore, #tpu.memory_space<semaphore_mem>>)
    %dma_start3A_760 = arith.constant 1 : i32
    %dma_start3A_761 = arith.constant 2 : i32
    %dma_start3A_762 = arith.constant 18501120 : i32
    %dma_start3A_763 = tpu.memref_slice %arg2[%dma_start3A_762] : memref<20001280xf32, #tpu.memory_space<any>> -> memref<499968xf32, #tpu.memory_space<any>>
    %dma_start3A_764 = arith.constant 0 : i32
    %dma_start3A_765 = tpu.memref_slice %arg3[%dma_start3A_760, %dma_start3A_761, %dma_start3A_764] : memref<2x8x499968xf32, #tpu.memory_space<vmem>> -> memref<1x1x499968xf32, #tpu.memory_space<vmem>>
    %dma_start3A_766 = tpu.memref_squeeze %dma_start3A_765 : memref<1x1x499968xf32, #tpu.memory_space<vmem>> -> memref<499968xf32, #tpu.memory_space<vmem>>
    tpu.enqueue_dma source(%dma_start3A_766 : memref<499968xf32, #tpu.memory_space<vmem>>) target(%dma_start3A_763 : memref<499968xf32, #tpu.memory_space<any>>) target_semaphore(%arg7 : memref<!tpu.dma_semaphore, #tpu.memory_space<semaphore_mem>>)
    %dma_start3A_767 = arith.constant 1 : i32
    %dma_start3A_768 = arith.constant 3 : i32
    %dma_start3A_769 = arith.constant 19501184 : i32
    %dma_start3A_770 = tpu.memref_slice %arg2[%dma_start3A_769] : memref<20001280xf32, #tpu.memory_space<any>> -> memref<499968xf32, #tpu.memory_space<any>>
    %dma_start3A_771 = arith.constant 0 : i32
    %dma_start3A_772 = tpu.memref_slice %arg3[%dma_start3A_767, %dma_start3A_768, %dma_start3A_771] : memref<2x8x499968xf32, #tpu.memory_space<vmem>> -> memref<1x1x499968xf32, #tpu.memory_space<vmem>>
    %dma_start3A_773 = tpu.memref_squeeze %dma_start3A_772 : memref<1x1x499968xf32, #tpu.memory_space<vmem>> -> memref<499968xf32, #tpu.memory_space<vmem>>
    tpu.enqueue_dma source(%dma_start3A_773 : memref<499968xf32, #tpu.memory_space<vmem>>) target(%dma_start3A_770 : memref<499968xf32, #tpu.memory_space<any>>) target_semaphore(%arg7 : memref<!tpu.dma_semaphore, #tpu.memory_space<semaphore_mem>>)
    %dma_wait3A_774 = arith.constant 0 : i32
    %dma_wait3A_775 = arith.constant 0 : i32
    %dma_wait3A_776 = arith.constant 16001024 : i32
    %dma_wait3A_777 = tpu.memref_slice %arg2[%dma_wait3A_776] : memref<20001280xf32, #tpu.memory_space<any>> -> memref<499968xf32, #tpu.memory_space<any>>
    %dma_wait3A_778 = arith.constant 0 : i32
    %dma_wait3A_779 = tpu.memref_slice %arg3[%dma_wait3A_774, %dma_wait3A_775, %dma_wait3A_778] : memref<2x8x499968xf32, #tpu.memory_space<vmem>> -> memref<1x1x499968xf32, #tpu.memory_space<vmem>>
    %dma_wait3A_780 = tpu.memref_squeeze %dma_wait3A_779 : memref<1x1x499968xf32, #tpu.memory_space<vmem>> -> memref<499968xf32, #tpu.memory_space<vmem>>
    tpu.wait_dma2 semaphore(%arg6 : memref<!tpu.dma_semaphore, #tpu.memory_space<semaphore_mem>>) src(%dma_wait3A_780 : memref<499968xf32, #tpu.memory_space<vmem>>) dst(%dma_wait3A_777 : memref<499968xf32, #tpu.memory_space<any>>)
    %dma_wait3A_781 = arith.constant 0 : i32
    %dma_wait3A_782 = arith.constant 1 : i32
    %dma_wait3A_783 = arith.constant 17001088 : i32
    %dma_wait3A_784 = tpu.memref_slice %arg2[%dma_wait3A_783] : memref<20001280xf32, #tpu.memory_space<any>> -> memref<499968xf32, #tpu.memory_space<any>>
    %dma_wait3A_785 = arith.constant 0 : i32
    %dma_wait3A_786 = tpu.memref_slice %arg3[%dma_wait3A_781, %dma_wait3A_782, %dma_wait3A_785] : memref<2x8x499968xf32, #tpu.memory_space<vmem>> -> memref<1x1x499968xf32, #tpu.memory_space<vmem>>
    %dma_wait3A_787 = tpu.memref_squeeze %dma_wait3A_786 : memref<1x1x499968xf32, #tpu.memory_space<vmem>> -> memref<499968xf32, #tpu.memory_space<vmem>>
    tpu.wait_dma2 semaphore(%arg6 : memref<!tpu.dma_semaphore, #tpu.memory_space<semaphore_mem>>) src(%dma_wait3A_787 : memref<499968xf32, #tpu.memory_space<vmem>>) dst(%dma_wait3A_784 : memref<499968xf32, #tpu.memory_space<any>>)
    %dma_wait3A_788 = arith.constant 0 : i32
    %dma_wait3A_789 = arith.constant 2 : i32
    %dma_wait3A_790 = arith.constant 18001152 : i32
    %dma_wait3A_791 = tpu.memref_slice %arg2[%dma_wait3A_790] : memref<20001280xf32, #tpu.memory_space<any>> -> memref<499968xf32, #tpu.memory_space<any>>
    %dma_wait3A_792 = arith.constant 0 : i32
    %dma_wait3A_793 = tpu.memref_slice %arg3[%dma_wait3A_788, %dma_wait3A_789, %dma_wait3A_792] : memref<2x8x499968xf32, #tpu.memory_space<vmem>> -> memref<1x1x499968xf32, #tpu.memory_space<vmem>>
    %dma_wait3A_794 = tpu.memref_squeeze %dma_wait3A_793 : memref<1x1x499968xf32, #tpu.memory_space<vmem>> -> memref<499968xf32, #tpu.memory_space<vmem>>
    tpu.wait_dma2 semaphore(%arg6 : memref<!tpu.dma_semaphore, #tpu.memory_space<semaphore_mem>>) src(%dma_wait3A_794 : memref<499968xf32, #tpu.memory_space<vmem>>) dst(%dma_wait3A_791 : memref<499968xf32, #tpu.memory_space<any>>)
    %dma_wait3A_795 = arith.constant 0 : i32
    %dma_wait3A_796 = arith.constant 3 : i32
    %dma_wait3A_797 = arith.constant 19001216 : i32
    %dma_wait3A_798 = tpu.memref_slice %arg2[%dma_wait3A_797] : memref<20001280xf32, #tpu.memory_space<any>> -> memref<499968xf32, #tpu.memory_space<any>>
    %dma_wait3A_799 = arith.constant 0 : i32
    %dma_wait3A_800 = tpu.memref_slice %arg3[%dma_wait3A_795, %dma_wait3A_796, %dma_wait3A_799] : memref<2x8x499968xf32, #tpu.memory_space<vmem>> -> memref<1x1x499968xf32, #tpu.memory_space<vmem>>
    %dma_wait3A_801 = tpu.memref_squeeze %dma_wait3A_800 : memref<1x1x499968xf32, #tpu.memory_space<vmem>> -> memref<499968xf32, #tpu.memory_space<vmem>>
    tpu.wait_dma2 semaphore(%arg6 : memref<!tpu.dma_semaphore, #tpu.memory_space<semaphore_mem>>) src(%dma_wait3A_801 : memref<499968xf32, #tpu.memory_space<vmem>>) dst(%dma_wait3A_798 : memref<499968xf32, #tpu.memory_space<any>>)
    %dma_wait3A_802 = arith.constant 1 : i32
    %dma_wait3A_803 = arith.constant 0 : i32
    %dma_wait3A_804 = arith.constant 16500992 : i32
    %dma_wait3A_805 = tpu.memref_slice %arg2[%dma_wait3A_804] : memref<20001280xf32, #tpu.memory_space<any>> -> memref<499968xf32, #tpu.memory_space<any>>
    %dma_wait3A_806 = arith.constant 0 : i32
    %dma_wait3A_807 = tpu.memref_slice %arg3[%dma_wait3A_802, %dma_wait3A_803, %dma_wait3A_806] : memref<2x8x499968xf32, #tpu.memory_space<vmem>> -> memref<1x1x499968xf32, #tpu.memory_space<vmem>>
    %dma_wait3A_808 = tpu.memref_squeeze %dma_wait3A_807 : memref<1x1x499968xf32, #tpu.memory_space<vmem>> -> memref<499968xf32, #tpu.memory_space<vmem>>
    tpu.wait_dma2 semaphore(%arg7 : memref<!tpu.dma_semaphore, #tpu.memory_space<semaphore_mem>>) src(%dma_wait3A_808 : memref<499968xf32, #tpu.memory_space<vmem>>) dst(%dma_wait3A_805 : memref<499968xf32, #tpu.memory_space<any>>)
    %dma_wait3A_809 = arith.constant 1 : i32
    %dma_wait3A_810 = arith.constant 1 : i32
    %dma_wait3A_811 = arith.constant 17501056 : i32
    %dma_wait3A_812 = tpu.memref_slice %arg2[%dma_wait3A_811] : memref<20001280xf32, #tpu.memory_space<any>> -> memref<499968xf32, #tpu.memory_space<any>>
    %dma_wait3A_813 = arith.constant 0 : i32
    %dma_wait3A_814 = tpu.memref_slice %arg3[%dma_wait3A_809, %dma_wait3A_810, %dma_wait3A_813] : memref<2x8x499968xf32, #tpu.memory_space<vmem>> -> memref<1x1x499968xf32, #tpu.memory_space<vmem>>
    %dma_wait3A_815 = tpu.memref_squeeze %dma_wait3A_814 : memref<1x1x499968xf32, #tpu.memory_space<vmem>> -> memref<499968xf32, #tpu.memory_space<vmem>>
    tpu.wait_dma2 semaphore(%arg7 : memref<!tpu.dma_semaphore, #tpu.memory_space<semaphore_mem>>) src(%dma_wait3A_815 : memref<499968xf32, #tpu.memory_space<vmem>>) dst(%dma_wait3A_812 : memref<499968xf32, #tpu.memory_space<any>>)
    %dma_wait3A_816 = arith.constant 1 : i32
    %dma_wait3A_817 = arith.constant 2 : i32
    %dma_wait3A_818 = arith.constant 18501120 : i32
    %dma_wait3A_819 = tpu.memref_slice %arg2[%dma_wait3A_818] : memref<20001280xf32, #tpu.memory_space<any>> -> memref<499968xf32, #tpu.memory_space<any>>
    %dma_wait3A_820 = arith.constant 0 : i32
    %dma_wait3A_821 = tpu.memref_slice %arg3[%dma_wait3A_816, %dma_wait3A_817, %dma_wait3A_820] : memref<2x8x499968xf32, #tpu.memory_space<vmem>> -> memref<1x1x499968xf32, #tpu.memory_space<vmem>>
    %dma_wait3A_822 = tpu.memref_squeeze %dma_wait3A_821 : memref<1x1x499968xf32, #tpu.memory_space<vmem>> -> memref<499968xf32, #tpu.memory_space<vmem>>
    tpu.wait_dma2 semaphore(%arg7 : memref<!tpu.dma_semaphore, #tpu.memory_space<semaphore_mem>>) src(%dma_wait3A_822 : memref<499968xf32, #tpu.memory_space<vmem>>) dst(%dma_wait3A_819 : memref<499968xf32, #tpu.memory_space<any>>)
    %dma_wait3A_823 = arith.constant 1 : i32
    %dma_wait3A_824 = arith.constant 3 : i32
    %dma_wait3A_825 = arith.constant 19501184 : i32
    %dma_wait3A_826 = tpu.memref_slice %arg2[%dma_wait3A_825] : memref<20001280xf32, #tpu.memory_space<any>> -> memref<499968xf32, #tpu.memory_space<any>>
    %dma_wait3A_827 = arith.constant 0 : i32
    %dma_wait3A_828 = tpu.memref_slice %arg3[%dma_wait3A_823, %dma_wait3A_824, %dma_wait3A_827] : memref<2x8x499968xf32, #tpu.memory_space<vmem>> -> memref<1x1x499968xf32, #tpu.memory_space<vmem>>
    %dma_wait3A_829 = tpu.memref_squeeze %dma_wait3A_828 : memref<1x1x499968xf32, #tpu.memory_space<vmem>> -> memref<499968xf32, #tpu.memory_space<vmem>>
    tpu.wait_dma2 semaphore(%arg7 : memref<!tpu.dma_semaphore, #tpu.memory_space<semaphore_mem>>) src(%dma_wait3A_829 : memref<499968xf32, #tpu.memory_space<vmem>>) dst(%dma_wait3A_826 : memref<499968xf32, #tpu.memory_space<any>>)
    %dma_wait3A_830 = arith.constant 999936 : i32
    %dma_wait3A_831 = tpu.memref_slice %arg2[%dma_wait3A_830] : memref<20001280xf32, #tpu.memory_space<any>> -> memref<128xf32, #tpu.memory_space<any>>
    %dma_wait3A_832 = arith.constant 0 : i32
    %dma_wait3A_833 = tpu.memref_slice %arg1[%dma_wait3A_832] : memref<2560xf32, #tpu.memory_space<any>> -> memref<128xf32, #tpu.memory_space<any>>
    tpu.wait_dma2 semaphore(%arg8 : memref<!tpu.dma_semaphore, #tpu.memory_space<semaphore_mem>>) src(%dma_wait3A_833 : memref<128xf32, #tpu.memory_space<any>>) dst(%dma_wait3A_831 : memref<128xf32, #tpu.memory_space<any>>)
    %dma_wait3A_834 = arith.constant 2000000 : i32
    %dma_wait3A_835 = tpu.memref_slice %arg2[%dma_wait3A_834] : memref<20001280xf32, #tpu.memory_space<any>> -> memref<128xf32, #tpu.memory_space<any>>
    %dma_wait3A_836 = arith.constant 128 : i32
    %dma_wait3A_837 = tpu.memref_slice %arg1[%dma_wait3A_836] : memref<2560xf32, #tpu.memory_space<any>> -> memref<128xf32, #tpu.memory_space<any>>
    tpu.wait_dma2 semaphore(%arg8 : memref<!tpu.dma_semaphore, #tpu.memory_space<semaphore_mem>>) src(%dma_wait3A_837 : memref<128xf32, #tpu.memory_space<any>>) dst(%dma_wait3A_835 : memref<128xf32, #tpu.memory_space<any>>)
    %dma_wait3A_838 = arith.constant 3000064 : i32
    %dma_wait3A_839 = tpu.memref_slice %arg2[%dma_wait3A_838] : memref<20001280xf32, #tpu.memory_space<any>> -> memref<128xf32, #tpu.memory_space<any>>
    %dma_wait3A_840 = arith.constant 256 : i32
    %dma_wait3A_841 = tpu.memref_slice %arg1[%dma_wait3A_840] : memref<2560xf32, #tpu.memory_space<any>> -> memref<128xf32, #tpu.memory_space<any>>
    tpu.wait_dma2 semaphore(%arg8 : memref<!tpu.dma_semaphore, #tpu.memory_space<semaphore_mem>>) src(%dma_wait3A_841 : memref<128xf32, #tpu.memory_space<any>>) dst(%dma_wait3A_839 : memref<128xf32, #tpu.memory_space<any>>)
    %dma_wait3A_842 = arith.constant 4000128 : i32
    %dma_wait3A_843 = tpu.memref_slice %arg2[%dma_wait3A_842] : memref<20001280xf32, #tpu.memory_space<any>> -> memref<128xf32, #tpu.memory_space<any>>
    %dma_wait3A_844 = arith.constant 384 : i32
    %dma_wait3A_845 = tpu.memref_slice %arg1[%dma_wait3A_844] : memref<2560xf32, #tpu.memory_space<any>> -> memref<128xf32, #tpu.memory_space<any>>
    tpu.wait_dma2 semaphore(%arg8 : memref<!tpu.dma_semaphore, #tpu.memory_space<semaphore_mem>>) src(%dma_wait3A_845 : memref<128xf32, #tpu.memory_space<any>>) dst(%dma_wait3A_843 : memref<128xf32, #tpu.memory_space<any>>)
    %dma_wait3A_846 = arith.constant 5000192 : i32
    %dma_wait3A_847 = tpu.memref_slice %arg2[%dma_wait3A_846] : memref<20001280xf32, #tpu.memory_space<any>> -> memref<128xf32, #tpu.memory_space<any>>
    %dma_wait3A_848 = arith.constant 512 : i32
    %dma_wait3A_849 = tpu.memref_slice %arg1[%dma_wait3A_848] : memref<2560xf32, #tpu.memory_space<any>> -> memref<128xf32, #tpu.memory_space<any>>
    tpu.wait_dma2 semaphore(%arg8 : memref<!tpu.dma_semaphore, #tpu.memory_space<semaphore_mem>>) src(%dma_wait3A_849 : memref<128xf32, #tpu.memory_space<any>>) dst(%dma_wait3A_847 : memref<128xf32, #tpu.memory_space<any>>)
    %dma_wait3A_850 = arith.constant 6000256 : i32
    %dma_wait3A_851 = tpu.memref_slice %arg2[%dma_wait3A_850] : memref<20001280xf32, #tpu.memory_space<any>> -> memref<128xf32, #tpu.memory_space<any>>
    %dma_wait3A_852 = arith.constant 640 : i32
    %dma_wait3A_853 = tpu.memref_slice %arg1[%dma_wait3A_852] : memref<2560xf32, #tpu.memory_space<any>> -> memref<128xf32, #tpu.memory_space<any>>
    tpu.wait_dma2 semaphore(%arg8 : memref<!tpu.dma_semaphore, #tpu.memory_space<semaphore_mem>>) src(%dma_wait3A_853 : memref<128xf32, #tpu.memory_space<any>>) dst(%dma_wait3A_851 : memref<128xf32, #tpu.memory_space<any>>)
    %dma_wait3A_854 = arith.constant 7000320 : i32
    %dma_wait3A_855 = tpu.memref_slice %arg2[%dma_wait3A_854] : memref<20001280xf32, #tpu.memory_space<any>> -> memref<128xf32, #tpu.memory_space<any>>
    %dma_wait3A_856 = arith.constant 768 : i32
    %dma_wait3A_857 = tpu.memref_slice %arg1[%dma_wait3A_856] : memref<2560xf32, #tpu.memory_space<any>> -> memref<128xf32, #tpu.memory_space<any>>
    tpu.wait_dma2 semaphore(%arg8 : memref<!tpu.dma_semaphore, #tpu.memory_space<semaphore_mem>>) src(%dma_wait3A_857 : memref<128xf32, #tpu.memory_space<any>>) dst(%dma_wait3A_855 : memref<128xf32, #tpu.memory_space<any>>)
    %dma_wait3A_858 = arith.constant 8000384 : i32
    %dma_wait3A_859 = tpu.memref_slice %arg2[%dma_wait3A_858] : memref<20001280xf32, #tpu.memory_space<any>> -> memref<128xf32, #tpu.memory_space<any>>
    %dma_wait3A_860 = arith.constant 896 : i32
    %dma_wait3A_861 = tpu.memref_slice %arg1[%dma_wait3A_860] : memref<2560xf32, #tpu.memory_space<any>> -> memref<128xf32, #tpu.memory_space<any>>
    tpu.wait_dma2 semaphore(%arg8 : memref<!tpu.dma_semaphore, #tpu.memory_space<semaphore_mem>>) src(%dma_wait3A_861 : memref<128xf32, #tpu.memory_space<any>>) dst(%dma_wait3A_859 : memref<128xf32, #tpu.memory_space<any>>)
    %dma_wait3A_862 = arith.constant 9000448 : i32
    %dma_wait3A_863 = tpu.memref_slice %arg2[%dma_wait3A_862] : memref<20001280xf32, #tpu.memory_space<any>> -> memref<128xf32, #tpu.memory_space<any>>
    %dma_wait3A_864 = arith.constant 1024 : i32
    %dma_wait3A_865 = tpu.memref_slice %arg1[%dma_wait3A_864] : memref<2560xf32, #tpu.memory_space<any>> -> memref<128xf32, #tpu.memory_space<any>>
    tpu.wait_dma2 semaphore(%arg8 : memref<!tpu.dma_semaphore, #tpu.memory_space<semaphore_mem>>) src(%dma_wait3A_865 : memref<128xf32, #tpu.memory_space<any>>) dst(%dma_wait3A_863 : memref<128xf32, #tpu.memory_space<any>>)
    %dma_wait3A_866 = arith.constant 10000512 : i32
    %dma_wait3A_867 = tpu.memref_slice %arg2[%dma_wait3A_866] : memref<20001280xf32, #tpu.memory_space<any>> -> memref<128xf32, #tpu.memory_space<any>>
    %dma_wait3A_868 = arith.constant 1152 : i32
    %dma_wait3A_869 = tpu.memref_slice %arg1[%dma_wait3A_868] : memref<2560xf32, #tpu.memory_space<any>> -> memref<128xf32, #tpu.memory_space<any>>
    tpu.wait_dma2 semaphore(%arg8 : memref<!tpu.dma_semaphore, #tpu.memory_space<semaphore_mem>>) src(%dma_wait3A_869 : memref<128xf32, #tpu.memory_space<any>>) dst(%dma_wait3A_867 : memref<128xf32, #tpu.memory_space<any>>)
    %dma_wait3A_870 = arith.constant 11000576 : i32
    %dma_wait3A_871 = tpu.memref_slice %arg2[%dma_wait3A_870] : memref<20001280xf32, #tpu.memory_space<any>> -> memref<128xf32, #tpu.memory_space<any>>
    %dma_wait3A_872 = arith.constant 1280 : i32
    %dma_wait3A_873 = tpu.memref_slice %arg1[%dma_wait3A_872] : memref<2560xf32, #tpu.memory_space<any>> -> memref<128xf32, #tpu.memory_space<any>>
    tpu.wait_dma2 semaphore(%arg8 : memref<!tpu.dma_semaphore, #tpu.memory_space<semaphore_mem>>) src(%dma_wait3A_873 : memref<128xf32, #tpu.memory_space<any>>) dst(%dma_wait3A_871 : memref<128xf32, #tpu.memory_space<any>>)
    %dma_wait3A_874 = arith.constant 12000640 : i32
    %dma_wait3A_875 = tpu.memref_slice %arg2[%dma_wait3A_874] : memref<20001280xf32, #tpu.memory_space<any>> -> memref<128xf32, #tpu.memory_space<any>>
    %dma_wait3A_876 = arith.constant 1408 : i32
    %dma_wait3A_877 = tpu.memref_slice %arg1[%dma_wait3A_876] : memref<2560xf32, #tpu.memory_space<any>> -> memref<128xf32, #tpu.memory_space<any>>
    tpu.wait_dma2 semaphore(%arg8 : memref<!tpu.dma_semaphore, #tpu.memory_space<semaphore_mem>>) src(%dma_wait3A_877 : memref<128xf32, #tpu.memory_space<any>>) dst(%dma_wait3A_875 : memref<128xf32, #tpu.memory_space<any>>)
    %dma_wait3A_878 = arith.constant 13000704 : i32
    %dma_wait3A_879 = tpu.memref_slice %arg2[%dma_wait3A_878] : memref<20001280xf32, #tpu.memory_space<any>> -> memref<128xf32, #tpu.memory_space<any>>
    %dma_wait3A_880 = arith.constant 1536 : i32
    %dma_wait3A_881 = tpu.memref_slice %arg1[%dma_wait3A_880] : memref<2560xf32, #tpu.memory_space<any>> -> memref<128xf32, #tpu.memory_space<any>>
    tpu.wait_dma2 semaphore(%arg8 : memref<!tpu.dma_semaphore, #tpu.memory_space<semaphore_mem>>) src(%dma_wait3A_881 : memref<128xf32, #tpu.memory_space<any>>) dst(%dma_wait3A_879 : memref<128xf32, #tpu.memory_space<any>>)
    %dma_wait3A_882 = arith.constant 14000768 : i32
    %dma_wait3A_883 = tpu.memref_slice %arg2[%dma_wait3A_882] : memref<20001280xf32, #tpu.memory_space<any>> -> memref<128xf32, #tpu.memory_space<any>>
    %dma_wait3A_884 = arith.constant 1664 : i32
    %dma_wait3A_885 = tpu.memref_slice %arg1[%dma_wait3A_884] : memref<2560xf32, #tpu.memory_space<any>> -> memref<128xf32, #tpu.memory_space<any>>
    tpu.wait_dma2 semaphore(%arg8 : memref<!tpu.dma_semaphore, #tpu.memory_space<semaphore_mem>>) src(%dma_wait3A_885 : memref<128xf32, #tpu.memory_space<any>>) dst(%dma_wait3A_883 : memref<128xf32, #tpu.memory_space<any>>)
    %dma_wait3A_886 = arith.constant 15000832 : i32
    %dma_wait3A_887 = tpu.memref_slice %arg2[%dma_wait3A_886] : memref<20001280xf32, #tpu.memory_space<any>> -> memref<128xf32, #tpu.memory_space<any>>
    %dma_wait3A_888 = arith.constant 1792 : i32
    %dma_wait3A_889 = tpu.memref_slice %arg1[%dma_wait3A_888] : memref<2560xf32, #tpu.memory_space<any>> -> memref<128xf32, #tpu.memory_space<any>>
    tpu.wait_dma2 semaphore(%arg8 : memref<!tpu.dma_semaphore, #tpu.memory_space<semaphore_mem>>) src(%dma_wait3A_889 : memref<128xf32, #tpu.memory_space<any>>) dst(%dma_wait3A_887 : memref<128xf32, #tpu.memory_space<any>>)
    %dma_wait3A_890 = arith.constant 16000896 : i32
    %dma_wait3A_891 = tpu.memref_slice %arg2[%dma_wait3A_890] : memref<20001280xf32, #tpu.memory_space<any>> -> memref<128xf32, #tpu.memory_space<any>>
    %dma_wait3A_892 = arith.constant 1920 : i32
    %dma_wait3A_893 = tpu.memref_slice %arg1[%dma_wait3A_892] : memref<2560xf32, #tpu.memory_space<any>> -> memref<128xf32, #tpu.memory_space<any>>
    tpu.wait_dma2 semaphore(%arg8 : memref<!tpu.dma_semaphore, #tpu.memory_space<semaphore_mem>>) src(%dma_wait3A_893 : memref<128xf32, #tpu.memory_space<any>>) dst(%dma_wait3A_891 : memref<128xf32, #tpu.memory_space<any>>)
    %dma_wait3A_894 = arith.constant 17000960 : i32
    %dma_wait3A_895 = tpu.memref_slice %arg2[%dma_wait3A_894] : memref<20001280xf32, #tpu.memory_space<any>> -> memref<128xf32, #tpu.memory_space<any>>
    %dma_wait3A_896 = arith.constant 2048 : i32
    %dma_wait3A_897 = tpu.memref_slice %arg1[%dma_wait3A_896] : memref<2560xf32, #tpu.memory_space<any>> -> memref<128xf32, #tpu.memory_space<any>>
    tpu.wait_dma2 semaphore(%arg8 : memref<!tpu.dma_semaphore, #tpu.memory_space<semaphore_mem>>) src(%dma_wait3A_897 : memref<128xf32, #tpu.memory_space<any>>) dst(%dma_wait3A_895 : memref<128xf32, #tpu.memory_space<any>>)
    %dma_wait3A_898 = arith.constant 18001024 : i32
    %dma_wait3A_899 = tpu.memref_slice %arg2[%dma_wait3A_898] : memref<20001280xf32, #tpu.memory_space<any>> -> memref<128xf32, #tpu.memory_space<any>>
    %dma_wait3A_900 = arith.constant 2176 : i32
    %dma_wait3A_901 = tpu.memref_slice %arg1[%dma_wait3A_900] : memref<2560xf32, #tpu.memory_space<any>> -> memref<128xf32, #tpu.memory_space<any>>
    tpu.wait_dma2 semaphore(%arg8 : memref<!tpu.dma_semaphore, #tpu.memory_space<semaphore_mem>>) src(%dma_wait3A_901 : memref<128xf32, #tpu.memory_space<any>>) dst(%dma_wait3A_899 : memref<128xf32, #tpu.memory_space<any>>)
    %dma_wait3A_902 = arith.constant 19001088 : i32
    %dma_wait3A_903 = tpu.memref_slice %arg2[%dma_wait3A_902] : memref<20001280xf32, #tpu.memory_space<any>> -> memref<128xf32, #tpu.memory_space<any>>
    %dma_wait3A_904 = arith.constant 2304 : i32
    %dma_wait3A_905 = tpu.memref_slice %arg1[%dma_wait3A_904] : memref<2560xf32, #tpu.memory_space<any>> -> memref<128xf32, #tpu.memory_space<any>>
    tpu.wait_dma2 semaphore(%arg8 : memref<!tpu.dma_semaphore, #tpu.memory_space<semaphore_mem>>) src(%dma_wait3A_905 : memref<128xf32, #tpu.memory_space<any>>) dst(%dma_wait3A_903 : memref<128xf32, #tpu.memory_space<any>>)
    %dma_wait3A_906 = arith.constant 20001152 : i32
    %dma_wait3A_907 = tpu.memref_slice %arg2[%dma_wait3A_906] : memref<20001280xf32, #tpu.memory_space<any>> -> memref<128xf32, #tpu.memory_space<any>>
    %dma_wait3A_908 = arith.constant 2432 : i32
    %dma_wait3A_909 = tpu.memref_slice %arg1[%dma_wait3A_908] : memref<2560xf32, #tpu.memory_space<any>> -> memref<128xf32, #tpu.memory_space<any>>
    tpu.wait_dma2 semaphore(%arg8 : memref<!tpu.dma_semaphore, #tpu.memory_space<semaphore_mem>>) src(%dma_wait3A_909 : memref<128xf32, #tpu.memory_space<any>>) dst(%dma_wait3A_907 : memref<128xf32, #tpu.memory_space<any>>)
    return
  }
}

module attributes {stable_mosaic.version = 14 : i64} {
  func.func @body(%arg0: memref<26x1000000xf32, #tpu.memory_space<any>>, %arg1: memref<768xf32, #tpu.memory_space<any>>, %arg2: memref<6000384xf32, #tpu.memory_space<any>>, %arg3: memref<2x8x499968xf32, #tpu.memory_space<vmem>>, %arg4: memref<!tpu.dma_semaphore, #tpu.memory_space<semaphore_mem>>, %arg5: memref<!tpu.dma_semaphore, #tpu.memory_space<semaphore_mem>>, %arg6: memref<!tpu.dma_semaphore, #tpu.memory_space<semaphore_mem>>, %arg7: memref<!tpu.dma_semaphore, #tpu.memory_space<semaphore_mem>>, %arg8: memref<!tpu.dma_semaphore, #tpu.memory_space<semaphore_mem>>) attributes {dimension_semantics = [], scalar_prefetch = 0 : i64, scratch_operands = 6 : i64, tpu.core_type = #tpu.core_type<tc>} {
    %dma_start3A = arith.constant 999936 : i32
    %dma_start3A_0 = tpu.memref_slice %arg2[%dma_start3A] : memref<6000384xf32, #tpu.memory_space<any>> -> memref<128xf32, #tpu.memory_space<any>>
    %dma_start3A_1 = arith.constant 0 : i32
    %dma_start3A_2 = tpu.memref_slice %arg1[%dma_start3A_1] : memref<768xf32, #tpu.memory_space<any>> -> memref<128xf32, #tpu.memory_space<any>>
    tpu.enqueue_dma source(%dma_start3A_2 : memref<128xf32, #tpu.memory_space<any>>) target(%dma_start3A_0 : memref<128xf32, #tpu.memory_space<any>>) target_semaphore(%arg8 : memref<!tpu.dma_semaphore, #tpu.memory_space<semaphore_mem>>)
    %dma_start3A_3 = arith.constant 2000000 : i32
    %dma_start3A_4 = tpu.memref_slice %arg2[%dma_start3A_3] : memref<6000384xf32, #tpu.memory_space<any>> -> memref<128xf32, #tpu.memory_space<any>>
    %dma_start3A_5 = arith.constant 128 : i32
    %dma_start3A_6 = tpu.memref_slice %arg1[%dma_start3A_5] : memref<768xf32, #tpu.memory_space<any>> -> memref<128xf32, #tpu.memory_space<any>>
    tpu.enqueue_dma source(%dma_start3A_6 : memref<128xf32, #tpu.memory_space<any>>) target(%dma_start3A_4 : memref<128xf32, #tpu.memory_space<any>>) target_semaphore(%arg8 : memref<!tpu.dma_semaphore, #tpu.memory_space<semaphore_mem>>)
    %dma_start3A_7 = arith.constant 3000064 : i32
    %dma_start3A_8 = tpu.memref_slice %arg2[%dma_start3A_7] : memref<6000384xf32, #tpu.memory_space<any>> -> memref<128xf32, #tpu.memory_space<any>>
    %dma_start3A_9 = arith.constant 256 : i32
    %dma_start3A_10 = tpu.memref_slice %arg1[%dma_start3A_9] : memref<768xf32, #tpu.memory_space<any>> -> memref<128xf32, #tpu.memory_space<any>>
    tpu.enqueue_dma source(%dma_start3A_10 : memref<128xf32, #tpu.memory_space<any>>) target(%dma_start3A_8 : memref<128xf32, #tpu.memory_space<any>>) target_semaphore(%arg8 : memref<!tpu.dma_semaphore, #tpu.memory_space<semaphore_mem>>)
    %dma_start3A_11 = arith.constant 4000128 : i32
    %dma_start3A_12 = tpu.memref_slice %arg2[%dma_start3A_11] : memref<6000384xf32, #tpu.memory_space<any>> -> memref<128xf32, #tpu.memory_space<any>>
    %dma_start3A_13 = arith.constant 384 : i32
    %dma_start3A_14 = tpu.memref_slice %arg1[%dma_start3A_13] : memref<768xf32, #tpu.memory_space<any>> -> memref<128xf32, #tpu.memory_space<any>>
    tpu.enqueue_dma source(%dma_start3A_14 : memref<128xf32, #tpu.memory_space<any>>) target(%dma_start3A_12 : memref<128xf32, #tpu.memory_space<any>>) target_semaphore(%arg8 : memref<!tpu.dma_semaphore, #tpu.memory_space<semaphore_mem>>)
    %dma_start3A_15 = arith.constant 5000192 : i32
    %dma_start3A_16 = tpu.memref_slice %arg2[%dma_start3A_15] : memref<6000384xf32, #tpu.memory_space<any>> -> memref<128xf32, #tpu.memory_space<any>>
    %dma_start3A_17 = arith.constant 512 : i32
    %dma_start3A_18 = tpu.memref_slice %arg1[%dma_start3A_17] : memref<768xf32, #tpu.memory_space<any>> -> memref<128xf32, #tpu.memory_space<any>>
    tpu.enqueue_dma source(%dma_start3A_18 : memref<128xf32, #tpu.memory_space<any>>) target(%dma_start3A_16 : memref<128xf32, #tpu.memory_space<any>>) target_semaphore(%arg8 : memref<!tpu.dma_semaphore, #tpu.memory_space<semaphore_mem>>)
    %dma_start3A_19 = arith.constant 6000256 : i32
    %dma_start3A_20 = tpu.memref_slice %arg2[%dma_start3A_19] : memref<6000384xf32, #tpu.memory_space<any>> -> memref<128xf32, #tpu.memory_space<any>>
    %dma_start3A_21 = arith.constant 640 : i32
    %dma_start3A_22 = tpu.memref_slice %arg1[%dma_start3A_21] : memref<768xf32, #tpu.memory_space<any>> -> memref<128xf32, #tpu.memory_space<any>>
    tpu.enqueue_dma source(%dma_start3A_22 : memref<128xf32, #tpu.memory_space<any>>) target(%dma_start3A_20 : memref<128xf32, #tpu.memory_space<any>>) target_semaphore(%arg8 : memref<!tpu.dma_semaphore, #tpu.memory_space<semaphore_mem>>)
    %dma_start3A_23 = arith.constant 0 : i32
    %dma_start3A_24 = arith.constant 0 : i32
    %dma_start3A_25 = arith.constant 0 : i32
    %dma_start3A_26 = tpu.memref_slice %arg3[%dma_start3A_23, %dma_start3A_24, %dma_start3A_25] : memref<2x8x499968xf32, #tpu.memory_space<vmem>> -> memref<1x1x499968xf32, #tpu.memory_space<vmem>>
    %dma_start3A_27 = tpu.memref_squeeze %dma_start3A_26 : memref<1x1x499968xf32, #tpu.memory_space<vmem>> -> memref<1x499968xf32, #tpu.memory_space<vmem>>
    %dma_start3A_28 = arith.constant 20 : i32
    %dma_start3A_29 = arith.constant 0 : i32
    %dma_start3A_30 = tpu.memref_slice %arg0[%dma_start3A_28, %dma_start3A_29] : memref<26x1000000xf32, #tpu.memory_space<any>> -> memref<1x499968xf32, #tpu.memory_space<any>>
    tpu.enqueue_dma source(%dma_start3A_30 : memref<1x499968xf32, #tpu.memory_space<any>>) target(%dma_start3A_27 : memref<1x499968xf32, #tpu.memory_space<vmem>>) target_semaphore(%arg4 : memref<!tpu.dma_semaphore, #tpu.memory_space<semaphore_mem>>)
    %dma_start3A_31 = arith.constant 0 : i32
    %dma_start3A_32 = arith.constant 1 : i32
    %dma_start3A_33 = arith.constant 0 : i32
    %dma_start3A_34 = tpu.memref_slice %arg3[%dma_start3A_31, %dma_start3A_32, %dma_start3A_33] : memref<2x8x499968xf32, #tpu.memory_space<vmem>> -> memref<1x1x499968xf32, #tpu.memory_space<vmem>>
    %dma_start3A_35 = tpu.memref_squeeze %dma_start3A_34 : memref<1x1x499968xf32, #tpu.memory_space<vmem>> -> memref<1x499968xf32, #tpu.memory_space<vmem>>
    %dma_start3A_36 = arith.constant 21 : i32
    %dma_start3A_37 = arith.constant 0 : i32
    %dma_start3A_38 = tpu.memref_slice %arg0[%dma_start3A_36, %dma_start3A_37] : memref<26x1000000xf32, #tpu.memory_space<any>> -> memref<1x499968xf32, #tpu.memory_space<any>>
    tpu.enqueue_dma source(%dma_start3A_38 : memref<1x499968xf32, #tpu.memory_space<any>>) target(%dma_start3A_35 : memref<1x499968xf32, #tpu.memory_space<vmem>>) target_semaphore(%arg4 : memref<!tpu.dma_semaphore, #tpu.memory_space<semaphore_mem>>)
    %dma_start3A_39 = arith.constant 0 : i32
    %dma_start3A_40 = arith.constant 2 : i32
    %dma_start3A_41 = arith.constant 0 : i32
    %dma_start3A_42 = tpu.memref_slice %arg3[%dma_start3A_39, %dma_start3A_40, %dma_start3A_41] : memref<2x8x499968xf32, #tpu.memory_space<vmem>> -> memref<1x1x499968xf32, #tpu.memory_space<vmem>>
    %dma_start3A_43 = tpu.memref_squeeze %dma_start3A_42 : memref<1x1x499968xf32, #tpu.memory_space<vmem>> -> memref<1x499968xf32, #tpu.memory_space<vmem>>
    %dma_start3A_44 = arith.constant 22 : i32
    %dma_start3A_45 = arith.constant 0 : i32
    %dma_start3A_46 = tpu.memref_slice %arg0[%dma_start3A_44, %dma_start3A_45] : memref<26x1000000xf32, #tpu.memory_space<any>> -> memref<1x499968xf32, #tpu.memory_space<any>>
    tpu.enqueue_dma source(%dma_start3A_46 : memref<1x499968xf32, #tpu.memory_space<any>>) target(%dma_start3A_43 : memref<1x499968xf32, #tpu.memory_space<vmem>>) target_semaphore(%arg4 : memref<!tpu.dma_semaphore, #tpu.memory_space<semaphore_mem>>)
    %dma_start3A_47 = arith.constant 0 : i32
    %dma_start3A_48 = arith.constant 3 : i32
    %dma_start3A_49 = arith.constant 0 : i32
    %dma_start3A_50 = tpu.memref_slice %arg3[%dma_start3A_47, %dma_start3A_48, %dma_start3A_49] : memref<2x8x499968xf32, #tpu.memory_space<vmem>> -> memref<1x1x499968xf32, #tpu.memory_space<vmem>>
    %dma_start3A_51 = tpu.memref_squeeze %dma_start3A_50 : memref<1x1x499968xf32, #tpu.memory_space<vmem>> -> memref<1x499968xf32, #tpu.memory_space<vmem>>
    %dma_start3A_52 = arith.constant 23 : i32
    %dma_start3A_53 = arith.constant 0 : i32
    %dma_start3A_54 = tpu.memref_slice %arg0[%dma_start3A_52, %dma_start3A_53] : memref<26x1000000xf32, #tpu.memory_space<any>> -> memref<1x499968xf32, #tpu.memory_space<any>>
    tpu.enqueue_dma source(%dma_start3A_54 : memref<1x499968xf32, #tpu.memory_space<any>>) target(%dma_start3A_51 : memref<1x499968xf32, #tpu.memory_space<vmem>>) target_semaphore(%arg4 : memref<!tpu.dma_semaphore, #tpu.memory_space<semaphore_mem>>)
    %dma_start3A_55 = arith.constant 0 : i32
    %dma_start3A_56 = arith.constant 4 : i32
    %dma_start3A_57 = arith.constant 0 : i32
    %dma_start3A_58 = tpu.memref_slice %arg3[%dma_start3A_55, %dma_start3A_56, %dma_start3A_57] : memref<2x8x499968xf32, #tpu.memory_space<vmem>> -> memref<1x1x499968xf32, #tpu.memory_space<vmem>>
    %dma_start3A_59 = tpu.memref_squeeze %dma_start3A_58 : memref<1x1x499968xf32, #tpu.memory_space<vmem>> -> memref<1x499968xf32, #tpu.memory_space<vmem>>
    %dma_start3A_60 = arith.constant 24 : i32
    %dma_start3A_61 = arith.constant 0 : i32
    %dma_start3A_62 = tpu.memref_slice %arg0[%dma_start3A_60, %dma_start3A_61] : memref<26x1000000xf32, #tpu.memory_space<any>> -> memref<1x499968xf32, #tpu.memory_space<any>>
    tpu.enqueue_dma source(%dma_start3A_62 : memref<1x499968xf32, #tpu.memory_space<any>>) target(%dma_start3A_59 : memref<1x499968xf32, #tpu.memory_space<vmem>>) target_semaphore(%arg4 : memref<!tpu.dma_semaphore, #tpu.memory_space<semaphore_mem>>)
    %dma_start3A_63 = arith.constant 0 : i32
    %dma_start3A_64 = arith.constant 5 : i32
    %dma_start3A_65 = arith.constant 0 : i32
    %dma_start3A_66 = tpu.memref_slice %arg3[%dma_start3A_63, %dma_start3A_64, %dma_start3A_65] : memref<2x8x499968xf32, #tpu.memory_space<vmem>> -> memref<1x1x499968xf32, #tpu.memory_space<vmem>>
    %dma_start3A_67 = tpu.memref_squeeze %dma_start3A_66 : memref<1x1x499968xf32, #tpu.memory_space<vmem>> -> memref<1x499968xf32, #tpu.memory_space<vmem>>
    %dma_start3A_68 = arith.constant 25 : i32
    %dma_start3A_69 = arith.constant 0 : i32
    %dma_start3A_70 = tpu.memref_slice %arg0[%dma_start3A_68, %dma_start3A_69] : memref<26x1000000xf32, #tpu.memory_space<any>> -> memref<1x499968xf32, #tpu.memory_space<any>>
    tpu.enqueue_dma source(%dma_start3A_70 : memref<1x499968xf32, #tpu.memory_space<any>>) target(%dma_start3A_67 : memref<1x499968xf32, #tpu.memory_space<vmem>>) target_semaphore(%arg4 : memref<!tpu.dma_semaphore, #tpu.memory_space<semaphore_mem>>)
    %dma_start3A_71 = arith.constant 1 : i32
    %dma_start3A_72 = arith.constant 0 : i32
    %dma_start3A_73 = arith.constant 0 : i32
    %dma_start3A_74 = tpu.memref_slice %arg3[%dma_start3A_71, %dma_start3A_72, %dma_start3A_73] : memref<2x8x499968xf32, #tpu.memory_space<vmem>> -> memref<1x1x499968xf32, #tpu.memory_space<vmem>>
    %dma_start3A_75 = tpu.memref_squeeze %dma_start3A_74 : memref<1x1x499968xf32, #tpu.memory_space<vmem>> -> memref<1x499968xf32, #tpu.memory_space<vmem>>
    %dma_start3A_76 = arith.constant 20 : i32
    %dma_start3A_77 = arith.constant 499968 : i32
    %dma_start3A_78 = tpu.memref_slice %arg0[%dma_start3A_76, %dma_start3A_77] : memref<26x1000000xf32, #tpu.memory_space<any>> -> memref<1x499968xf32, #tpu.memory_space<any>>
    tpu.enqueue_dma source(%dma_start3A_78 : memref<1x499968xf32, #tpu.memory_space<any>>) target(%dma_start3A_75 : memref<1x499968xf32, #tpu.memory_space<vmem>>) target_semaphore(%arg5 : memref<!tpu.dma_semaphore, #tpu.memory_space<semaphore_mem>>)
    %dma_start3A_79 = arith.constant 1 : i32
    %dma_start3A_80 = arith.constant 1 : i32
    %dma_start3A_81 = arith.constant 0 : i32
    %dma_start3A_82 = tpu.memref_slice %arg3[%dma_start3A_79, %dma_start3A_80, %dma_start3A_81] : memref<2x8x499968xf32, #tpu.memory_space<vmem>> -> memref<1x1x499968xf32, #tpu.memory_space<vmem>>
    %dma_start3A_83 = tpu.memref_squeeze %dma_start3A_82 : memref<1x1x499968xf32, #tpu.memory_space<vmem>> -> memref<1x499968xf32, #tpu.memory_space<vmem>>
    %dma_start3A_84 = arith.constant 21 : i32
    %dma_start3A_85 = arith.constant 499968 : i32
    %dma_start3A_86 = tpu.memref_slice %arg0[%dma_start3A_84, %dma_start3A_85] : memref<26x1000000xf32, #tpu.memory_space<any>> -> memref<1x499968xf32, #tpu.memory_space<any>>
    tpu.enqueue_dma source(%dma_start3A_86 : memref<1x499968xf32, #tpu.memory_space<any>>) target(%dma_start3A_83 : memref<1x499968xf32, #tpu.memory_space<vmem>>) target_semaphore(%arg5 : memref<!tpu.dma_semaphore, #tpu.memory_space<semaphore_mem>>)
    %dma_start3A_87 = arith.constant 1 : i32
    %dma_start3A_88 = arith.constant 2 : i32
    %dma_start3A_89 = arith.constant 0 : i32
    %dma_start3A_90 = tpu.memref_slice %arg3[%dma_start3A_87, %dma_start3A_88, %dma_start3A_89] : memref<2x8x499968xf32, #tpu.memory_space<vmem>> -> memref<1x1x499968xf32, #tpu.memory_space<vmem>>
    %dma_start3A_91 = tpu.memref_squeeze %dma_start3A_90 : memref<1x1x499968xf32, #tpu.memory_space<vmem>> -> memref<1x499968xf32, #tpu.memory_space<vmem>>
    %dma_start3A_92 = arith.constant 22 : i32
    %dma_start3A_93 = arith.constant 499968 : i32
    %dma_start3A_94 = tpu.memref_slice %arg0[%dma_start3A_92, %dma_start3A_93] : memref<26x1000000xf32, #tpu.memory_space<any>> -> memref<1x499968xf32, #tpu.memory_space<any>>
    tpu.enqueue_dma source(%dma_start3A_94 : memref<1x499968xf32, #tpu.memory_space<any>>) target(%dma_start3A_91 : memref<1x499968xf32, #tpu.memory_space<vmem>>) target_semaphore(%arg5 : memref<!tpu.dma_semaphore, #tpu.memory_space<semaphore_mem>>)
    %dma_start3A_95 = arith.constant 1 : i32
    %dma_start3A_96 = arith.constant 3 : i32
    %dma_start3A_97 = arith.constant 0 : i32
    %dma_start3A_98 = tpu.memref_slice %arg3[%dma_start3A_95, %dma_start3A_96, %dma_start3A_97] : memref<2x8x499968xf32, #tpu.memory_space<vmem>> -> memref<1x1x499968xf32, #tpu.memory_space<vmem>>
    %dma_start3A_99 = tpu.memref_squeeze %dma_start3A_98 : memref<1x1x499968xf32, #tpu.memory_space<vmem>> -> memref<1x499968xf32, #tpu.memory_space<vmem>>
    %dma_start3A_100 = arith.constant 23 : i32
    %dma_start3A_101 = arith.constant 499968 : i32
    %dma_start3A_102 = tpu.memref_slice %arg0[%dma_start3A_100, %dma_start3A_101] : memref<26x1000000xf32, #tpu.memory_space<any>> -> memref<1x499968xf32, #tpu.memory_space<any>>
    tpu.enqueue_dma source(%dma_start3A_102 : memref<1x499968xf32, #tpu.memory_space<any>>) target(%dma_start3A_99 : memref<1x499968xf32, #tpu.memory_space<vmem>>) target_semaphore(%arg5 : memref<!tpu.dma_semaphore, #tpu.memory_space<semaphore_mem>>)
    %dma_start3A_103 = arith.constant 1 : i32
    %dma_start3A_104 = arith.constant 4 : i32
    %dma_start3A_105 = arith.constant 0 : i32
    %dma_start3A_106 = tpu.memref_slice %arg3[%dma_start3A_103, %dma_start3A_104, %dma_start3A_105] : memref<2x8x499968xf32, #tpu.memory_space<vmem>> -> memref<1x1x499968xf32, #tpu.memory_space<vmem>>
    %dma_start3A_107 = tpu.memref_squeeze %dma_start3A_106 : memref<1x1x499968xf32, #tpu.memory_space<vmem>> -> memref<1x499968xf32, #tpu.memory_space<vmem>>
    %dma_start3A_108 = arith.constant 24 : i32
    %dma_start3A_109 = arith.constant 499968 : i32
    %dma_start3A_110 = tpu.memref_slice %arg0[%dma_start3A_108, %dma_start3A_109] : memref<26x1000000xf32, #tpu.memory_space<any>> -> memref<1x499968xf32, #tpu.memory_space<any>>
    tpu.enqueue_dma source(%dma_start3A_110 : memref<1x499968xf32, #tpu.memory_space<any>>) target(%dma_start3A_107 : memref<1x499968xf32, #tpu.memory_space<vmem>>) target_semaphore(%arg5 : memref<!tpu.dma_semaphore, #tpu.memory_space<semaphore_mem>>)
    %dma_start3A_111 = arith.constant 1 : i32
    %dma_start3A_112 = arith.constant 5 : i32
    %dma_start3A_113 = arith.constant 0 : i32
    %dma_start3A_114 = tpu.memref_slice %arg3[%dma_start3A_111, %dma_start3A_112, %dma_start3A_113] : memref<2x8x499968xf32, #tpu.memory_space<vmem>> -> memref<1x1x499968xf32, #tpu.memory_space<vmem>>
    %dma_start3A_115 = tpu.memref_squeeze %dma_start3A_114 : memref<1x1x499968xf32, #tpu.memory_space<vmem>> -> memref<1x499968xf32, #tpu.memory_space<vmem>>
    %dma_start3A_116 = arith.constant 25 : i32
    %dma_start3A_117 = arith.constant 499968 : i32
    %dma_start3A_118 = tpu.memref_slice %arg0[%dma_start3A_116, %dma_start3A_117] : memref<26x1000000xf32, #tpu.memory_space<any>> -> memref<1x499968xf32, #tpu.memory_space<any>>
    tpu.enqueue_dma source(%dma_start3A_118 : memref<1x499968xf32, #tpu.memory_space<any>>) target(%dma_start3A_115 : memref<1x499968xf32, #tpu.memory_space<vmem>>) target_semaphore(%arg5 : memref<!tpu.dma_semaphore, #tpu.memory_space<semaphore_mem>>)
    %dma_wait3A = arith.constant 0 : i32
    %dma_wait3A_119 = arith.constant 0 : i32
    %dma_wait3A_120 = arith.constant 0 : i32
    %dma_wait3A_121 = tpu.memref_slice %arg3[%dma_wait3A, %dma_wait3A_119, %dma_wait3A_120] : memref<2x8x499968xf32, #tpu.memory_space<vmem>> -> memref<1x1x499968xf32, #tpu.memory_space<vmem>>
    %dma_wait3A_122 = tpu.memref_squeeze %dma_wait3A_121 : memref<1x1x499968xf32, #tpu.memory_space<vmem>> -> memref<1x499968xf32, #tpu.memory_space<vmem>>
    %dma_wait3A_123 = arith.constant 20 : i32
    %dma_wait3A_124 = arith.constant 0 : i32
    %dma_wait3A_125 = tpu.memref_slice %arg0[%dma_wait3A_123, %dma_wait3A_124] : memref<26x1000000xf32, #tpu.memory_space<any>> -> memref<1x499968xf32, #tpu.memory_space<any>>
    tpu.wait_dma2 semaphore(%arg4 : memref<!tpu.dma_semaphore, #tpu.memory_space<semaphore_mem>>) src(%dma_wait3A_125 : memref<1x499968xf32, #tpu.memory_space<any>>) dst(%dma_wait3A_122 : memref<1x499968xf32, #tpu.memory_space<vmem>>)
    %dma_wait3A_126 = arith.constant 0 : i32
    %dma_wait3A_127 = arith.constant 1 : i32
    %dma_wait3A_128 = arith.constant 0 : i32
    %dma_wait3A_129 = tpu.memref_slice %arg3[%dma_wait3A_126, %dma_wait3A_127, %dma_wait3A_128] : memref<2x8x499968xf32, #tpu.memory_space<vmem>> -> memref<1x1x499968xf32, #tpu.memory_space<vmem>>
    %dma_wait3A_130 = tpu.memref_squeeze %dma_wait3A_129 : memref<1x1x499968xf32, #tpu.memory_space<vmem>> -> memref<1x499968xf32, #tpu.memory_space<vmem>>
    %dma_wait3A_131 = arith.constant 21 : i32
    %dma_wait3A_132 = arith.constant 0 : i32
    %dma_wait3A_133 = tpu.memref_slice %arg0[%dma_wait3A_131, %dma_wait3A_132] : memref<26x1000000xf32, #tpu.memory_space<any>> -> memref<1x499968xf32, #tpu.memory_space<any>>
    tpu.wait_dma2 semaphore(%arg4 : memref<!tpu.dma_semaphore, #tpu.memory_space<semaphore_mem>>) src(%dma_wait3A_133 : memref<1x499968xf32, #tpu.memory_space<any>>) dst(%dma_wait3A_130 : memref<1x499968xf32, #tpu.memory_space<vmem>>)
    %dma_wait3A_134 = arith.constant 0 : i32
    %dma_wait3A_135 = arith.constant 2 : i32
    %dma_wait3A_136 = arith.constant 0 : i32
    %dma_wait3A_137 = tpu.memref_slice %arg3[%dma_wait3A_134, %dma_wait3A_135, %dma_wait3A_136] : memref<2x8x499968xf32, #tpu.memory_space<vmem>> -> memref<1x1x499968xf32, #tpu.memory_space<vmem>>
    %dma_wait3A_138 = tpu.memref_squeeze %dma_wait3A_137 : memref<1x1x499968xf32, #tpu.memory_space<vmem>> -> memref<1x499968xf32, #tpu.memory_space<vmem>>
    %dma_wait3A_139 = arith.constant 22 : i32
    %dma_wait3A_140 = arith.constant 0 : i32
    %dma_wait3A_141 = tpu.memref_slice %arg0[%dma_wait3A_139, %dma_wait3A_140] : memref<26x1000000xf32, #tpu.memory_space<any>> -> memref<1x499968xf32, #tpu.memory_space<any>>
    tpu.wait_dma2 semaphore(%arg4 : memref<!tpu.dma_semaphore, #tpu.memory_space<semaphore_mem>>) src(%dma_wait3A_141 : memref<1x499968xf32, #tpu.memory_space<any>>) dst(%dma_wait3A_138 : memref<1x499968xf32, #tpu.memory_space<vmem>>)
    %dma_wait3A_142 = arith.constant 0 : i32
    %dma_wait3A_143 = arith.constant 3 : i32
    %dma_wait3A_144 = arith.constant 0 : i32
    %dma_wait3A_145 = tpu.memref_slice %arg3[%dma_wait3A_142, %dma_wait3A_143, %dma_wait3A_144] : memref<2x8x499968xf32, #tpu.memory_space<vmem>> -> memref<1x1x499968xf32, #tpu.memory_space<vmem>>
    %dma_wait3A_146 = tpu.memref_squeeze %dma_wait3A_145 : memref<1x1x499968xf32, #tpu.memory_space<vmem>> -> memref<1x499968xf32, #tpu.memory_space<vmem>>
    %dma_wait3A_147 = arith.constant 23 : i32
    %dma_wait3A_148 = arith.constant 0 : i32
    %dma_wait3A_149 = tpu.memref_slice %arg0[%dma_wait3A_147, %dma_wait3A_148] : memref<26x1000000xf32, #tpu.memory_space<any>> -> memref<1x499968xf32, #tpu.memory_space<any>>
    tpu.wait_dma2 semaphore(%arg4 : memref<!tpu.dma_semaphore, #tpu.memory_space<semaphore_mem>>) src(%dma_wait3A_149 : memref<1x499968xf32, #tpu.memory_space<any>>) dst(%dma_wait3A_146 : memref<1x499968xf32, #tpu.memory_space<vmem>>)
    %dma_wait3A_150 = arith.constant 0 : i32
    %dma_wait3A_151 = arith.constant 4 : i32
    %dma_wait3A_152 = arith.constant 0 : i32
    %dma_wait3A_153 = tpu.memref_slice %arg3[%dma_wait3A_150, %dma_wait3A_151, %dma_wait3A_152] : memref<2x8x499968xf32, #tpu.memory_space<vmem>> -> memref<1x1x499968xf32, #tpu.memory_space<vmem>>
    %dma_wait3A_154 = tpu.memref_squeeze %dma_wait3A_153 : memref<1x1x499968xf32, #tpu.memory_space<vmem>> -> memref<1x499968xf32, #tpu.memory_space<vmem>>
    %dma_wait3A_155 = arith.constant 24 : i32
    %dma_wait3A_156 = arith.constant 0 : i32
    %dma_wait3A_157 = tpu.memref_slice %arg0[%dma_wait3A_155, %dma_wait3A_156] : memref<26x1000000xf32, #tpu.memory_space<any>> -> memref<1x499968xf32, #tpu.memory_space<any>>
    tpu.wait_dma2 semaphore(%arg4 : memref<!tpu.dma_semaphore, #tpu.memory_space<semaphore_mem>>) src(%dma_wait3A_157 : memref<1x499968xf32, #tpu.memory_space<any>>) dst(%dma_wait3A_154 : memref<1x499968xf32, #tpu.memory_space<vmem>>)
    %dma_wait3A_158 = arith.constant 0 : i32
    %dma_wait3A_159 = arith.constant 5 : i32
    %dma_wait3A_160 = arith.constant 0 : i32
    %dma_wait3A_161 = tpu.memref_slice %arg3[%dma_wait3A_158, %dma_wait3A_159, %dma_wait3A_160] : memref<2x8x499968xf32, #tpu.memory_space<vmem>> -> memref<1x1x499968xf32, #tpu.memory_space<vmem>>
    %dma_wait3A_162 = tpu.memref_squeeze %dma_wait3A_161 : memref<1x1x499968xf32, #tpu.memory_space<vmem>> -> memref<1x499968xf32, #tpu.memory_space<vmem>>
    %dma_wait3A_163 = arith.constant 25 : i32
    %dma_wait3A_164 = arith.constant 0 : i32
    %dma_wait3A_165 = tpu.memref_slice %arg0[%dma_wait3A_163, %dma_wait3A_164] : memref<26x1000000xf32, #tpu.memory_space<any>> -> memref<1x499968xf32, #tpu.memory_space<any>>
    tpu.wait_dma2 semaphore(%arg4 : memref<!tpu.dma_semaphore, #tpu.memory_space<semaphore_mem>>) src(%dma_wait3A_165 : memref<1x499968xf32, #tpu.memory_space<any>>) dst(%dma_wait3A_162 : memref<1x499968xf32, #tpu.memory_space<vmem>>)
    %dma_start3A_166 = arith.constant 0 : i32
    %dma_start3A_167 = arith.constant 0 : i32
    %dma_start3A_168 = arith.constant 0 : i32
    %dma_start3A_169 = tpu.memref_slice %arg2[%dma_start3A_168] : memref<6000384xf32, #tpu.memory_space<any>> -> memref<499968xf32, #tpu.memory_space<any>>
    %dma_start3A_170 = arith.constant 0 : i32
    %dma_start3A_171 = tpu.memref_slice %arg3[%dma_start3A_166, %dma_start3A_167, %dma_start3A_170] : memref<2x8x499968xf32, #tpu.memory_space<vmem>> -> memref<1x1x499968xf32, #tpu.memory_space<vmem>>
    %dma_start3A_172 = tpu.memref_squeeze %dma_start3A_171 : memref<1x1x499968xf32, #tpu.memory_space<vmem>> -> memref<499968xf32, #tpu.memory_space<vmem>>
    tpu.enqueue_dma source(%dma_start3A_172 : memref<499968xf32, #tpu.memory_space<vmem>>) target(%dma_start3A_169 : memref<499968xf32, #tpu.memory_space<any>>) target_semaphore(%arg6 : memref<!tpu.dma_semaphore, #tpu.memory_space<semaphore_mem>>)
    %dma_start3A_173 = arith.constant 0 : i32
    %dma_start3A_174 = arith.constant 1 : i32
    %dma_start3A_175 = arith.constant 1000064 : i32
    %dma_start3A_176 = tpu.memref_slice %arg2[%dma_start3A_175] : memref<6000384xf32, #tpu.memory_space<any>> -> memref<499968xf32, #tpu.memory_space<any>>
    %dma_start3A_177 = arith.constant 0 : i32
    %dma_start3A_178 = tpu.memref_slice %arg3[%dma_start3A_173, %dma_start3A_174, %dma_start3A_177] : memref<2x8x499968xf32, #tpu.memory_space<vmem>> -> memref<1x1x499968xf32, #tpu.memory_space<vmem>>
    %dma_start3A_179 = tpu.memref_squeeze %dma_start3A_178 : memref<1x1x499968xf32, #tpu.memory_space<vmem>> -> memref<499968xf32, #tpu.memory_space<vmem>>
    tpu.enqueue_dma source(%dma_start3A_179 : memref<499968xf32, #tpu.memory_space<vmem>>) target(%dma_start3A_176 : memref<499968xf32, #tpu.memory_space<any>>) target_semaphore(%arg6 : memref<!tpu.dma_semaphore, #tpu.memory_space<semaphore_mem>>)
    %dma_start3A_180 = arith.constant 0 : i32
    %dma_start3A_181 = arith.constant 2 : i32
    %dma_start3A_182 = arith.constant 2000128 : i32
    %dma_start3A_183 = tpu.memref_slice %arg2[%dma_start3A_182] : memref<6000384xf32, #tpu.memory_space<any>> -> memref<499968xf32, #tpu.memory_space<any>>
    %dma_start3A_184 = arith.constant 0 : i32
    %dma_start3A_185 = tpu.memref_slice %arg3[%dma_start3A_180, %dma_start3A_181, %dma_start3A_184] : memref<2x8x499968xf32, #tpu.memory_space<vmem>> -> memref<1x1x499968xf32, #tpu.memory_space<vmem>>
    %dma_start3A_186 = tpu.memref_squeeze %dma_start3A_185 : memref<1x1x499968xf32, #tpu.memory_space<vmem>> -> memref<499968xf32, #tpu.memory_space<vmem>>
    tpu.enqueue_dma source(%dma_start3A_186 : memref<499968xf32, #tpu.memory_space<vmem>>) target(%dma_start3A_183 : memref<499968xf32, #tpu.memory_space<any>>) target_semaphore(%arg6 : memref<!tpu.dma_semaphore, #tpu.memory_space<semaphore_mem>>)
    %dma_start3A_187 = arith.constant 0 : i32
    %dma_start3A_188 = arith.constant 3 : i32
    %dma_start3A_189 = arith.constant 3000192 : i32
    %dma_start3A_190 = tpu.memref_slice %arg2[%dma_start3A_189] : memref<6000384xf32, #tpu.memory_space<any>> -> memref<499968xf32, #tpu.memory_space<any>>
    %dma_start3A_191 = arith.constant 0 : i32
    %dma_start3A_192 = tpu.memref_slice %arg3[%dma_start3A_187, %dma_start3A_188, %dma_start3A_191] : memref<2x8x499968xf32, #tpu.memory_space<vmem>> -> memref<1x1x499968xf32, #tpu.memory_space<vmem>>
    %dma_start3A_193 = tpu.memref_squeeze %dma_start3A_192 : memref<1x1x499968xf32, #tpu.memory_space<vmem>> -> memref<499968xf32, #tpu.memory_space<vmem>>
    tpu.enqueue_dma source(%dma_start3A_193 : memref<499968xf32, #tpu.memory_space<vmem>>) target(%dma_start3A_190 : memref<499968xf32, #tpu.memory_space<any>>) target_semaphore(%arg6 : memref<!tpu.dma_semaphore, #tpu.memory_space<semaphore_mem>>)
    %dma_start3A_194 = arith.constant 0 : i32
    %dma_start3A_195 = arith.constant 4 : i32
    %dma_start3A_196 = arith.constant 4000256 : i32
    %dma_start3A_197 = tpu.memref_slice %arg2[%dma_start3A_196] : memref<6000384xf32, #tpu.memory_space<any>> -> memref<499968xf32, #tpu.memory_space<any>>
    %dma_start3A_198 = arith.constant 0 : i32
    %dma_start3A_199 = tpu.memref_slice %arg3[%dma_start3A_194, %dma_start3A_195, %dma_start3A_198] : memref<2x8x499968xf32, #tpu.memory_space<vmem>> -> memref<1x1x499968xf32, #tpu.memory_space<vmem>>
    %dma_start3A_200 = tpu.memref_squeeze %dma_start3A_199 : memref<1x1x499968xf32, #tpu.memory_space<vmem>> -> memref<499968xf32, #tpu.memory_space<vmem>>
    tpu.enqueue_dma source(%dma_start3A_200 : memref<499968xf32, #tpu.memory_space<vmem>>) target(%dma_start3A_197 : memref<499968xf32, #tpu.memory_space<any>>) target_semaphore(%arg6 : memref<!tpu.dma_semaphore, #tpu.memory_space<semaphore_mem>>)
    %dma_start3A_201 = arith.constant 0 : i32
    %dma_start3A_202 = arith.constant 5 : i32
    %dma_start3A_203 = arith.constant 5000320 : i32
    %dma_start3A_204 = tpu.memref_slice %arg2[%dma_start3A_203] : memref<6000384xf32, #tpu.memory_space<any>> -> memref<499968xf32, #tpu.memory_space<any>>
    %dma_start3A_205 = arith.constant 0 : i32
    %dma_start3A_206 = tpu.memref_slice %arg3[%dma_start3A_201, %dma_start3A_202, %dma_start3A_205] : memref<2x8x499968xf32, #tpu.memory_space<vmem>> -> memref<1x1x499968xf32, #tpu.memory_space<vmem>>
    %dma_start3A_207 = tpu.memref_squeeze %dma_start3A_206 : memref<1x1x499968xf32, #tpu.memory_space<vmem>> -> memref<499968xf32, #tpu.memory_space<vmem>>
    tpu.enqueue_dma source(%dma_start3A_207 : memref<499968xf32, #tpu.memory_space<vmem>>) target(%dma_start3A_204 : memref<499968xf32, #tpu.memory_space<any>>) target_semaphore(%arg6 : memref<!tpu.dma_semaphore, #tpu.memory_space<semaphore_mem>>)
    %dma_wait3A_208 = arith.constant 1 : i32
    %dma_wait3A_209 = arith.constant 0 : i32
    %dma_wait3A_210 = arith.constant 0 : i32
    %dma_wait3A_211 = tpu.memref_slice %arg3[%dma_wait3A_208, %dma_wait3A_209, %dma_wait3A_210] : memref<2x8x499968xf32, #tpu.memory_space<vmem>> -> memref<1x1x499968xf32, #tpu.memory_space<vmem>>
    %dma_wait3A_212 = tpu.memref_squeeze %dma_wait3A_211 : memref<1x1x499968xf32, #tpu.memory_space<vmem>> -> memref<1x499968xf32, #tpu.memory_space<vmem>>
    %dma_wait3A_213 = arith.constant 20 : i32
    %dma_wait3A_214 = arith.constant 499968 : i32
    %dma_wait3A_215 = tpu.memref_slice %arg0[%dma_wait3A_213, %dma_wait3A_214] : memref<26x1000000xf32, #tpu.memory_space<any>> -> memref<1x499968xf32, #tpu.memory_space<any>>
    tpu.wait_dma2 semaphore(%arg5 : memref<!tpu.dma_semaphore, #tpu.memory_space<semaphore_mem>>) src(%dma_wait3A_215 : memref<1x499968xf32, #tpu.memory_space<any>>) dst(%dma_wait3A_212 : memref<1x499968xf32, #tpu.memory_space<vmem>>)
    %dma_wait3A_216 = arith.constant 1 : i32
    %dma_wait3A_217 = arith.constant 1 : i32
    %dma_wait3A_218 = arith.constant 0 : i32
    %dma_wait3A_219 = tpu.memref_slice %arg3[%dma_wait3A_216, %dma_wait3A_217, %dma_wait3A_218] : memref<2x8x499968xf32, #tpu.memory_space<vmem>> -> memref<1x1x499968xf32, #tpu.memory_space<vmem>>
    %dma_wait3A_220 = tpu.memref_squeeze %dma_wait3A_219 : memref<1x1x499968xf32, #tpu.memory_space<vmem>> -> memref<1x499968xf32, #tpu.memory_space<vmem>>
    %dma_wait3A_221 = arith.constant 21 : i32
    %dma_wait3A_222 = arith.constant 499968 : i32
    %dma_wait3A_223 = tpu.memref_slice %arg0[%dma_wait3A_221, %dma_wait3A_222] : memref<26x1000000xf32, #tpu.memory_space<any>> -> memref<1x499968xf32, #tpu.memory_space<any>>
    tpu.wait_dma2 semaphore(%arg5 : memref<!tpu.dma_semaphore, #tpu.memory_space<semaphore_mem>>) src(%dma_wait3A_223 : memref<1x499968xf32, #tpu.memory_space<any>>) dst(%dma_wait3A_220 : memref<1x499968xf32, #tpu.memory_space<vmem>>)
    %dma_wait3A_224 = arith.constant 1 : i32
    %dma_wait3A_225 = arith.constant 2 : i32
    %dma_wait3A_226 = arith.constant 0 : i32
    %dma_wait3A_227 = tpu.memref_slice %arg3[%dma_wait3A_224, %dma_wait3A_225, %dma_wait3A_226] : memref<2x8x499968xf32, #tpu.memory_space<vmem>> -> memref<1x1x499968xf32, #tpu.memory_space<vmem>>
    %dma_wait3A_228 = tpu.memref_squeeze %dma_wait3A_227 : memref<1x1x499968xf32, #tpu.memory_space<vmem>> -> memref<1x499968xf32, #tpu.memory_space<vmem>>
    %dma_wait3A_229 = arith.constant 22 : i32
    %dma_wait3A_230 = arith.constant 499968 : i32
    %dma_wait3A_231 = tpu.memref_slice %arg0[%dma_wait3A_229, %dma_wait3A_230] : memref<26x1000000xf32, #tpu.memory_space<any>> -> memref<1x499968xf32, #tpu.memory_space<any>>
    tpu.wait_dma2 semaphore(%arg5 : memref<!tpu.dma_semaphore, #tpu.memory_space<semaphore_mem>>) src(%dma_wait3A_231 : memref<1x499968xf32, #tpu.memory_space<any>>) dst(%dma_wait3A_228 : memref<1x499968xf32, #tpu.memory_space<vmem>>)
    %dma_wait3A_232 = arith.constant 1 : i32
    %dma_wait3A_233 = arith.constant 3 : i32
    %dma_wait3A_234 = arith.constant 0 : i32
    %dma_wait3A_235 = tpu.memref_slice %arg3[%dma_wait3A_232, %dma_wait3A_233, %dma_wait3A_234] : memref<2x8x499968xf32, #tpu.memory_space<vmem>> -> memref<1x1x499968xf32, #tpu.memory_space<vmem>>
    %dma_wait3A_236 = tpu.memref_squeeze %dma_wait3A_235 : memref<1x1x499968xf32, #tpu.memory_space<vmem>> -> memref<1x499968xf32, #tpu.memory_space<vmem>>
    %dma_wait3A_237 = arith.constant 23 : i32
    %dma_wait3A_238 = arith.constant 499968 : i32
    %dma_wait3A_239 = tpu.memref_slice %arg0[%dma_wait3A_237, %dma_wait3A_238] : memref<26x1000000xf32, #tpu.memory_space<any>> -> memref<1x499968xf32, #tpu.memory_space<any>>
    tpu.wait_dma2 semaphore(%arg5 : memref<!tpu.dma_semaphore, #tpu.memory_space<semaphore_mem>>) src(%dma_wait3A_239 : memref<1x499968xf32, #tpu.memory_space<any>>) dst(%dma_wait3A_236 : memref<1x499968xf32, #tpu.memory_space<vmem>>)
    %dma_wait3A_240 = arith.constant 1 : i32
    %dma_wait3A_241 = arith.constant 4 : i32
    %dma_wait3A_242 = arith.constant 0 : i32
    %dma_wait3A_243 = tpu.memref_slice %arg3[%dma_wait3A_240, %dma_wait3A_241, %dma_wait3A_242] : memref<2x8x499968xf32, #tpu.memory_space<vmem>> -> memref<1x1x499968xf32, #tpu.memory_space<vmem>>
    %dma_wait3A_244 = tpu.memref_squeeze %dma_wait3A_243 : memref<1x1x499968xf32, #tpu.memory_space<vmem>> -> memref<1x499968xf32, #tpu.memory_space<vmem>>
    %dma_wait3A_245 = arith.constant 24 : i32
    %dma_wait3A_246 = arith.constant 499968 : i32
    %dma_wait3A_247 = tpu.memref_slice %arg0[%dma_wait3A_245, %dma_wait3A_246] : memref<26x1000000xf32, #tpu.memory_space<any>> -> memref<1x499968xf32, #tpu.memory_space<any>>
    tpu.wait_dma2 semaphore(%arg5 : memref<!tpu.dma_semaphore, #tpu.memory_space<semaphore_mem>>) src(%dma_wait3A_247 : memref<1x499968xf32, #tpu.memory_space<any>>) dst(%dma_wait3A_244 : memref<1x499968xf32, #tpu.memory_space<vmem>>)
    %dma_wait3A_248 = arith.constant 1 : i32
    %dma_wait3A_249 = arith.constant 5 : i32
    %dma_wait3A_250 = arith.constant 0 : i32
    %dma_wait3A_251 = tpu.memref_slice %arg3[%dma_wait3A_248, %dma_wait3A_249, %dma_wait3A_250] : memref<2x8x499968xf32, #tpu.memory_space<vmem>> -> memref<1x1x499968xf32, #tpu.memory_space<vmem>>
    %dma_wait3A_252 = tpu.memref_squeeze %dma_wait3A_251 : memref<1x1x499968xf32, #tpu.memory_space<vmem>> -> memref<1x499968xf32, #tpu.memory_space<vmem>>
    %dma_wait3A_253 = arith.constant 25 : i32
    %dma_wait3A_254 = arith.constant 499968 : i32
    %dma_wait3A_255 = tpu.memref_slice %arg0[%dma_wait3A_253, %dma_wait3A_254] : memref<26x1000000xf32, #tpu.memory_space<any>> -> memref<1x499968xf32, #tpu.memory_space<any>>
    tpu.wait_dma2 semaphore(%arg5 : memref<!tpu.dma_semaphore, #tpu.memory_space<semaphore_mem>>) src(%dma_wait3A_255 : memref<1x499968xf32, #tpu.memory_space<any>>) dst(%dma_wait3A_252 : memref<1x499968xf32, #tpu.memory_space<vmem>>)
    %dma_start3A_256 = arith.constant 1 : i32
    %dma_start3A_257 = arith.constant 0 : i32
    %dma_start3A_258 = arith.constant 499968 : i32
    %dma_start3A_259 = tpu.memref_slice %arg2[%dma_start3A_258] : memref<6000384xf32, #tpu.memory_space<any>> -> memref<499968xf32, #tpu.memory_space<any>>
    %dma_start3A_260 = arith.constant 0 : i32
    %dma_start3A_261 = tpu.memref_slice %arg3[%dma_start3A_256, %dma_start3A_257, %dma_start3A_260] : memref<2x8x499968xf32, #tpu.memory_space<vmem>> -> memref<1x1x499968xf32, #tpu.memory_space<vmem>>
    %dma_start3A_262 = tpu.memref_squeeze %dma_start3A_261 : memref<1x1x499968xf32, #tpu.memory_space<vmem>> -> memref<499968xf32, #tpu.memory_space<vmem>>
    tpu.enqueue_dma source(%dma_start3A_262 : memref<499968xf32, #tpu.memory_space<vmem>>) target(%dma_start3A_259 : memref<499968xf32, #tpu.memory_space<any>>) target_semaphore(%arg7 : memref<!tpu.dma_semaphore, #tpu.memory_space<semaphore_mem>>)
    %dma_start3A_263 = arith.constant 1 : i32
    %dma_start3A_264 = arith.constant 1 : i32
    %dma_start3A_265 = arith.constant 1500032 : i32
    %dma_start3A_266 = tpu.memref_slice %arg2[%dma_start3A_265] : memref<6000384xf32, #tpu.memory_space<any>> -> memref<499968xf32, #tpu.memory_space<any>>
    %dma_start3A_267 = arith.constant 0 : i32
    %dma_start3A_268 = tpu.memref_slice %arg3[%dma_start3A_263, %dma_start3A_264, %dma_start3A_267] : memref<2x8x499968xf32, #tpu.memory_space<vmem>> -> memref<1x1x499968xf32, #tpu.memory_space<vmem>>
    %dma_start3A_269 = tpu.memref_squeeze %dma_start3A_268 : memref<1x1x499968xf32, #tpu.memory_space<vmem>> -> memref<499968xf32, #tpu.memory_space<vmem>>
    tpu.enqueue_dma source(%dma_start3A_269 : memref<499968xf32, #tpu.memory_space<vmem>>) target(%dma_start3A_266 : memref<499968xf32, #tpu.memory_space<any>>) target_semaphore(%arg7 : memref<!tpu.dma_semaphore, #tpu.memory_space<semaphore_mem>>)
    %dma_start3A_270 = arith.constant 1 : i32
    %dma_start3A_271 = arith.constant 2 : i32
    %dma_start3A_272 = arith.constant 2500096 : i32
    %dma_start3A_273 = tpu.memref_slice %arg2[%dma_start3A_272] : memref<6000384xf32, #tpu.memory_space<any>> -> memref<499968xf32, #tpu.memory_space<any>>
    %dma_start3A_274 = arith.constant 0 : i32
    %dma_start3A_275 = tpu.memref_slice %arg3[%dma_start3A_270, %dma_start3A_271, %dma_start3A_274] : memref<2x8x499968xf32, #tpu.memory_space<vmem>> -> memref<1x1x499968xf32, #tpu.memory_space<vmem>>
    %dma_start3A_276 = tpu.memref_squeeze %dma_start3A_275 : memref<1x1x499968xf32, #tpu.memory_space<vmem>> -> memref<499968xf32, #tpu.memory_space<vmem>>
    tpu.enqueue_dma source(%dma_start3A_276 : memref<499968xf32, #tpu.memory_space<vmem>>) target(%dma_start3A_273 : memref<499968xf32, #tpu.memory_space<any>>) target_semaphore(%arg7 : memref<!tpu.dma_semaphore, #tpu.memory_space<semaphore_mem>>)
    %dma_start3A_277 = arith.constant 1 : i32
    %dma_start3A_278 = arith.constant 3 : i32
    %dma_start3A_279 = arith.constant 3500160 : i32
    %dma_start3A_280 = tpu.memref_slice %arg2[%dma_start3A_279] : memref<6000384xf32, #tpu.memory_space<any>> -> memref<499968xf32, #tpu.memory_space<any>>
    %dma_start3A_281 = arith.constant 0 : i32
    %dma_start3A_282 = tpu.memref_slice %arg3[%dma_start3A_277, %dma_start3A_278, %dma_start3A_281] : memref<2x8x499968xf32, #tpu.memory_space<vmem>> -> memref<1x1x499968xf32, #tpu.memory_space<vmem>>
    %dma_start3A_283 = tpu.memref_squeeze %dma_start3A_282 : memref<1x1x499968xf32, #tpu.memory_space<vmem>> -> memref<499968xf32, #tpu.memory_space<vmem>>
    tpu.enqueue_dma source(%dma_start3A_283 : memref<499968xf32, #tpu.memory_space<vmem>>) target(%dma_start3A_280 : memref<499968xf32, #tpu.memory_space<any>>) target_semaphore(%arg7 : memref<!tpu.dma_semaphore, #tpu.memory_space<semaphore_mem>>)
    %dma_start3A_284 = arith.constant 1 : i32
    %dma_start3A_285 = arith.constant 4 : i32
    %dma_start3A_286 = arith.constant 4500224 : i32
    %dma_start3A_287 = tpu.memref_slice %arg2[%dma_start3A_286] : memref<6000384xf32, #tpu.memory_space<any>> -> memref<499968xf32, #tpu.memory_space<any>>
    %dma_start3A_288 = arith.constant 0 : i32
    %dma_start3A_289 = tpu.memref_slice %arg3[%dma_start3A_284, %dma_start3A_285, %dma_start3A_288] : memref<2x8x499968xf32, #tpu.memory_space<vmem>> -> memref<1x1x499968xf32, #tpu.memory_space<vmem>>
    %dma_start3A_290 = tpu.memref_squeeze %dma_start3A_289 : memref<1x1x499968xf32, #tpu.memory_space<vmem>> -> memref<499968xf32, #tpu.memory_space<vmem>>
    tpu.enqueue_dma source(%dma_start3A_290 : memref<499968xf32, #tpu.memory_space<vmem>>) target(%dma_start3A_287 : memref<499968xf32, #tpu.memory_space<any>>) target_semaphore(%arg7 : memref<!tpu.dma_semaphore, #tpu.memory_space<semaphore_mem>>)
    %dma_start3A_291 = arith.constant 1 : i32
    %dma_start3A_292 = arith.constant 5 : i32
    %dma_start3A_293 = arith.constant 5500288 : i32
    %dma_start3A_294 = tpu.memref_slice %arg2[%dma_start3A_293] : memref<6000384xf32, #tpu.memory_space<any>> -> memref<499968xf32, #tpu.memory_space<any>>
    %dma_start3A_295 = arith.constant 0 : i32
    %dma_start3A_296 = tpu.memref_slice %arg3[%dma_start3A_291, %dma_start3A_292, %dma_start3A_295] : memref<2x8x499968xf32, #tpu.memory_space<vmem>> -> memref<1x1x499968xf32, #tpu.memory_space<vmem>>
    %dma_start3A_297 = tpu.memref_squeeze %dma_start3A_296 : memref<1x1x499968xf32, #tpu.memory_space<vmem>> -> memref<499968xf32, #tpu.memory_space<vmem>>
    tpu.enqueue_dma source(%dma_start3A_297 : memref<499968xf32, #tpu.memory_space<vmem>>) target(%dma_start3A_294 : memref<499968xf32, #tpu.memory_space<any>>) target_semaphore(%arg7 : memref<!tpu.dma_semaphore, #tpu.memory_space<semaphore_mem>>)
    %dma_wait3A_298 = arith.constant 0 : i32
    %dma_wait3A_299 = arith.constant 0 : i32
    %dma_wait3A_300 = arith.constant 0 : i32
    %dma_wait3A_301 = tpu.memref_slice %arg2[%dma_wait3A_300] : memref<6000384xf32, #tpu.memory_space<any>> -> memref<499968xf32, #tpu.memory_space<any>>
    %dma_wait3A_302 = arith.constant 0 : i32
    %dma_wait3A_303 = tpu.memref_slice %arg3[%dma_wait3A_298, %dma_wait3A_299, %dma_wait3A_302] : memref<2x8x499968xf32, #tpu.memory_space<vmem>> -> memref<1x1x499968xf32, #tpu.memory_space<vmem>>
    %dma_wait3A_304 = tpu.memref_squeeze %dma_wait3A_303 : memref<1x1x499968xf32, #tpu.memory_space<vmem>> -> memref<499968xf32, #tpu.memory_space<vmem>>
    tpu.wait_dma2 semaphore(%arg6 : memref<!tpu.dma_semaphore, #tpu.memory_space<semaphore_mem>>) src(%dma_wait3A_304 : memref<499968xf32, #tpu.memory_space<vmem>>) dst(%dma_wait3A_301 : memref<499968xf32, #tpu.memory_space<any>>)
    %dma_wait3A_305 = arith.constant 0 : i32
    %dma_wait3A_306 = arith.constant 1 : i32
    %dma_wait3A_307 = arith.constant 1000064 : i32
    %dma_wait3A_308 = tpu.memref_slice %arg2[%dma_wait3A_307] : memref<6000384xf32, #tpu.memory_space<any>> -> memref<499968xf32, #tpu.memory_space<any>>
    %dma_wait3A_309 = arith.constant 0 : i32
    %dma_wait3A_310 = tpu.memref_slice %arg3[%dma_wait3A_305, %dma_wait3A_306, %dma_wait3A_309] : memref<2x8x499968xf32, #tpu.memory_space<vmem>> -> memref<1x1x499968xf32, #tpu.memory_space<vmem>>
    %dma_wait3A_311 = tpu.memref_squeeze %dma_wait3A_310 : memref<1x1x499968xf32, #tpu.memory_space<vmem>> -> memref<499968xf32, #tpu.memory_space<vmem>>
    tpu.wait_dma2 semaphore(%arg6 : memref<!tpu.dma_semaphore, #tpu.memory_space<semaphore_mem>>) src(%dma_wait3A_311 : memref<499968xf32, #tpu.memory_space<vmem>>) dst(%dma_wait3A_308 : memref<499968xf32, #tpu.memory_space<any>>)
    %dma_wait3A_312 = arith.constant 0 : i32
    %dma_wait3A_313 = arith.constant 2 : i32
    %dma_wait3A_314 = arith.constant 2000128 : i32
    %dma_wait3A_315 = tpu.memref_slice %arg2[%dma_wait3A_314] : memref<6000384xf32, #tpu.memory_space<any>> -> memref<499968xf32, #tpu.memory_space<any>>
    %dma_wait3A_316 = arith.constant 0 : i32
    %dma_wait3A_317 = tpu.memref_slice %arg3[%dma_wait3A_312, %dma_wait3A_313, %dma_wait3A_316] : memref<2x8x499968xf32, #tpu.memory_space<vmem>> -> memref<1x1x499968xf32, #tpu.memory_space<vmem>>
    %dma_wait3A_318 = tpu.memref_squeeze %dma_wait3A_317 : memref<1x1x499968xf32, #tpu.memory_space<vmem>> -> memref<499968xf32, #tpu.memory_space<vmem>>
    tpu.wait_dma2 semaphore(%arg6 : memref<!tpu.dma_semaphore, #tpu.memory_space<semaphore_mem>>) src(%dma_wait3A_318 : memref<499968xf32, #tpu.memory_space<vmem>>) dst(%dma_wait3A_315 : memref<499968xf32, #tpu.memory_space<any>>)
    %dma_wait3A_319 = arith.constant 0 : i32
    %dma_wait3A_320 = arith.constant 3 : i32
    %dma_wait3A_321 = arith.constant 3000192 : i32
    %dma_wait3A_322 = tpu.memref_slice %arg2[%dma_wait3A_321] : memref<6000384xf32, #tpu.memory_space<any>> -> memref<499968xf32, #tpu.memory_space<any>>
    %dma_wait3A_323 = arith.constant 0 : i32
    %dma_wait3A_324 = tpu.memref_slice %arg3[%dma_wait3A_319, %dma_wait3A_320, %dma_wait3A_323] : memref<2x8x499968xf32, #tpu.memory_space<vmem>> -> memref<1x1x499968xf32, #tpu.memory_space<vmem>>
    %dma_wait3A_325 = tpu.memref_squeeze %dma_wait3A_324 : memref<1x1x499968xf32, #tpu.memory_space<vmem>> -> memref<499968xf32, #tpu.memory_space<vmem>>
    tpu.wait_dma2 semaphore(%arg6 : memref<!tpu.dma_semaphore, #tpu.memory_space<semaphore_mem>>) src(%dma_wait3A_325 : memref<499968xf32, #tpu.memory_space<vmem>>) dst(%dma_wait3A_322 : memref<499968xf32, #tpu.memory_space<any>>)
    %dma_wait3A_326 = arith.constant 0 : i32
    %dma_wait3A_327 = arith.constant 4 : i32
    %dma_wait3A_328 = arith.constant 4000256 : i32
    %dma_wait3A_329 = tpu.memref_slice %arg2[%dma_wait3A_328] : memref<6000384xf32, #tpu.memory_space<any>> -> memref<499968xf32, #tpu.memory_space<any>>
    %dma_wait3A_330 = arith.constant 0 : i32
    %dma_wait3A_331 = tpu.memref_slice %arg3[%dma_wait3A_326, %dma_wait3A_327, %dma_wait3A_330] : memref<2x8x499968xf32, #tpu.memory_space<vmem>> -> memref<1x1x499968xf32, #tpu.memory_space<vmem>>
    %dma_wait3A_332 = tpu.memref_squeeze %dma_wait3A_331 : memref<1x1x499968xf32, #tpu.memory_space<vmem>> -> memref<499968xf32, #tpu.memory_space<vmem>>
    tpu.wait_dma2 semaphore(%arg6 : memref<!tpu.dma_semaphore, #tpu.memory_space<semaphore_mem>>) src(%dma_wait3A_332 : memref<499968xf32, #tpu.memory_space<vmem>>) dst(%dma_wait3A_329 : memref<499968xf32, #tpu.memory_space<any>>)
    %dma_wait3A_333 = arith.constant 0 : i32
    %dma_wait3A_334 = arith.constant 5 : i32
    %dma_wait3A_335 = arith.constant 5000320 : i32
    %dma_wait3A_336 = tpu.memref_slice %arg2[%dma_wait3A_335] : memref<6000384xf32, #tpu.memory_space<any>> -> memref<499968xf32, #tpu.memory_space<any>>
    %dma_wait3A_337 = arith.constant 0 : i32
    %dma_wait3A_338 = tpu.memref_slice %arg3[%dma_wait3A_333, %dma_wait3A_334, %dma_wait3A_337] : memref<2x8x499968xf32, #tpu.memory_space<vmem>> -> memref<1x1x499968xf32, #tpu.memory_space<vmem>>
    %dma_wait3A_339 = tpu.memref_squeeze %dma_wait3A_338 : memref<1x1x499968xf32, #tpu.memory_space<vmem>> -> memref<499968xf32, #tpu.memory_space<vmem>>
    tpu.wait_dma2 semaphore(%arg6 : memref<!tpu.dma_semaphore, #tpu.memory_space<semaphore_mem>>) src(%dma_wait3A_339 : memref<499968xf32, #tpu.memory_space<vmem>>) dst(%dma_wait3A_336 : memref<499968xf32, #tpu.memory_space<any>>)
    %dma_wait3A_340 = arith.constant 1 : i32
    %dma_wait3A_341 = arith.constant 0 : i32
    %dma_wait3A_342 = arith.constant 499968 : i32
    %dma_wait3A_343 = tpu.memref_slice %arg2[%dma_wait3A_342] : memref<6000384xf32, #tpu.memory_space<any>> -> memref<499968xf32, #tpu.memory_space<any>>
    %dma_wait3A_344 = arith.constant 0 : i32
    %dma_wait3A_345 = tpu.memref_slice %arg3[%dma_wait3A_340, %dma_wait3A_341, %dma_wait3A_344] : memref<2x8x499968xf32, #tpu.memory_space<vmem>> -> memref<1x1x499968xf32, #tpu.memory_space<vmem>>
    %dma_wait3A_346 = tpu.memref_squeeze %dma_wait3A_345 : memref<1x1x499968xf32, #tpu.memory_space<vmem>> -> memref<499968xf32, #tpu.memory_space<vmem>>
    tpu.wait_dma2 semaphore(%arg7 : memref<!tpu.dma_semaphore, #tpu.memory_space<semaphore_mem>>) src(%dma_wait3A_346 : memref<499968xf32, #tpu.memory_space<vmem>>) dst(%dma_wait3A_343 : memref<499968xf32, #tpu.memory_space<any>>)
    %dma_wait3A_347 = arith.constant 1 : i32
    %dma_wait3A_348 = arith.constant 1 : i32
    %dma_wait3A_349 = arith.constant 1500032 : i32
    %dma_wait3A_350 = tpu.memref_slice %arg2[%dma_wait3A_349] : memref<6000384xf32, #tpu.memory_space<any>> -> memref<499968xf32, #tpu.memory_space<any>>
    %dma_wait3A_351 = arith.constant 0 : i32
    %dma_wait3A_352 = tpu.memref_slice %arg3[%dma_wait3A_347, %dma_wait3A_348, %dma_wait3A_351] : memref<2x8x499968xf32, #tpu.memory_space<vmem>> -> memref<1x1x499968xf32, #tpu.memory_space<vmem>>
    %dma_wait3A_353 = tpu.memref_squeeze %dma_wait3A_352 : memref<1x1x499968xf32, #tpu.memory_space<vmem>> -> memref<499968xf32, #tpu.memory_space<vmem>>
    tpu.wait_dma2 semaphore(%arg7 : memref<!tpu.dma_semaphore, #tpu.memory_space<semaphore_mem>>) src(%dma_wait3A_353 : memref<499968xf32, #tpu.memory_space<vmem>>) dst(%dma_wait3A_350 : memref<499968xf32, #tpu.memory_space<any>>)
    %dma_wait3A_354 = arith.constant 1 : i32
    %dma_wait3A_355 = arith.constant 2 : i32
    %dma_wait3A_356 = arith.constant 2500096 : i32
    %dma_wait3A_357 = tpu.memref_slice %arg2[%dma_wait3A_356] : memref<6000384xf32, #tpu.memory_space<any>> -> memref<499968xf32, #tpu.memory_space<any>>
    %dma_wait3A_358 = arith.constant 0 : i32
    %dma_wait3A_359 = tpu.memref_slice %arg3[%dma_wait3A_354, %dma_wait3A_355, %dma_wait3A_358] : memref<2x8x499968xf32, #tpu.memory_space<vmem>> -> memref<1x1x499968xf32, #tpu.memory_space<vmem>>
    %dma_wait3A_360 = tpu.memref_squeeze %dma_wait3A_359 : memref<1x1x499968xf32, #tpu.memory_space<vmem>> -> memref<499968xf32, #tpu.memory_space<vmem>>
    tpu.wait_dma2 semaphore(%arg7 : memref<!tpu.dma_semaphore, #tpu.memory_space<semaphore_mem>>) src(%dma_wait3A_360 : memref<499968xf32, #tpu.memory_space<vmem>>) dst(%dma_wait3A_357 : memref<499968xf32, #tpu.memory_space<any>>)
    %dma_wait3A_361 = arith.constant 1 : i32
    %dma_wait3A_362 = arith.constant 3 : i32
    %dma_wait3A_363 = arith.constant 3500160 : i32
    %dma_wait3A_364 = tpu.memref_slice %arg2[%dma_wait3A_363] : memref<6000384xf32, #tpu.memory_space<any>> -> memref<499968xf32, #tpu.memory_space<any>>
    %dma_wait3A_365 = arith.constant 0 : i32
    %dma_wait3A_366 = tpu.memref_slice %arg3[%dma_wait3A_361, %dma_wait3A_362, %dma_wait3A_365] : memref<2x8x499968xf32, #tpu.memory_space<vmem>> -> memref<1x1x499968xf32, #tpu.memory_space<vmem>>
    %dma_wait3A_367 = tpu.memref_squeeze %dma_wait3A_366 : memref<1x1x499968xf32, #tpu.memory_space<vmem>> -> memref<499968xf32, #tpu.memory_space<vmem>>
    tpu.wait_dma2 semaphore(%arg7 : memref<!tpu.dma_semaphore, #tpu.memory_space<semaphore_mem>>) src(%dma_wait3A_367 : memref<499968xf32, #tpu.memory_space<vmem>>) dst(%dma_wait3A_364 : memref<499968xf32, #tpu.memory_space<any>>)
    %dma_wait3A_368 = arith.constant 1 : i32
    %dma_wait3A_369 = arith.constant 4 : i32
    %dma_wait3A_370 = arith.constant 4500224 : i32
    %dma_wait3A_371 = tpu.memref_slice %arg2[%dma_wait3A_370] : memref<6000384xf32, #tpu.memory_space<any>> -> memref<499968xf32, #tpu.memory_space<any>>
    %dma_wait3A_372 = arith.constant 0 : i32
    %dma_wait3A_373 = tpu.memref_slice %arg3[%dma_wait3A_368, %dma_wait3A_369, %dma_wait3A_372] : memref<2x8x499968xf32, #tpu.memory_space<vmem>> -> memref<1x1x499968xf32, #tpu.memory_space<vmem>>
    %dma_wait3A_374 = tpu.memref_squeeze %dma_wait3A_373 : memref<1x1x499968xf32, #tpu.memory_space<vmem>> -> memref<499968xf32, #tpu.memory_space<vmem>>
    tpu.wait_dma2 semaphore(%arg7 : memref<!tpu.dma_semaphore, #tpu.memory_space<semaphore_mem>>) src(%dma_wait3A_374 : memref<499968xf32, #tpu.memory_space<vmem>>) dst(%dma_wait3A_371 : memref<499968xf32, #tpu.memory_space<any>>)
    %dma_wait3A_375 = arith.constant 1 : i32
    %dma_wait3A_376 = arith.constant 5 : i32
    %dma_wait3A_377 = arith.constant 5500288 : i32
    %dma_wait3A_378 = tpu.memref_slice %arg2[%dma_wait3A_377] : memref<6000384xf32, #tpu.memory_space<any>> -> memref<499968xf32, #tpu.memory_space<any>>
    %dma_wait3A_379 = arith.constant 0 : i32
    %dma_wait3A_380 = tpu.memref_slice %arg3[%dma_wait3A_375, %dma_wait3A_376, %dma_wait3A_379] : memref<2x8x499968xf32, #tpu.memory_space<vmem>> -> memref<1x1x499968xf32, #tpu.memory_space<vmem>>
    %dma_wait3A_381 = tpu.memref_squeeze %dma_wait3A_380 : memref<1x1x499968xf32, #tpu.memory_space<vmem>> -> memref<499968xf32, #tpu.memory_space<vmem>>
    tpu.wait_dma2 semaphore(%arg7 : memref<!tpu.dma_semaphore, #tpu.memory_space<semaphore_mem>>) src(%dma_wait3A_381 : memref<499968xf32, #tpu.memory_space<vmem>>) dst(%dma_wait3A_378 : memref<499968xf32, #tpu.memory_space<any>>)
    %dma_wait3A_382 = arith.constant 999936 : i32
    %dma_wait3A_383 = tpu.memref_slice %arg2[%dma_wait3A_382] : memref<6000384xf32, #tpu.memory_space<any>> -> memref<128xf32, #tpu.memory_space<any>>
    %dma_wait3A_384 = arith.constant 0 : i32
    %dma_wait3A_385 = tpu.memref_slice %arg1[%dma_wait3A_384] : memref<768xf32, #tpu.memory_space<any>> -> memref<128xf32, #tpu.memory_space<any>>
    tpu.wait_dma2 semaphore(%arg8 : memref<!tpu.dma_semaphore, #tpu.memory_space<semaphore_mem>>) src(%dma_wait3A_385 : memref<128xf32, #tpu.memory_space<any>>) dst(%dma_wait3A_383 : memref<128xf32, #tpu.memory_space<any>>)
    %dma_wait3A_386 = arith.constant 2000000 : i32
    %dma_wait3A_387 = tpu.memref_slice %arg2[%dma_wait3A_386] : memref<6000384xf32, #tpu.memory_space<any>> -> memref<128xf32, #tpu.memory_space<any>>
    %dma_wait3A_388 = arith.constant 128 : i32
    %dma_wait3A_389 = tpu.memref_slice %arg1[%dma_wait3A_388] : memref<768xf32, #tpu.memory_space<any>> -> memref<128xf32, #tpu.memory_space<any>>
    tpu.wait_dma2 semaphore(%arg8 : memref<!tpu.dma_semaphore, #tpu.memory_space<semaphore_mem>>) src(%dma_wait3A_389 : memref<128xf32, #tpu.memory_space<any>>) dst(%dma_wait3A_387 : memref<128xf32, #tpu.memory_space<any>>)
    %dma_wait3A_390 = arith.constant 3000064 : i32
    %dma_wait3A_391 = tpu.memref_slice %arg2[%dma_wait3A_390] : memref<6000384xf32, #tpu.memory_space<any>> -> memref<128xf32, #tpu.memory_space<any>>
    %dma_wait3A_392 = arith.constant 256 : i32
    %dma_wait3A_393 = tpu.memref_slice %arg1[%dma_wait3A_392] : memref<768xf32, #tpu.memory_space<any>> -> memref<128xf32, #tpu.memory_space<any>>
    tpu.wait_dma2 semaphore(%arg8 : memref<!tpu.dma_semaphore, #tpu.memory_space<semaphore_mem>>) src(%dma_wait3A_393 : memref<128xf32, #tpu.memory_space<any>>) dst(%dma_wait3A_391 : memref<128xf32, #tpu.memory_space<any>>)
    %dma_wait3A_394 = arith.constant 4000128 : i32
    %dma_wait3A_395 = tpu.memref_slice %arg2[%dma_wait3A_394] : memref<6000384xf32, #tpu.memory_space<any>> -> memref<128xf32, #tpu.memory_space<any>>
    %dma_wait3A_396 = arith.constant 384 : i32
    %dma_wait3A_397 = tpu.memref_slice %arg1[%dma_wait3A_396] : memref<768xf32, #tpu.memory_space<any>> -> memref<128xf32, #tpu.memory_space<any>>
    tpu.wait_dma2 semaphore(%arg8 : memref<!tpu.dma_semaphore, #tpu.memory_space<semaphore_mem>>) src(%dma_wait3A_397 : memref<128xf32, #tpu.memory_space<any>>) dst(%dma_wait3A_395 : memref<128xf32, #tpu.memory_space<any>>)
    %dma_wait3A_398 = arith.constant 5000192 : i32
    %dma_wait3A_399 = tpu.memref_slice %arg2[%dma_wait3A_398] : memref<6000384xf32, #tpu.memory_space<any>> -> memref<128xf32, #tpu.memory_space<any>>
    %dma_wait3A_400 = arith.constant 512 : i32
    %dma_wait3A_401 = tpu.memref_slice %arg1[%dma_wait3A_400] : memref<768xf32, #tpu.memory_space<any>> -> memref<128xf32, #tpu.memory_space<any>>
    tpu.wait_dma2 semaphore(%arg8 : memref<!tpu.dma_semaphore, #tpu.memory_space<semaphore_mem>>) src(%dma_wait3A_401 : memref<128xf32, #tpu.memory_space<any>>) dst(%dma_wait3A_399 : memref<128xf32, #tpu.memory_space<any>>)
    %dma_wait3A_402 = arith.constant 6000256 : i32
    %dma_wait3A_403 = tpu.memref_slice %arg2[%dma_wait3A_402] : memref<6000384xf32, #tpu.memory_space<any>> -> memref<128xf32, #tpu.memory_space<any>>
    %dma_wait3A_404 = arith.constant 640 : i32
    %dma_wait3A_405 = tpu.memref_slice %arg1[%dma_wait3A_404] : memref<768xf32, #tpu.memory_space<any>> -> memref<128xf32, #tpu.memory_space<any>>
    tpu.wait_dma2 semaphore(%arg8 : memref<!tpu.dma_semaphore, #tpu.memory_space<semaphore_mem>>) src(%dma_wait3A_405 : memref<128xf32, #tpu.memory_space<any>>) dst(%dma_wait3A_403 : memref<128xf32, #tpu.memory_space<any>>)
    return
  }
}

</mosaic_0001>

<sc_bundles>
// kernel: kernel.6.cloned.1.call-start
scs
__scs_entry_jumppad:
0x0: {  	(pc) =	sbr.rel $0x88, $3  }
0x1: {  	(tag) =	ssettag $0x0;
	lr =	simm.s32 $0x1  }
0x2: {  	[smem:$0x3F9E] =	sst lr;
	_ =	strace $0xD0000000  }
0x3: {  	_ = 	snop  }
0x4: {  	_ = 	snop  }
0x5: {  	_ = 	snop  }
0x6: {  	_ = 	snop  }
0x7: {  	_ = 	snop  }
__scs_overlays_trampoline_lowered:
0x8: {  	[smem:$0x3FAD] =	sst s0  }
0x9: {  	[smem:$0x3FAE] =	sst s1  }
0xa: {  	[smem:$0x3FAF] =	sst s2  }
0xb: {  	[smem:$0x3FB0] =	sst s3  }
0xc: {  	[smem:$0x3FB1] =	sst s4  }
0xd: {  	[smem:$0x3FB2] =	sst s5  }
0xe: {  	[smem:$0x3FB3] =	sst s6  }
0xf: {  	[smem:$0x3FB4] =	sst s7  }
0x10: {  	[smem:$0x3FB5] =	sst s8  }
0x11: {  	[smem:$0x3FB6] =	sst s9;
	s0 =	simm.s32 @!p0 $0x0  }
0x12: {  	s1 =	sld [smem:$0x3F9C];
	s0 =	simm.s32 @p0 $0x1  }
0x13: {  	[smem:$0x3FB7] =	sst s0;
	s0 =	simm.s32 @!p1 $0x0  }
0x14: {  	s2 =	sld [smem:$0x3F9B];
	s0 =	simm.s32 @p1 $0x1  }
0x15: {  	[smem:$0x3FB8] =	sst s0;
	s0 =	simm.s32 @!p2 $0x0  }
0x16: {  	s3 =	sld [smem:$0x3FDB];
	s0 =	simm.s32 @p2 $0x1  }
0x17: {  	s4 =	simm.s32 $0x1BF5;
	[smem:$0x3FBA] =	sst s0  }
0x18: {  	s0 =	sld [smem:$0x3F9D];
	_ =	swait.ge [sflag:s4], $0x0  }
0x19: {  	s7 =	sld [smem:$0x3F9E]  }
0x1a: {  	s8 =	sadd.s32 $0xFFFFE003, lr  }
0x1b: {  	s9 =	sadd.s32 $0xFFFFFEF7, lr;
	s5 =	simm.s32 $0xFFFFFFFF;
	p2 =	slt.u32 s8, $0xFFFFF086  }
0x1c: {  	p1 =	slt.u32 s9, $0xF7A;
	s5 =	simm.s32 @!p2 $0x0  }
0x1d: {  	s5 =	simm.s32 @p1 $0x1;
	p0 =	seq.s32 s7, s2  }
0x1e: {  	s7 =	smul.u32 @!p0 $0xF7A, s2;
	p2 =	seq.s32 @!p0 s5, $0x0  }
0x1f: {  	s9 =	smul.u32 $0xF7A, s1;
	s8 =	simm.s32 @!p0 $0x1BF5;
	p2 =	por !p2, p0  }
0x20: {  	[sflag:s8] =	ssyncset.s32 @!p0 $0xFFFFF086;
	s6 =	sadd.s32 @!p0 s3, s7;
	s7 =	simm.s32 @!p0 $0x108  }
0x21: {  	s3 =	sadd.s32 s3, s9;
	s6 =	sadd.s32 @!p0 $0x88, s6;
	s7 =	simm.s32 @p2 $0x1082  }
0x22: {  	[simem:s7], [sflag:s8] =	dma.local @!p0 [hbm:s6], $0xF7A  }
0x23: {  	s9 =	sor.u32 $0xD0000000, s2;
	s6 =	simm.s32 $0x108;
	_ =	swait.ge @!p0 [sflag:s8], $0x0  }
0x24: {  	s3 =	sadd.s32 $0x88, s3;
	s6 =	simm.s32 @!p1 $0x1082;
	[sflag:s4] =	ssyncset.s32 $0xFFFFF086  }
0x25: {  	[simem:s6], [sflag:s4] =	dma.local [hbm:s3], $0xF7A  }
0x26: {  	[smem:$0x3F9E] =	sst s1;
	(tag) =	ssettag s2;
	_ =	strace s9  }
0x27: {  	s1 =	sld [smem:$0x3FAE]  }
0x28: {  	s2 =	sld [smem:$0x3FAF]  }
0x29: {  	s4 =	sld [smem:$0x3FB1]  }
0x2a: {  	p0 =	seq.s32 s5, $0x0;
	s5 =	sld [smem:$0x3FB2]  }
0x2b: {  	s6 =	sld [smem:$0x3FB3]  }
0x2c: {  	s7 =	sld [smem:$0x3FB4]  }
0x2d: {  	s3 =	simm.s32 $0x108;
	s8 =	sld [smem:$0x3FB5]  }
0x2e: {  	s3 =	simm.s32 @!p0 $0x1082;
	s9 =	sld [smem:$0x3FB6]  }
0x2f: {  	lr =	sadd.s32 s0, s3;
	s0 =	sld [smem:$0x3FAD]  }
0x30: {  	s3 =	sld [smem:$0x3FB0]  }
0x31: {  	[smem:$0x3FB9] =	sst s10  }
0x32: {  	s10 =	sld [smem:$0x3FB7];
	_ =	sdelay $0x3  }
0x33: {  	p0 =	seq.s32 s10, $0x1;
	s10 =	sld [smem:$0x3FB9];
	_ =	sdelay $0x3  }
0x34: {  	[smem:$0x3FB9] =	sst s10  }
0x35: {  	s10 =	sld [smem:$0x3FB8];
	_ =	sdelay $0x3  }
0x36: {  	p1 =	seq.s32 s10, $0x1;
	s10 =	sld [smem:$0x3FB9];
	_ =	sdelay $0x3  }
0x37: {  	[smem:$0x3FB9] =	sst s10  }
0x38: {  	s10 =	sld [smem:$0x3FBA]  }
0x39: {  	_ = 	snop;
	(pc) =	sbr.ind lr, $3  }
0x3a: {  	_ = 	snop  }
0x3b: {  	_ = 	snop  }
0x3c: {  	p2 =	seq.s32 s10, $0x1;
	s10 =	sld [smem:$0x3FB9]  }
0x3d: {  	_ =	shalt  }
0x3e: {  	_ =	shalt  }
0x3f: {  	_ =	shalt  }
0x40: {  	_ =	shalt  }
0x41: {  	_ =	shalt  }
0x42: {  	_ =	shalt  }
0x43: {  	_ =	shalt  }
0x44: {  	_ =	shalt  }
0x45: {  	_ =	shalt  }
0x46: {  	_ =	shalt  }
0x47: {  	_ =	shalt  }
0x48: {  	_ =	shalt  }
0x49: {  	_ =	shalt  }
0x4a: {  	_ =	shalt  }
0x4b: {  	_ =	shalt  }
0x4c: {  	_ =	shalt  }
0x4d: {  	_ =	shalt  }
0x4e: {  	_ =	shalt  }
0x4f: {  	_ =	shalt  }
0x50: {  	_ =	shalt  }
0x51: {  	_ =	shalt  }
0x52: {  	_ =	shalt  }
0x53: {  	_ =	shalt  }
0x54: {  	_ =	shalt  }
0x55: {  	_ =	shalt  }
0x56: {  	_ =	shalt  }
0x57: {  	_ =	shalt  }
0x58: {  	_ =	shalt  }
0x59: {  	_ =	shalt  }
0x5a: {  	_ =	shalt  }
0x5b: {  	_ =	shalt  }
0x5c: {  	_ =	shalt  }
0x5d: {  	_ =	shalt  }
0x5e: {  	_ =	shalt  }
0x5f: {  	_ =	shalt  }
0x60: {  	_ =	shalt  }
0x61: {  	_ =	shalt  }
0x62: {  	_ =	shalt  }
0x63: {  	_ =	shalt  }
0x64: {  	_ =	shalt  }
0x65: {  	_ =	shalt  }
0x66: {  	_ =	shalt  }
0x67: {  	_ =	shalt  }
0x68: {  	_ =	shalt  }
0x69: {  	_ =	shalt  }
0x6a: {  	_ =	shalt  }
0x6b: {  	_ =	shalt  }
0x6c: {  	_ =	shalt  }
0x6d: {  	_ =	shalt  }
0x6e: {  	_ =	shalt  }
0x6f: {  	_ =	shalt  }
0x70: {  	_ =	shalt  }
0x71: {  	_ =	shalt  }
0x72: {  	_ =	shalt  }
0x73: {  	_ =	shalt  }
0x74: {  	_ =	shalt  }
0x75: {  	_ =	shalt  }
0x76: {  	_ =	shalt  }
0x77: {  	_ =	shalt  }
0x78: {  	_ =	shalt  }
0x79: {  	_ =	shalt  }
0x7a: {  	_ =	shalt  }
0x7b: {  	_ =	shalt  }
0x7c: {  	_ =	shalt  }
0x7d: {  	_ =	shalt  }
0x7e: {  	_ =	shalt  }
0x7f: {  	_ =	shalt  }
0x80: {  	_ =	shalt  }
0x81: {  	_ =	shalt  }
0x82: {  	_ =	shalt  }
0x83: {  	_ =	shalt  }
0x84: {  	_ =	shalt  }
0x85: {  	_ =	shalt  }
0x86: {  	_ =	shalt  }
0x87: {  	_ =	shalt  }
.Lfunc_end0:
.L_simem_size_0:
called_computation_lowered:
.L_overlay_start_0:
0x88: {  	s2 =	sld [smem:$0x3FD9]  }
0x89: {  	s3 =	sld [smem:$0x3FFE];
	_ =	sdelay $0x1  }
0x8a: {  	s1 =	srdreg.scid  }
0x8b: {  	s0 =	sand.u32 $0x1, s1  }
0x8c: {  	s16 =	sshll.u32 s0, $0xA;
	s2 =	sadd.s32 s3, s2  }
0x8d: {  	s2 =	sadd.s32 s2, s16  }
0x8e: {  	[smem:$0x3FC5] =	sst s2  }
0x8f: {  	_ = 	snop  }
0x90: {  	(tm) =	ssettm $0x1  }
0x91: {  	s17 =	sld [smem:$0x3FFB];
	_ =	sdelay $0x3  }
0x92: {  	_ =	strace s17  }
0x93: {  	s2 =	sld [smem:$0x3FFC];
	_ =	sdelay $0x3  }
0x94: {  	_ =	strace s2  }
0x95: {  	s2 =	sld [smem:$0x3FFD];
	_ =	sdelay $0x3  }
0x96: {  	_ =	strace s2  }
0x97: {  	_ =	strace $0x8FFFFFFF  }
0x98: {  	s18 =	sld [smem:$0x3FDB];
	_ =	sdelay $0x1  }
0x99: {  	s19 =	simm.s32 $_scs_section_size  }
0x9a: {  	s4 =	simm.s32 $_size__tile_overlayer_lowered;
	s5 =	simm.s32 $_tile_overlayer_lowered  }
0x9b: {  	s22 =	simm.s32 $0x1BFF;
	s21 =	sshll.u32 s5, $0x1;
	s2 =	sadd.s32 s19, s18  }
0x9c: {  	s6 =	simm.s32 $0x0;
	s20 =	sshll.u32 s4, $0x1;
	s4 =	sadd.s32 s21, s2  }
0x9d: {  	[timem:s6], [sflag:s22] =	dma.local [hbm:s4], s20  }
0x9e: {  	_ =	swait.ge [sflag:s22], s20  }
0x9f: {  	s3 =	ssub.s32 $0x0, s20;
	[sflag:s22] =	ssyncset.done $0x0  }
0xa0: {  	[sflag:s22] =	ssyncadd.s32 s3;
	_ =	sdelay $0x1  }
0xa1: {  	s23 =	simm.s32 $0x1B8B  }
0xa2: {  	_ =	swait.ge [sflag:s23], $0x1  }
0xa3: {  	[sflag:s23] =	ssyncset.done $0x0  }
0xa4: {  	s25 =	simm.s32 $0x1B8E;
	s24 =	sld [smem:$0x3FFE];
	[sflag:s23] =	ssyncadd.s32 $0xFFFFFFFF  }
0xa5: {  	s26 =	simm.s32 $execute0_lowered;
	[smem:$0x3FD2] =	sst s25  }
0xa6: {  	s4 =	sshll.u32 s26, $0x1;
	_ =	strace $0x80000046;
	[dreg:$0x1] =	wrdreg $0xFFFFFFFF  }
0xa7: {  	s28 =	simm.s32 $_size_execute0_lowered;
	s2 =	sadd.s32 s2, s4;
	[dreg:$0x0] =	wrdreg $0x0  }
0xa8: {  	s4 =	sshll.u32 s28, $0x1;
	[dreg:$0x2] =	wrdreg s2  }
0xa9: {  	[dreg:$0x3] =	wrdreg s4  }
0xaa: {  	[dreg:$0x4] =	wrdreg $0xC0  }
0xab: {  	_ =	task [dreg:s6], $0x5FFFF  }
0xac: {  	[dreg:$0x1] =	wrdreg $0xFFFFFFFF  }
0xad: {  	[dreg:$0x0] =	wrdreg $0x60  }
0xae: {  	[dreg:$0x2] =	wrdreg s24  }
0xaf: {  	[dreg:$0x3] =	wrdreg $0x9  }
0xb0: {  	_ =	task.clear_ibuf [dreg:s6], $0x4FFFF;
	_ =	strace $0x90000046  }
0xb1: {  	s29 =	simm.s32 $0x9;
	_ =	strace $0x80000048  }
0xb2: {  	_ =	swait.ge [sflag:s29], $0x1  }
0xb3: {  	[sflag:s29] =	ssyncadd.s32 $0xFFFFFFFF  }
0xb4: {  	_ =	strace $0x90000048  }
0xb5: {  	_ =	sfence  }
0xb6: {  	s30 =	sld [smem:$0x0];
	_ =	sdelay $0x2  }
0xb7: {  	s31 =	sshll.u32 s1, $0xD;
	s1 =	sshrl.u32 s1, $0x2  }
0xb8: {  	s3 =	sand.u32 $0x4000, s31;
	s1 =	sadd.s32 s1, s30  }
0xb9: {  	s0 =	sor.u32 s3, s0;
	s1 =	sshll.u32 s1, $0x11  }
0xba: {  	s0 =	sor.u32 s1, s0  }
0xbb: {  	s0 =	sadd.s32 $0x8F2B, s0  }
0xbc: {  	[sflag:s0] =	ssyncadd.remote.s32 $0x1  }
0xbd: {  	_ =	sfence.sel $0xFFFF  }
0xbe: {  	[dreg:$0x0] =	wrdreg $0xFFFFFFFF;
	(pc) =	sbr.abs _section_cstart, $3  }
0xbf: {  	[dreg:$0x1] =	wrdreg $0xFFFFFFFF  }
0xc0: {  	_ =	task.clear_ibuf [dreg:s6], $0x2FFFF;
	_ =	strace $0x9FFFFFFF  }
0xc1: {  	(tm) =	ssettm $0x7FFFFFFF  }
tec
execute0_lowered:
.L_overlay_start_1:
0x0: {  	(tag) =	ssettag $0x1  }
0x1: {  	s1 =	srdreg.scid  }
0x2: {  	s0 =	stileid.u32;
	s6 =	rddreg [dreg:$0x0];
	s2 =	simm.s32 $0x0  }
0x3: {  	s10 =	simm.s32 $0x80;
	s11 =	simm.s32 $0x400;
	s12 =	simm.s32 $0x1  }
0x4: {  	s13 =	simm.s32 $0x5000;
	s14 =	simm.s32 $0x0;
	s4 =	sand.u32 $0x1, s1  }
0x5: {  	s29 =	sshll.u32 s0, $0x1;
	s30 =	sshrl.u32 s0, $0x2;
	s1 =	rddreg [dreg:$0x1]  }
0x6: {  	[smem:$0x7FF] =	sst s2;
	s5 =	sor.u32 s4, s29;
	s3 =	smul.u32 $0x1A000, s30  }
0x7: {  	_ =	strace $0x80000047;
	s8 =	ssub.s32 $0x2, s4;
	s7 =	sshll.u32 s5, $0x7  }
0x8: {  	s4 =	sadd.s32 $0x270200, s6;
	s9 =	sshrl.u32 s8, $0x1;
	s7 =	sand.u32 $0x380, s7  }
0x9: {  	s5 =	sshll.u32 s5, $0x6;
	s8 =	ssub.s32 s8, s9;
	s3 =	sor.u32 s3, s7  }
0xa: {  	s7 =	smax.u32 s8, $0x1;
	s8 =	simm.s32 $0x5200;
	s3 =	sshrl.u32 s3, $0x3  }
0xb: {  	s31 =	sadd.s32 s3, s6;
	s3 =	sadd.s32 $0xA00, s6;
	s6 =	sadd.s32 s5, s6  }
0xc: {  	s9 =	simm.s32 $0x2;
	s5 =	sadd.s32 $0x263200, s31;
	s6 =	sadd.s32 $0x270400, s6  }
.LBB2_1:
0xd: {  	[tilespmem:s8], [sflag:$0x2] =	stream.linear.gather [hbm4b:s4+s2], $0x80, $0x38;
	[tilespmem:$0x5280] =	vst v63  }
0xe: {  	_ =	swait.ge [sflag:s9], $0x80  }
0xf: {  	[sflag:s9] =	ssyncset.done $0x0  }
0x10: {  	[sflag:s9] =	ssyncadd.s32 $0xFFFFFF80  }
0x11: {  	[tilespmem:s2], [sflag:$0x2] =	stream.strided.gather [hbm4b:s5+s10], $0x2800, s11, s10, $0x38;
	[tilespmem:$0x5280] =	vst v63  }
0x12: {  	_ =	swait.ge [sflag:s9], $0x2800  }
0x13: {  	[sflag:s9] =	ssyncset.done $0x0  }
0x14: {  	[sflag:s9] =	ssyncadd.s32 $0xFFFFD800  }
0x15: {  	s16 =	simm.s32 $0x1;
	s17 =	simm.s32 $0x0;
	s15 =	simm.s32 $0x0;
	v0 =	vld [tilespmem:s2+$0x0]  }
.LBB2_2:
0x16: {  	p0 =	sne.s32 s16, $0x27F;
	s18 =	sshrl.u32 s17, $0x5  }
0x17: {  	s17 =	smov.u32 s16;
	s18 =	smul.u32 $0xF4280, s18  }
.Ltmp0:
0x18: {  	(pc) =	sbr.rel @p0 .LBB2_2-.Ltmp0, $4  }
0x19: {  	_ = 	snop  }
0x1a: {  	v0 =	vadd.s32 s18, v0  }
0x1b: {  	[tilespmem:s15+$0x0] =	vst v0;
	s15 =	sadd.s32 $0x10, s15  }
0x1c: {  	s16 =	sadd.s32 $0x1, s16;
	v0 =	vld [tilespmem:s15+$0x0]  }
0x1d: {  	_ = 	snop  }
0x1e: {  	s16 =	sshrl.u32 s17, $0x5  }
0x1f: {  	s16 =	smul.u32 $0xF4280, s16;
	_ =	sdelay $0x1  }
0x20: {  	v0 =	vadd.s32 s16, v0  }
0x21: {  	s29 =	simm.s32 $0x0;
	s30 =	simm.s32 $0x2800;
	[tilespmem:s15+$0x0] =	vst v0  }
0x22: {  	[tilespmem:s30], [sflag:$0x1] =	stream.indirect.gather [hbm4b:s3+s30], $0x1, s29, s30, $0xb8;
	[tilespmem:$0x5280] =	vst v63  }
0x23: {  	_ =	swait.ge [sflag:s12], $0x2800  }
0x24: {  	[sflag:s12] =	ssyncset.done $0x0  }
0x25: {  	s15 =	sand.u32 $0x1F0, s29;
	[sflag:s12] =	ssyncadd.s32 $0xFFFFD800  }
0x26: {  	v0 =	vld [tilespmem:s15+$0x2A00]  }
0x27: {  	v1 =	vld [tilespmem:s30+$0x0];
	_ =	sdelay $0x1  }
0x28: {  	v2 =	vld [tilespmem:s15+$0x2C00];
	_ =	sdelay $0x1  }
0x29: {  	v3 =	vld [tilespmem:s15+$0x2E00]  }
0x2a: {  	v0 =	vadd.f32 v0, v1  }
0x2b: {  	v1 =	vld [tilespmem:s15+$0x3000]  }
0x2c: {  	v0 =	vadd.f32 v2, v0  }
0x2d: {  	v2 =	vld [tilespmem:s15+$0x3200]  }
0x2e: {  	v0 =	vadd.f32 v3, v0  }
0x2f: {  	v3 =	vld [tilespmem:s15+$0x3400]  }
0x30: {  	v0 =	vadd.f32 v1, v0  }
0x31: {  	v1 =	vld [tilespmem:s15+$0x3600]  }
0x32: {  	v0 =	vadd.f32 v2, v0  }
0x33: {  	v2 =	vld [tilespmem:s15+$0x3800]  }
0x34: {  	v0 =	vadd.f32 v3, v0  }
0x35: {  	v3 =	vld [tilespmem:s15+$0x3A00]  }
0x36: {  	v0 =	vadd.f32 v1, v0  }
0x37: {  	v1 =	vld [tilespmem:s15+$0x3C00]  }
0x38: {  	v0 =	vadd.f32 v2, v0  }
0x39: {  	v2 =	vld [tilespmem:s15+$0x3E00]  }
0x3a: {  	v0 =	vadd.f32 v3, v0  }
0x3b: {  	v3 =	vld [tilespmem:s15+$0x4000]  }
0x3c: {  	v0 =	vadd.f32 v1, v0  }
0x3d: {  	v1 =	vld [tilespmem:s15+$0x4200]  }
0x3e: {  	v0 =	vadd.f32 v2, v0  }
0x3f: {  	v2 =	vld [tilespmem:s15+$0x4400]  }
0x40: {  	v0 =	vadd.f32 v3, v0  }
0x41: {  	v3 =	vld [tilespmem:s15+$0x4600]  }
0x42: {  	v0 =	vadd.f32 v1, v0  }
0x43: {  	v1 =	vld [tilespmem:s15+$0x4800]  }
0x44: {  	v0 =	vadd.f32 v2, v0  }
0x45: {  	v2 =	vld [tilespmem:s15+$0x4A00]  }
0x46: {  	v0 =	vadd.f32 v3, v0  }
0x47: {  	v3 =	vld [tilespmem:s15+$0x4C00]  }
0x48: {  	v0 =	vadd.f32 v1, v0  }
0x49: {  	v1 =	vld [tilespmem:s15+$0x4E00]  }
0x4a: {  	v0 =	vadd.f32 v2, v0;
	_ =	sdelay $0x1  }
0x4b: {  	v0 =	vadd.f32 v3, v0;
	_ =	sdelay $0x1  }
0x4c: {  	v0 =	vadd.f32 v1, v0  }
0x4d: {  	s31 =	simm.s32 $0x10;
	s15 =	simm.s32 $0x5000  }
0x4e: {  	s16 =	sand.u32 $0x1F0, s31;
	[tilespmem:s15+$0x0] =	vst v0  }
0x4f: {  	s18 =	simm.s32 $0x20;
	s17 =	simm.s32 $0x2810;
	v0 =	vld [tilespmem:s16+$0x2A00]  }
.LBB2_4:
0x50: {  	p0 =	sne.s32 s18, $0x1F0;
	v1 =	vld [tilespmem:s17+$0x0];
	_ =	sdelay $0x1  }
0x51: {  	v2 =	vld [tilespmem:s16+$0x2C00];
	_ =	sdelay $0x1  }
0x52: {  	v3 =	vld [tilespmem:s16+$0x2E00]  }
0x53: {  	v0 =	vadd.f32 v0, v1  }
0x54: {  	v1 =	vld [tilespmem:s16+$0x3000]  }
0x55: {  	v0 =	vadd.f32 v2, v0  }
0x56: {  	v2 =	vld [tilespmem:s16+$0x3200]  }
0x57: {  	v0 =	vadd.f32 v3, v0  }
0x58: {  	v3 =	vld [tilespmem:s16+$0x3400]  }
0x59: {  	v0 =	vadd.f32 v1, v0  }
0x5a: {  	v1 =	vld [tilespmem:s16+$0x3600]  }
0x5b: {  	v0 =	vadd.f32 v2, v0  }
0x5c: {  	v2 =	vld [tilespmem:s16+$0x3800]  }
0x5d: {  	v0 =	vadd.f32 v3, v0  }
0x5e: {  	v3 =	vld [tilespmem:s16+$0x3A00]  }
0x5f: {  	v0 =	vadd.f32 v1, v0  }
0x60: {  	v1 =	vld [tilespmem:s16+$0x3C00]  }
0x61: {  	v0 =	vadd.f32 v2, v0  }
0x62: {  	v2 =	vld [tilespmem:s16+$0x3E00]  }
0x63: {  	v0 =	vadd.f32 v3, v0  }
0x64: {  	v3 =	vld [tilespmem:s16+$0x4000]  }
0x65: {  	v0 =	vadd.f32 v1, v0  }
0x66: {  	v1 =	vld [tilespmem:s16+$0x4200]  }
0x67: {  	v0 =	vadd.f32 v2, v0  }
0x68: {  	v2 =	vld [tilespmem:s16+$0x4400]  }
0x69: {  	v0 =	vadd.f32 v3, v0  }
0x6a: {  	v3 =	vld [tilespmem:s16+$0x4600]  }
0x6b: {  	v0 =	vadd.f32 v1, v0  }
0x6c: {  	v1 =	vld [tilespmem:s16+$0x4800]  }
0x6d: {  	v0 =	vadd.f32 v2, v0  }
0x6e: {  	v2 =	vld [tilespmem:s16+$0x4A00]  }
0x6f: {  	v0 =	vadd.f32 v3, v0  }
0x70: {  	v3 =	vld [tilespmem:s16+$0x4C00]  }
0x71: {  	v0 =	vadd.f32 v1, v0  }
0x72: {  	v1 =	vld [tilespmem:s16+$0x4E00]  }
0x73: {  	v0 =	vadd.f32 v2, v0;
	_ =	sdelay $0x1  }
0x74: {  	v0 =	vadd.f32 v3, v0  }
.Ltmp1:
0x75: {  	(pc) =	sbr.rel @p0 .LBB2_4-.Ltmp1, $4  }
0x76: {  	v0 =	vadd.f32 v1, v0  }
0x77: {  	s15 =	sadd.s32 $0x10, s15  }
0x78: {  	s16 =	sand.u32 $0x1F0, s18;
	[tilespmem:s15+$0x0] =	vst v0  }
0x79: {  	s17 =	sadd.s32 $0x10, s17;
	s18 =	sadd.s32 $0x10, s18;
	v0 =	vld [tilespmem:s16+$0x2A00]  }
0x7a: {  	v1 =	vld [tilespmem:s17+$0x0];
	_ =	sdelay $0x1  }
0x7b: {  	v2 =	vld [tilespmem:s16+$0x2C00];
	_ =	sdelay $0x1  }
0x7c: {  	v3 =	vld [tilespmem:s16+$0x2E00]  }
0x7d: {  	v0 =	vadd.f32 v0, v1  }
0x7e: {  	v48 =	vld [tilespmem:s16+$0x3000]  }
0x7f: {  	v0 =	vadd.f32 v2, v0  }
0x80: {  	v49 =	vld [tilespmem:s16+$0x3200]  }
0x81: {  	v0 =	vadd.f32 v3, v0  }
0x82: {  	v50 =	vld [tilespmem:s16+$0x3400]  }
0x83: {  	v0 =	vadd.f32 v48, v0  }
0x84: {  	v51 =	vld [tilespmem:s16+$0x3600]  }
0x85: {  	v0 =	vadd.f32 v49, v0  }
0x86: {  	v52 =	vld [tilespmem:s16+$0x3800]  }
0x87: {  	v0 =	vadd.f32 v50, v0  }
0x88: {  	v53 =	vld [tilespmem:s16+$0x3A00]  }
0x89: {  	v0 =	vadd.f32 v51, v0  }
0x8a: {  	v54 =	vld [tilespmem:s16+$0x3C00]  }
0x8b: {  	v0 =	vadd.f32 v52, v0  }
0x8c: {  	v55 =	vld [tilespmem:s16+$0x3E00]  }
0x8d: {  	v0 =	vadd.f32 v53, v0  }
0x8e: {  	v56 =	vld [tilespmem:s16+$0x4000]  }
0x8f: {  	v0 =	vadd.f32 v54, v0  }
0x90: {  	v57 =	vld [tilespmem:s16+$0x4200]  }
0x91: {  	v0 =	vadd.f32 v55, v0  }
0x92: {  	v58 =	vld [tilespmem:s16+$0x4400]  }
0x93: {  	v0 =	vadd.f32 v56, v0  }
0x94: {  	v59 =	vld [tilespmem:s16+$0x4600]  }
0x95: {  	v0 =	vadd.f32 v57, v0  }
0x96: {  	v60 =	vld [tilespmem:s16+$0x4800]  }
0x97: {  	v0 =	vadd.f32 v58, v0  }
0x98: {  	v61 =	vld [tilespmem:s16+$0x4A00]  }
0x99: {  	v0 =	vadd.f32 v59, v0  }
0x9a: {  	v62 =	vld [tilespmem:s16+$0x4C00]  }
0x9b: {  	v0 =	vadd.f32 v60, v0  }
0x9c: {  	v63 =	vld [tilespmem:s16+$0x4E00]  }
0x9d: {  	v0 =	vadd.f32 v61, v0;
	_ =	sdelay $0x1  }
0x9e: {  	v0 =	vadd.f32 v62, v0;
	_ =	sdelay $0x1  }
0x9f: {  	s14 =	sadd.s32 $0x1, s14;
	v0 =	vadd.f32 v63, v0  }
0xa0: {  	s15 =	sadd.s32 $0x10, s15;
	p0 =	sne.s32 s14, s7  }
.Ltmp2:
0xa1: {  	[tilespmem:s15+$0x0] =	vst v0;
	(pc) =	sbr.rel @p0 .LBB2_1-.Ltmp2, $4  }
0xa2: {  	[hbm4b:s6+s2] =	stream.linear.scatter [tilespmem:s13], [sflag:$0x2], $0x200, $0x38;
	[tilespmem:$0x5280] =	vst v63  }
0xa3: {  	_ =	swait.ge [sflag:s9], $0x200  }
0xa4: {  	[sflag:s9] =	ssyncset.done $0x0  }
0xa5: {  	[sflag:s9] =	ssyncadd.s32 $0xFFFFFE00  }
0xa6: {  	_ =	sfence.sel $0x180000  }
0xa7: {  	[bflag:$0x0] =	sbarrier.arrive $0xFFFF  }
0xa8: {  	p0 =	sne.s32 s0, $0x0;
	_ =	strace $0x90000047  }
0xa9: {  	s0 =	sadd.s32 @!p0 $0x100000, s1;
	[bflag:$0x2] =	sbarrier.arrive $0xFFFF  }
0xaa: {  	[sflag:s0] =	ssyncadd.tile.s32 @!p0 $0x1;
	_ =	shalt  }
.Lfunc_end2:
_tile_overlayer_lowered:
.L_overlay_start_2:
0xab: {  	(tag) =	ssettag $0x2  }
0xac: {  	s0 =	rddreg [dreg:$0x0];
	s2 =	stileid.u32  }
0xad: {  	s1 =	rddreg [dreg:$0x1];
	p0 =	sne.s32 s2, $0x0  }
0xae: {  	s3 =	rddreg [dreg:$0x2];
	[bflag:$0x3] =	sbarrier.arrive $0xFFFF;
	s2 =	simm.s32 @!p0 $0x1C02  }
0xaf: {  	[timem:s3], [sflag:s2] =	dma.local @!p0 [hbm:s0], s1  }
0xb0: {  	s0 =	simm.s32 @!p0 $0x2  }
0xb1: {  	_ =	swait.ge @!p0 [sflag:s0], s1  }
0xb2: {  	s1 =	ssub.s32 @!p0 $0x0, s1;
	[sflag:s0] =	ssyncset.done @!p0 $0x0  }
0xb3: {  	[sflag:s0] =	ssyncadd.s32 @!p0 s1  }
0xb4: {  	[bflag:$0x3] =	sbarrier.arrive $0xFFFF  }
0xb5: {  	_ =	shalt  }

// kernel: kernel.9.cloned.1.call-start
scs
__scs_entry_jumppad:
0x0: {  	(pc) =	sbr.rel $0x88, $3  }
0x1: {  	(tag) =	ssettag $0x0;
	lr =	simm.s32 $0x1  }
0x2: {  	[smem:$0x3F9E] =	sst lr;
	_ =	strace $0xD0000000  }
0x3: {  	_ = 	snop  }
0x4: {  	_ = 	snop  }
0x5: {  	_ = 	snop  }
0x6: {  	_ = 	snop  }
0x7: {  	_ = 	snop  }
__scs_overlays_trampoline_lowered:
0x8: {  	[smem:$0x3FAD] =	sst s0  }
0x9: {  	[smem:$0x3FAE] =	sst s1  }
0xa: {  	[smem:$0x3FAF] =	sst s2  }
0xb: {  	[smem:$0x3FB0] =	sst s3  }
0xc: {  	[smem:$0x3FB1] =	sst s4  }
0xd: {  	[smem:$0x3FB2] =	sst s5  }
0xe: {  	[smem:$0x3FB3] =	sst s6  }
0xf: {  	[smem:$0x3FB4] =	sst s7  }
0x10: {  	[smem:$0x3FB5] =	sst s8  }
0x11: {  	[smem:$0x3FB6] =	sst s9;
	s0 =	simm.s32 @!p0 $0x0  }
0x12: {  	s1 =	sld [smem:$0x3F9C];
	s0 =	simm.s32 @p0 $0x1  }
0x13: {  	[smem:$0x3FB7] =	sst s0;
	s0 =	simm.s32 @!p1 $0x0  }
0x14: {  	s2 =	sld [smem:$0x3F9B];
	s0 =	simm.s32 @p1 $0x1  }
0x15: {  	[smem:$0x3FB8] =	sst s0;
	s0 =	simm.s32 @!p2 $0x0  }
0x16: {  	s3 =	sld [smem:$0x3FDB];
	s0 =	simm.s32 @p2 $0x1  }
0x17: {  	s4 =	simm.s32 $0x1BF5;
	[smem:$0x3FBA] =	sst s0  }
0x18: {  	s0 =	sld [smem:$0x3F9D];
	_ =	swait.ge [sflag:s4], $0x0  }
0x19: {  	s7 =	sld [smem:$0x3F9E]  }
0x1a: {  	s8 =	sadd.s32 $0xFFFFE003, lr  }
0x1b: {  	s9 =	sadd.s32 $0xFFFFFEF7, lr;
	s5 =	simm.s32 $0xFFFFFFFF;
	p2 =	slt.u32 s8, $0xFFFFF086  }
0x1c: {  	p1 =	slt.u32 s9, $0xF7A;
	s5 =	simm.s32 @!p2 $0x0  }
0x1d: {  	s5 =	simm.s32 @p1 $0x1;
	p0 =	seq.s32 s7, s2  }
0x1e: {  	s7 =	smul.u32 @!p0 $0xF7A, s2;
	p2 =	seq.s32 @!p0 s5, $0x0  }
0x1f: {  	s9 =	smul.u32 $0xF7A, s1;
	s8 =	simm.s32 @!p0 $0x1BF5;
	p2 =	por !p2, p0  }
0x20: {  	[sflag:s8] =	ssyncset.s32 @!p0 $0xFFFFF086;
	s6 =	sadd.s32 @!p0 s3, s7;
	s7 =	simm.s32 @!p0 $0x108  }
0x21: {  	s3 =	sadd.s32 s3, s9;
	s6 =	sadd.s32 @!p0 $0x88, s6;
	s7 =	simm.s32 @p2 $0x1082  }
0x22: {  	[simem:s7], [sflag:s8] =	dma.local @!p0 [hbm:s6], $0xF7A  }
0x23: {  	s9 =	sor.u32 $0xD0000000, s2;
	s6 =	simm.s32 $0x108;
	_ =	swait.ge @!p0 [sflag:s8], $0x0  }
0x24: {  	s3 =	sadd.s32 $0x88, s3;
	s6 =	simm.s32 @!p1 $0x1082;
	[sflag:s4] =	ssyncset.s32 $0xFFFFF086  }
0x25: {  	[simem:s6], [sflag:s4] =	dma.local [hbm:s3], $0xF7A  }
0x26: {  	[smem:$0x3F9E] =	sst s1;
	(tag) =	ssettag s2;
	_ =	strace s9  }
0x27: {  	s1 =	sld [smem:$0x3FAE]  }
0x28: {  	s2 =	sld [smem:$0x3FAF]  }
0x29: {  	s4 =	sld [smem:$0x3FB1]  }
0x2a: {  	p0 =	seq.s32 s5, $0x0;
	s5 =	sld [smem:$0x3FB2]  }
0x2b: {  	s6 =	sld [smem:$0x3FB3]  }
0x2c: {  	s7 =	sld [smem:$0x3FB4]  }
0x2d: {  	s3 =	simm.s32 $0x108;
	s8 =	sld [smem:$0x3FB5]  }
0x2e: {  	s3 =	simm.s32 @!p0 $0x1082;
	s9 =	sld [smem:$0x3FB6]  }
0x2f: {  	lr =	sadd.s32 s0, s3;
	s0 =	sld [smem:$0x3FAD]  }
0x30: {  	s3 =	sld [smem:$0x3FB0]  }
0x31: {  	[smem:$0x3FB9] =	sst s10  }
0x32: {  	s10 =	sld [smem:$0x3FB7];
	_ =	sdelay $0x3  }
0x33: {  	p0 =	seq.s32 s10, $0x1;
	s10 =	sld [smem:$0x3FB9];
	_ =	sdelay $0x3  }
0x34: {  	[smem:$0x3FB9] =	sst s10  }
0x35: {  	s10 =	sld [smem:$0x3FB8];
	_ =	sdelay $0x3  }
0x36: {  	p1 =	seq.s32 s10, $0x1;
	s10 =	sld [smem:$0x3FB9];
	_ =	sdelay $0x3  }
0x37: {  	[smem:$0x3FB9] =	sst s10  }
0x38: {  	s10 =	sld [smem:$0x3FBA]  }
0x39: {  	_ = 	snop;
	(pc) =	sbr.ind lr, $3  }
0x3a: {  	_ = 	snop  }
0x3b: {  	_ = 	snop  }
0x3c: {  	p2 =	seq.s32 s10, $0x1;
	s10 =	sld [smem:$0x3FB9]  }
0x3d: {  	_ =	shalt  }
0x3e: {  	_ =	shalt  }
0x3f: {  	_ =	shalt  }
0x40: {  	_ =	shalt  }
0x41: {  	_ =	shalt  }
0x42: {  	_ =	shalt  }
0x43: {  	_ =	shalt  }
0x44: {  	_ =	shalt  }
0x45: {  	_ =	shalt  }
0x46: {  	_ =	shalt  }
0x47: {  	_ =	shalt  }
0x48: {  	_ =	shalt  }
0x49: {  	_ =	shalt  }
0x4a: {  	_ =	shalt  }
0x4b: {  	_ =	shalt  }
0x4c: {  	_ =	shalt  }
0x4d: {  	_ =	shalt  }
0x4e: {  	_ =	shalt  }
0x4f: {  	_ =	shalt  }
0x50: {  	_ =	shalt  }
0x51: {  	_ =	shalt  }
0x52: {  	_ =	shalt  }
0x53: {  	_ =	shalt  }
0x54: {  	_ =	shalt  }
0x55: {  	_ =	shalt  }
0x56: {  	_ =	shalt  }
0x57: {  	_ =	shalt  }
0x58: {  	_ =	shalt  }
0x59: {  	_ =	shalt  }
0x5a: {  	_ =	shalt  }
0x5b: {  	_ =	shalt  }
0x5c: {  	_ =	shalt  }
0x5d: {  	_ =	shalt  }
0x5e: {  	_ =	shalt  }
0x5f: {  	_ =	shalt  }
0x60: {  	_ =	shalt  }
0x61: {  	_ =	shalt  }
0x62: {  	_ =	shalt  }
0x63: {  	_ =	shalt  }
0x64: {  	_ =	shalt  }
0x65: {  	_ =	shalt  }
0x66: {  	_ =	shalt  }
0x67: {  	_ =	shalt  }
0x68: {  	_ =	shalt  }
0x69: {  	_ =	shalt  }
0x6a: {  	_ =	shalt  }
0x6b: {  	_ =	shalt  }
0x6c: {  	_ =	shalt  }
0x6d: {  	_ =	shalt  }
0x6e: {  	_ =	shalt  }
0x6f: {  	_ =	shalt  }
0x70: {  	_ =	shalt  }
0x71: {  	_ =	shalt  }
0x72: {  	_ =	shalt  }
0x73: {  	_ =	shalt  }
0x74: {  	_ =	shalt  }
0x75: {  	_ =	shalt  }
0x76: {  	_ =	shalt  }
0x77: {  	_ =	shalt  }
0x78: {  	_ =	shalt  }
0x79: {  	_ =	shalt  }
0x7a: {  	_ =	shalt  }
0x7b: {  	_ =	shalt  }
0x7c: {  	_ =	shalt  }
0x7d: {  	_ =	shalt  }
0x7e: {  	_ =	shalt  }
0x7f: {  	_ =	shalt  }
0x80: {  	_ =	shalt  }
0x81: {  	_ =	shalt  }
0x82: {  	_ =	shalt  }
0x83: {  	_ =	shalt  }
0x84: {  	_ =	shalt  }
0x85: {  	_ =	shalt  }
0x86: {  	_ =	shalt  }
0x87: {  	_ =	shalt  }
.Lfunc_end0:
.L_simem_size_0:
called_computation.1_lowered:
.L_overlay_start_0:
0x88: {  	s2 =	sld [smem:$0x3FD9]  }
0x89: {  	s3 =	sld [smem:$0x3FFE];
	_ =	sdelay $0x1  }
0x8a: {  	s1 =	srdreg.scid  }
0x8b: {  	s0 =	sand.u32 $0x1, s1  }
0x8c: {  	s17 =	sshll.u32 s0, $0xA;
	s2 =	sadd.s32 s3, s2  }
0x8d: {  	s2 =	sadd.s32 s2, s17  }
0x8e: {  	[smem:$0x3FC5] =	sst s2  }
0x8f: {  	_ = 	snop  }
0x90: {  	s2 =	sld [smem:$0x3FD0];
	(tm) =	ssettm $0x1  }
0x91: {  	s18 =	sld [smem:$0x3FFB];
	_ =	sdelay $0x3  }
0x92: {  	_ =	strace s18  }
0x93: {  	s3 =	sld [smem:$0x3FFC];
	_ =	sdelay $0x3  }
0x94: {  	_ =	strace s3  }
0x95: {  	s3 =	sld [smem:$0x3FFD];
	_ =	sdelay $0x3  }
0x96: {  	_ =	strace s3  }
0x97: {  	_ =	strace $0x8FFFFFFF  }
0x98: {  	s19 =	sld [smem:$0x3FDB];
	_ =	sdelay $0x1  }
0x99: {  	s4 =	simm.s32 $_scs_section_size  }
0x9a: {  	s5 =	simm.s32 $_size__tile_overlayer_lowered;
	s6 =	simm.s32 $_tile_overlayer_lowered  }
0x9b: {  	s22 =	simm.s32 $0x1BFF;
	s21 =	sshll.u32 s6, $0x1;
	s3 =	sadd.s32 s4, s19  }
0x9c: {  	s7 =	simm.s32 $0x0;
	s20 =	sshll.u32 s5, $0x1;
	s5 =	sadd.s32 s21, s3  }
0x9d: {  	[timem:s7], [sflag:s22] =	dma.local [hbm:s5], s20  }
0x9e: {  	_ =	swait.ge [sflag:s22], s20  }
0x9f: {  	s4 =	ssub.s32 $0x0, s20;
	[sflag:s22] =	ssyncset.done $0x0  }
0xa0: {  	[sflag:s22] =	ssyncadd.s32 s4;
	_ =	sdelay $0x1  }
0xa1: {  	s23 =	simm.s32 $0x1B8B  }
0xa2: {  	_ =	swait.ge [sflag:s23], $0x1  }
0xa3: {  	[sflag:s23] =	ssyncset.done $0x0  }
0xa4: {  	s25 =	simm.s32 $0x1B8E;
	s24 =	sld [smem:$0x3FFE];
	[sflag:s23] =	ssyncadd.s32 $0xFFFFFFFF  }
0xa5: {  	s26 =	simm.s32 $execute0_lowered;
	[smem:$0x3FD2] =	sst s25  }
0xa6: {  	s5 =	sshll.u32 s26, $0x1;
	_ =	strace $0x80000049;
	[dreg:$0x1] =	wrdreg $0xFFFFFFFF  }
0xa7: {  	s28 =	simm.s32 $_size_execute0_lowered;
	s3 =	sadd.s32 s3, s5;
	[dreg:$0x0] =	wrdreg $0x0  }
0xa8: {  	s5 =	sshll.u32 s28, $0x1;
	[dreg:$0x2] =	wrdreg s3  }
0xa9: {  	[dreg:$0x3] =	wrdreg s5  }
0xaa: {  	[dreg:$0x4] =	wrdreg $0xC0  }
0xab: {  	_ =	task [dreg:s7], $0x5FFFF  }
0xac: {  	[dreg:$0x1] =	wrdreg $0xFFFFFFFF  }
0xad: {  	[dreg:$0x0] =	wrdreg $0x60  }
0xae: {  	[dreg:$0x2] =	wrdreg s24  }
0xaf: {  	[dreg:$0x3] =	wrdreg s2  }
0xb0: {  	[dreg:$0x4] =	wrdreg $0x9  }
0xb1: {  	_ =	task.clear_ibuf [dreg:s7], $0x5FFFF;
	_ =	strace $0x90000049  }
0xb2: {  	s29 =	simm.s32 $0x9;
	_ =	strace $0x8000004B  }
0xb3: {  	_ =	swait.ge [sflag:s29], $0x1  }
0xb4: {  	[sflag:s29] =	ssyncadd.s32 $0xFFFFFFFF  }
0xb5: {  	_ =	strace $0x9000004B  }
0xb6: {  	_ =	sfence  }
0xb7: {  	s30 =	sld [smem:$0x0];
	_ =	sdelay $0x2  }
0xb8: {  	s31 =	sshll.u32 s1, $0xD;
	s1 =	sshrl.u32 s1, $0x2  }
0xb9: {  	s3 =	sand.u32 $0x4000, s31;
	s1 =	sadd.s32 s1, s30  }
0xba: {  	s0 =	sor.u32 s3, s0;
	s1 =	sshll.u32 s1, $0x11  }
0xbb: {  	s0 =	sor.u32 s1, s0  }
0xbc: {  	s0 =	sadd.s32 $0x8F2B, s0  }
0xbd: {  	[sflag:s0] =	ssyncadd.remote.s32 $0x1  }
0xbe: {  	_ =	sfence.sel $0xFFFF  }
0xbf: {  	[dreg:$0x0] =	wrdreg $0xFFFFFFFF;
	(pc) =	sbr.abs _section_cstart, $3  }
0xc0: {  	[dreg:$0x1] =	wrdreg $0xFFFFFFFF  }
0xc1: {  	_ =	task.clear_ibuf [dreg:s7], $0x2FFFF;
	_ =	strace $0x9FFFFFFF  }
0xc2: {  	(tm) =	ssettm $0x7FFFFFFF  }
0xc3: {  	_ =	shalt  }
tec
execute0_lowered:
.L_overlay_start_1:
0x0: {  	(tag) =	ssettag $0x1  }
0x1: {  	s1 =	srdreg.scid;
	s5 =	rddreg [dreg:$0x0]  }
0x2: {  	s0 =	stileid.u32;
	s7 =	rddreg [dreg:$0x1];
	s12 =	simm.s32 $0x400  }
0x3: {  	s13 =	simm.s32 $0x1A00;
	s14 =	simm.s32 $0x1;
	s15 =	simm.s32 $0x1800  }
0x4: {  	s3 =	sand.u32 $0x1, s1;
	s30 =	sshll.u32 s0, $0x1;
	s31 =	sshrl.u32 s0, $0x2  }
0x5: {  	s16 =	simm.s32 $0x0;
	s4 =	sor.u32 s3, s30;
	s1 =	smul.u32 $0x1A000, s31  }
0x6: {  	s8 =	ssub.s32 $0x2, s3;
	s3 =	sadd.s32 $0x270C00, s5;
	s2 =	sshll.u32 s4, $0x7  }
0x7: {  	s9 =	sshll.u32 s4, $0x6;
	s10 =	sshrl.u32 s8, $0x1;
	s4 =	sadd.s32 $0x270200, s5  }
0x8: {  	s2 =	sand.u32 $0x380, s2;
	s11 =	sadd.s32 s9, s5;
	s8 =	ssub.s32 s8, s10  }
0x9: {  	s7 =	sadd.s32 s7, s9;
	s9 =	simm.s32 $0x1C00;
	s6 =	sor.u32 s2, s1  }
0xa: {  	s1 =	rddreg [dreg:$0x2];
	s2 =	simm.s32 $0x0;
	s6 =	sadd.s32 $0x14000, s6  }
0xb: {  	s10 =	simm.s32 $0x2;
	[smem:$0x7FF] =	sst s2;
	s6 =	sshrl.u32 s6, $0x3  }
0xc: {  	s8 =	smax.u32 s8, $0x1;
	_ =	strace $0x8000004A;
	s6 =	sadd.s32 s6, s5  }
0xd: {  	s5 =	sadd.s32 $0x263200, s6;
	s6 =	sadd.s32 $0x270400, s11;
	s11 =	simm.s32 $0x80  }
.LBB2_1:
0xe: {  	[tilespmem:s9], [sflag:$0x2] =	stream.linear.gather [hbm4b:s4+s2], $0x80, $0x38;
	[tilespmem:$0x1C80] =	vst v63  }
0xf: {  	_ =	swait.ge [sflag:s10], $0x80  }
0x10: {  	[sflag:s10] =	ssyncset.done $0x0  }
0x11: {  	[sflag:s10] =	ssyncadd.s32 $0xFFFFFF80  }
0x12: {  	[tilespmem:s2], [sflag:$0x2] =	stream.strided.gather [hbm4b:s5+s11], $0xC00, s12, s11, $0x38;
	[tilespmem:$0x1C80] =	vst v63  }
0x13: {  	_ =	swait.ge [sflag:s10], $0xC00  }
0x14: {  	[sflag:s10] =	ssyncset.done $0x0  }
0x15: {  	[sflag:s10] =	ssyncadd.s32 $0xFFFFF400  }
0x16: {  	[tilespmem:s13], [sflag:$0x2] =	stream.linear.gather [hbm4b:s6+s2], $0x200, $0x38;
	[tilespmem:$0x1C80] =	vst v63  }
0x17: {  	_ =	swait.ge [sflag:s10], $0x200  }
0x18: {  	[sflag:s10] =	ssyncset.done $0x0  }
0x19: {  	[sflag:s10] =	ssyncadd.s32 $0xFFFFFE00  }
0x1a: {  	s18 =	simm.s32 $0x1;
	s19 =	simm.s32 $0x0;
	s17 =	simm.s32 $0x0;
	v0 =	vld [tilespmem:s2+$0x0]  }
.LBB2_2:
0x1b: {  	p0 =	sne.s32 s18, $0xBF;
	s20 =	sshrl.u32 s19, $0x5  }
0x1c: {  	s19 =	smov.u32 s18;
	s20 =	smul.u32 $0xF4280, s20  }
.Ltmp0:
0x1d: {  	(pc) =	sbr.rel @p0 .LBB2_2-.Ltmp0, $4  }
0x1e: {  	_ = 	snop  }
0x1f: {  	v0 =	vadd.s32 s20, v0  }
0x20: {  	[tilespmem:s17+$0x0] =	vst v0;
	s17 =	sadd.s32 $0x10, s17  }
0x21: {  	s18 =	sadd.s32 $0x1, s18;
	v0 =	vld [tilespmem:s17+$0x0]  }
0x22: {  	_ = 	snop  }
0x23: {  	s18 =	sshrl.u32 s19, $0x5  }
0x24: {  	s18 =	smul.u32 $0xF4280, s18;
	_ =	sdelay $0x1  }
0x25: {  	v0 =	vadd.s32 s18, v0  }
0x26: {  	s30 =	simm.s32 $0x0;
	[tilespmem:s17+$0x0] =	vst v0;
	s17 =	simm.s32 $0xC00  }
0x27: {  	[tilespmem:s17], [sflag:$0x1] =	stream.indirect.gather [hbm4b:s3+s17], $0x1, s30, s17, $0xb8;
	[tilespmem:$0x1C80] =	vst v63  }
0x28: {  	_ =	swait.ge [sflag:s14], $0xC00  }
0x29: {  	[sflag:s14] =	ssyncset.done $0x0  }
0x2a: {  	[sflag:s14] =	ssyncadd.s32 $0xFFFFF400  }
0x2b: {  	s31 =	simm.s32 $0x1A00;
	v0 =	vld [tilespmem:$0x1C00]  }
0x2c: {  	v1 =	vld [tilespmem:s31+$0x0];
	_ =	sdelay $0x1  }
0x2d: {  	v2 =	vld [tilespmem:s17+$0x0]  }
0x2e: {  	s18 =	sand.u32 $0x1F0, s30  }
0x2f: {  	v3 =	vld [tilespmem:s18+$0xE00]  }
0x30: {  	v1 =	vadd.f32 v1, v0  }
0x31: {  	v4 =	vld [tilespmem:s18+$0x1000]  }
0x32: {  	v1 =	vadd.f32 v2, v1  }
0x33: {  	v2 =	vld [tilespmem:s18+$0x1200]  }
0x34: {  	v1 =	vadd.f32 v3, v1  }
0x35: {  	v3 =	vld [tilespmem:s18+$0x1400]  }
0x36: {  	v1 =	vadd.f32 v4, v1  }
0x37: {  	v63 =	vld [tilespmem:s18+$0x1600]  }
0x38: {  	v1 =	vadd.f32 v2, v1;
	_ =	sdelay $0x1  }
0x39: {  	v1 =	vadd.f32 v3, v1;
	_ =	sdelay $0x1  }
0x3a: {  	v1 =	vadd.f32 v63, v1;
	_ =	sdelay $0x1  }
0x3b: {  	v1 =	vsub.f32 $0.0e+00, v1;
	_ =	sdelay $0x1  }
0x3c: {  	v1 =	vmul.f32 $1.442695020e+00, v1;
	_ =	sdelay $0x1  }
0x3d: {  	(erf) = vpow2.f32 v1;
	_ =	sdelay $0x8  }
0x3e: {  	v1 =	vpop (erf)  }
0x3f: {  	v1 =	vadd.f32 $1.000000000e+00, v1;
	_ =	sdelay $0x1  }
0x40: {  	(erf) = vrcp.f32 v1;
	_ =	sdelay $0x8  }
0x41: {  	s18 =	simm.s32 $0x1800;
	v1 =	vpop (erf)  }
0x42: {  	s20 =	simm.s32 $0x1A10;
	[tilespmem:s18+$0x0] =	vst v1  }
0x43: {  	s19 =	simm.s32 $0x10;
	s21 =	simm.s32 $0x20;
	v1 =	vld [tilespmem:s20+$0x0]  }
.LBB2_4:
0x44: {  	p0 =	sne.s32 s21, $0x1F0;
	s17 =	sadd.s32 $0x10, s17  }
0x45: {  	v2 =	vld [tilespmem:s17+$0x0]  }
0x46: {  	s22 =	sand.u32 $0x1F0, s19;
	s19 =	smov.u32 s21  }
0x47: {  	v3 =	vld [tilespmem:s22+$0xE00]  }
0x48: {  	v1 =	vadd.f32 v1, v0  }
0x49: {  	v4 =	vld [tilespmem:s22+$0x1000]  }
0x4a: {  	v1 =	vadd.f32 v2, v1  }
0x4b: {  	v2 =	vld [tilespmem:s22+$0x1200]  }
0x4c: {  	v1 =	vadd.f32 v3, v1  }
0x4d: {  	v3 =	vld [tilespmem:s22+$0x1400]  }
0x4e: {  	v1 =	vadd.f32 v4, v1  }
0x4f: {  	v4 =	vld [tilespmem:s22+$0x1600]  }
0x50: {  	v1 =	vadd.f32 v2, v1;
	_ =	sdelay $0x1  }
0x51: {  	v1 =	vadd.f32 v3, v1;
	_ =	sdelay $0x1  }
0x52: {  	v1 =	vadd.f32 v4, v1;
	_ =	sdelay $0x1  }
0x53: {  	v1 =	vsub.f32 $0.0e+00, v1;
	_ =	sdelay $0x1  }
0x54: {  	v1 =	vmul.f32 $1.442695020e+00, v1;
	_ =	sdelay $0x1  }
0x55: {  	(erf) = vpow2.f32 v1;
	_ =	sdelay $0x8  }
0x56: {  	v1 =	vpop (erf)  }
0x57: {  	v1 =	vadd.f32 $1.000000000e+00, v1;
	_ =	sdelay $0x1  }
0x58: {  	(erf) = vrcp.f32 v1;
	_ =	sdelay $0x6  }
.Ltmp1:
0x59: {  	(pc) =	sbr.rel @p0 .LBB2_4-.Ltmp1, $4  }
0x5a: {  	_ = 	snop  }
0x5b: {  	s18 =	sadd.s32 $0x10, s18;
	v1 =	vpop (erf)  }
0x5c: {  	s20 =	sadd.s32 $0x10, s20;
	[tilespmem:s18+$0x0] =	vst v1  }
0x5d: {  	s21 =	sadd.s32 $0x10, s21;
	v1 =	vld [tilespmem:s20+$0x0]  }
0x5e: {  	s17 =	sadd.s32 $0x10, s17  }
0x5f: {  	v2 =	vld [tilespmem:s17+$0x0]  }
0x60: {  	s30 =	sand.u32 $0x1F0, s19  }
0x61: {  	v3 =	vld [tilespmem:s30+$0xE00]  }
0x62: {  	v0 =	vadd.f32 v1, v0  }
0x63: {  	v60 =	vld [tilespmem:s30+$0x1000]  }
0x64: {  	v0 =	vadd.f32 v2, v0  }
0x65: {  	v61 =	vld [tilespmem:s30+$0x1200]  }
0x66: {  	v0 =	vadd.f32 v3, v0  }
0x67: {  	v62 =	vld [tilespmem:s30+$0x1400]  }
0x68: {  	v0 =	vadd.f32 v60, v0  }
0x69: {  	v63 =	vld [tilespmem:s30+$0x1600]  }
0x6a: {  	v0 =	vadd.f32 v61, v0;
	_ =	sdelay $0x1  }
0x6b: {  	v0 =	vadd.f32 v62, v0;
	_ =	sdelay $0x1  }
0x6c: {  	v0 =	vadd.f32 v63, v0;
	_ =	sdelay $0x1  }
0x6d: {  	v0 =	vsub.f32 $0.0e+00, v0;
	_ =	sdelay $0x1  }
0x6e: {  	v0 =	vmul.f32 $1.442695020e+00, v0;
	_ =	sdelay $0x1  }
0x6f: {  	(erf) = vpow2.f32 v0;
	_ =	sdelay $0x8  }
0x70: {  	v0 =	vpop (erf)  }
0x71: {  	v0 =	vadd.f32 $1.000000000e+00, v0;
	_ =	sdelay $0x1  }
0x72: {  	(erf) = vrcp.f32 v0;
	_ =	sdelay $0x7  }
0x73: {  	s16 =	sadd.s32 $0x1, s16  }
0x74: {  	s31 =	sadd.s32 $0x10, s18;
	p0 =	sne.s32 s16, s8;
	v0 =	vpop (erf)  }
.Ltmp2:
0x75: {  	[tilespmem:s31+$0x0] =	vst v0;
	(pc) =	sbr.rel @p0 .LBB2_1-.Ltmp2, $4  }
0x76: {  	[hbm4b:s7+s2] =	stream.linear.scatter [tilespmem:s15], [sflag:$0x2], $0x200, $0x38;
	[tilespmem:$0x1C80] =	vst v63  }
0x77: {  	_ =	swait.ge [sflag:s10], $0x200  }
0x78: {  	[sflag:s10] =	ssyncset.done $0x0  }
0x79: {  	[sflag:s10] =	ssyncadd.s32 $0xFFFFFE00  }
0x7a: {  	_ =	sfence.sel $0x180000  }
0x7b: {  	[bflag:$0x0] =	sbarrier.arrive $0xFFFF  }
0x7c: {  	p0 =	sne.s32 s0, $0x0;
	_ =	strace $0x9000004A  }
0x7d: {  	s0 =	sadd.s32 @!p0 $0x100000, s1;
	[bflag:$0x2] =	sbarrier.arrive $0xFFFF  }
0x7e: {  	[sflag:s0] =	ssyncadd.tile.s32 @!p0 $0x1;
	_ =	shalt  }
.Lfunc_end2:
_tile_overlayer_lowered:
.L_overlay_start_2:
0x7f: {  	(tag) =	ssettag $0x2  }
0x80: {  	s0 =	rddreg [dreg:$0x0];
	s2 =	stileid.u32  }
0x81: {  	s1 =	rddreg [dreg:$0x1];
	p0 =	sne.s32 s2, $0x0  }
0x82: {  	s3 =	rddreg [dreg:$0x2];
	[bflag:$0x3] =	sbarrier.arrive $0xFFFF;
	s2 =	simm.s32 @!p0 $0x1C02  }
0x83: {  	[timem:s3], [sflag:s2] =	dma.local @!p0 [hbm:s0], s1  }
0x84: {  	s0 =	simm.s32 @!p0 $0x2  }
0x85: {  	_ =	swait.ge @!p0 [sflag:s0], s1  }
0x86: {  	s1 =	ssub.s32 @!p0 $0x0, s1;
	[sflag:s0] =	ssyncset.done @!p0 $0x0  }
0x87: {  	[sflag:s0] =	ssyncadd.s32 @!p0 s1  }
0x88: {  	[bflag:$0x3] =	sbarrier.arrive $0xFFFF  }
0x89: {  	_ =	shalt  }

</sc_bundles>
